<compile_context>
chip_gen: v7x
topology: tpu7x:2x2x1
jax: 0.10.2.dev20260603
libtpu: 0.0.44.dev20260713+nightly
codegen_flags: <defaults>
</compile_context>

<pallas_src>
import jax
import jax.numpy as jnp
from jax import lax
from jax.experimental import pallas as pl
from jax.experimental.pallas import tpu as pltpu
from jax.experimental.pallas import tpu_sc as plsc

N_NODES = 10000
N_EDGES = 160000
HID = 32
D_EDGE = 16

NC = 2
NS = 16
NW = NC * NS

CH = 125
EPW = N_EDGES // NW
NCHUNK_W = EPW // CH
GRP = 8
GRP_ROWS = GRP * CH
NGRP = NCHUNK_W // GRP
NGRP_ALL = NW * NGRP
EF4_R = GRP_ROWS // 4
NPR = N_EDGES * HID // 128
NPN = N_NODES * HID // 128
RPT = 624
TAIL_BASE = NS * RPT
TAIL = N_NODES - TAIL_BASE


def _sc_mesh():
    return plsc.VectorSubcoreMesh(
        core_axis_name="c", subcore_axis_name="s", num_cores=NC, num_subcores=NS)


def _gather_body(nf_hbm, src_hbm, eft_hbm, out_hbm, ef4_hbm,
                 idx_v, rows_v, efslab, ef4b, sem, sem_wb):
    c = lax.axis_index("c")
    s = lax.axis_index("s")
    wid = s * NC + c
    pltpu.sync_copy(src_hbm.at[pl.ds(wid * NCHUNK_W, NCHUNK_W)], idx_v)
    d_iota = lax.iota(jnp.int32, 16)

    for g in range(NGRP):
        buf = g % 2
        if g >= 2:
            pltpu.make_async_copy(
                rows_v.at[buf],
                out_hbm.at[pl.ds(wid * EPW + (g - 2) * GRP_ROWS, GRP_ROWS)],
                sem_wb).wait()
        cps = [pltpu.async_copy(nf_hbm.at[idx_v.at[g * GRP + k]],
                                rows_v.at[buf].at[pl.ds(k * CH, CH)], sem)
               for k in range(GRP)]
        pltpu.sync_copy(
            eft_hbm.at[:, pl.ds(wid * EPW + g * GRP_ROWS, GRP_ROWS)], efslab)

        def repack(r, carry2):
            for q in range(4):
                v = plsc.load_gather(
                    efslab, [d_iota, jnp.full((16,), 4 * r + q, jnp.int32)])
                ef4b[r, pl.ds(16 * q, 16)] = v
            return carry2

        lax.fori_loop(0, EF4_R, repack, 0)
        pltpu.sync_copy(ef4b, ef4_hbm.at[wid * NGRP + g])
        for cp in cps:
            cp.wait()
        pltpu.async_copy(rows_v.at[buf],
                         out_hbm.at[pl.ds(wid * EPW + g * GRP_ROWS, GRP_ROWS)],
                         sem_wb)
    for g in range(NGRP - 2, NGRP):
        pltpu.make_async_copy(
            rows_v.at[g % 2],
            out_hbm.at[pl.ds(wid * EPW + g * GRP_ROWS, GRP_ROWS)],
            sem_wb).wait()


@jax.jit
def _gather(nf, src2d, eft):
    return pl.kernel(
        _gather_body,
        out_type=(jax.ShapeDtypeStruct((N_EDGES, HID), jnp.float32),
                  jax.ShapeDtypeStruct((NGRP_ALL, EF4_R, 64), jnp.float32)),
        mesh=_sc_mesh(),
        compiler_params=pltpu.CompilerParams(use_tc_tiling_on_sc=False,
                                             needs_layout_passes=False),
        scratch_types=[
            pltpu.VMEM((NCHUNK_W, CH), jnp.int32),
            pltpu.VMEM((2, GRP_ROWS, HID), jnp.float32),
            pltpu.VMEM((D_EDGE, GRP_ROWS), jnp.float32),
            pltpu.VMEM((EF4_R, 64), jnp.float32),
            pltpu.SemaphoreType.DMA,
            pltpu.SemaphoreType.DMA,
        ],
    )(nf, src2d, eft)


_MM_BLK = 4000
_MM_G = _MM_BLK // EF4_R


def _mm_body(x_ref, ef_ref, w_ref, r_ref, b_ref, m_ref):
    x = x_ref[...]
    ef = ef_ref[...].reshape(_MM_BLK, 64)
    acc = jnp.dot(x, b_ref[...], preferred_element_type=jnp.float32)
    for p in range(D_EDGE // 2):
        sp = jnp.dot(ef, r_ref[p], preferred_element_type=jnp.float32)
        zz = jnp.concatenate([sp[:, :128] * x, sp[:, 128:] * x], axis=1)
        acc += jnp.dot(zz, w_ref[p], preferred_element_type=jnp.float32)
    m_ref[...] = acc


@jax.jit
def _matmul(x4, ef4, w4p, rp, b4):
    return pl.pallas_call(
        _mm_body,
        grid=(NPR // _MM_BLK,),
        in_specs=[
            pl.BlockSpec((_MM_BLK, 128), lambda i: (i, 0)),
            pl.BlockSpec((_MM_G, EF4_R, 64), lambda i: (i, 0, 0)),
            pl.BlockSpec((D_EDGE // 2, 256, 128), lambda i: (0, 0, 0)),
            pl.BlockSpec((D_EDGE // 2, 64, 256), lambda i: (0, 0, 0)),
            pl.BlockSpec((128, 128), lambda i: (0, 0)),
        ],
        out_specs=pl.BlockSpec((_MM_BLK, 128), lambda i: (i, 0)),
        out_shape=jax.ShapeDtypeStruct((NPR, 128), jnp.float32),
    )(x4, ef4, w4p, rp, b4)


def _scatter_body(m_hbm, dst_hbm, zeros_hbm, part_hbm, idx_v, rows_v, agg_sh,
                  sem_ld):
    c = lax.axis_index("c")
    s = lax.axis_index("s")
    wid = s * NC + c
    pltpu.sync_copy(zeros_hbm.at[pl.ds(s * RPT, RPT)],
                    agg_sh.at[pl.ds(s * RPT, RPT)])

    @pl.when(s == 0)
    def _():
        pltpu.sync_copy(zeros_hbm.at[pl.ds(TAIL_BASE, TAIL)],
                        agg_sh.at[pl.ds(TAIL_BASE, TAIL)])

    pltpu.sync_copy(dst_hbm.at[pl.ds(wid * NCHUNK_W, NCHUNK_W)], idx_v)
    plsc.subcore_barrier()

    pltpu.async_copy(m_hbm.at[pl.ds(wid * EPW, GRP_ROWS)],
                     rows_v.at[0], sem_ld)
    for g in range(NGRP):
        buf = g % 2
        pltpu.make_async_copy(
            m_hbm.at[pl.ds(wid * EPW + g * GRP_ROWS, GRP_ROWS)],
            rows_v.at[buf], sem_ld).wait()
        if g + 1 < NGRP:
            pltpu.async_copy(
                m_hbm.at[pl.ds(wid * EPW + (g + 1) * GRP_ROWS, GRP_ROWS)],
                rows_v.at[1 - buf], sem_ld)
        for k in range(GRP):
            pltpu.sync_copy(rows_v.at[buf].at[pl.ds(k * CH, CH)],
                            agg_sh.at[idx_v.at[g * GRP + k]], add=True)
    plsc.subcore_barrier()
    pltpu.sync_copy(agg_sh.at[pl.ds(s * RPT, RPT)],
                    part_hbm.at[c].at[pl.ds(s * RPT, RPT)])

    @pl.when(s == 0)
    def _():
        pltpu.sync_copy(agg_sh.at[pl.ds(TAIL_BASE, TAIL)],
                        part_hbm.at[c].at[pl.ds(TAIL_BASE, TAIL)])


@jax.jit
def _scatter(m, dst2d, zeros):
    return pl.kernel(
        _scatter_body,
        out_type=jax.ShapeDtypeStruct((NC, N_NODES, HID), jnp.float32),
        mesh=_sc_mesh(),
        compiler_params=pltpu.CompilerParams(use_tc_tiling_on_sc=False),
        scratch_types=[
            pltpu.VMEM((NCHUNK_W, CH), jnp.int32),
            pltpu.VMEM((2, GRP_ROWS, HID), jnp.float32),
            pltpu.VMEM_SHARED((N_NODES, HID), jnp.float32),
            pltpu.SemaphoreType.DMA,
        ],
    )(m, dst2d, zeros)


def _comb_body(p_ref, nf_ref, b_ref, o_ref):
    o_ref[...] = p_ref[0] + p_ref[1] + nf_ref[...] + b_ref[...]


@jax.jit
def _combine(part4, nf4, bias4):
    return pl.pallas_call(
        _comb_body,
        out_shape=jax.ShapeDtypeStruct((NPN, 128), jnp.float32),
    )(part4, nf4, bias4)


def kernel(nf, edge_index, initial_ef, W_edge, b_edge, bias):
    src2d = edge_index[0].astype(jnp.int32).reshape(N_EDGES // CH, CH)
    dst2d = edge_index[1].astype(jnp.int32).reshape(N_EDGES // CH, CH)

    w3 = W_edge.reshape(D_EDGE, HID, HID)
    eye4 = jnp.eye(4, dtype=jnp.float32)
    w4 = jnp.einsum('qr,dio->dqiro', eye4, w3).reshape(D_EDGE, 128, 128)
    w4p = w4.reshape(D_EDGE // 2, 256, 128)
    b4 = jnp.einsum('qr,io->qiro', eye4,
                    b_edge.reshape(HID, HID)).reshape(128, 128)
    j_ids = jnp.arange(64)[None, :, None]
    l_ids = jnp.arange(256)[None, None, :]
    p_ids = jnp.arange(D_EDGE // 2)[:, None, None]
    d_ids = 2 * p_ids + l_ids // 128
    rp = (j_ids == 16 * ((l_ids % 128) // 32) + d_ids).astype(jnp.float32)

    eft = initial_ef.T
    nf4 = nf.reshape(NPN, 128)
    zeros = jnp.zeros((N_NODES, HID), jnp.float32)
    bias4 = jnp.tile(bias, 4).reshape(1, 128)

    x_src, ef4 = _gather(nf, src2d, eft)
    x4 = x_src.reshape(NPR, 128)
    m = _matmul(x4, ef4, w4p, rp, b4).reshape(N_EDGES, HID)
    part4 = _scatter(m, dst2d, zeros).reshape(NC, NPN, 128)
    out4 = _combine(part4, nf4, bias4)
    return out4.reshape(N_NODES, HID)

# --- scband reference (transcript-rebuilt; emitter-appended) ---
"""Pipeline reference for scband-dglmpnnlayer-88347477279350 (READ-ONLY COPY).

The authoritative reference and input builder live on the scoring server;
editing this copy changes nothing except your own understanding.
"""

import jax, jax.numpy as jnp
import numpy as np

N_NODES = 10000
N_EDGES = 160000
HID = 32
D_EDGE = 16

def setup_inputs(seed: int = 0) -> dict:
    key = jax.random.key(seed)
    k0, k1, k2, k3, k4 = jax.random.split(key, 5)
    nf = jax.random.normal(k0, (N_NODES, HID), dtype=jnp.float32)
    edge_index = jax.random.randint(k1, (2, N_EDGES), 0, N_NODES, dtype=jnp.int64)
    initial_ef = jax.random.normal(k2, (N_EDGES, D_EDGE), dtype=jnp.float32)
    # edge_func = nn.Linear(D_EDGE, HID*HID)
    W_edge = jax.random.normal(k3, (D_EDGE, HID * HID), dtype=jnp.float32) * 0.05
    b_edge = jnp.zeros((HID * HID,), dtype=jnp.float32)
    # NNConv output bias
    bias = jnp.zeros((HID,), dtype=jnp.float32)
    return {"nf": nf, "edge_index": edge_index, "initial_ef": initial_ef,
            "W_edge": W_edge, "b_edge": b_edge, "bias": bias}

def reference(nf, edge_index, initial_ef, W_edge, b_edge, bias):
    # DGL NNConv(in=HID, out=HID, edge_func, 'sum', residual=True)
    E = initial_ef.shape[0]
    # per-edge weight matrices: edge_func(e).reshape(E, in, out)
    We = (initial_ef @ W_edge + b_edge).reshape(E, HID, HID)
    src = edge_index[0]
    dst = edge_index[1]
    x_src = jnp.take(nf, src, axis=0)                 # gather [E, HID]
    m = jnp.einsum('ei,eio->eo', x_src, We)           # per-edge message
    agg = jax.ops.segment_sum(m, dst, num_segments=nf.shape[0])  # scatter-add 'sum'
    # residual (in==out -> identity) + bias
    rst = agg + nf + bias
    return rst

if __name__ == "__main__":
    import jax
    _d = setup_inputs()
    print(jax.jit(kernel)(*tuple(_d.values())))

</pallas_src>

<mosaic_0001>
#map = affine_map<(d0, d1) -> (0, 0)>
#map1 = affine_map<(d0, d1) -> (0, 0, 0)>
module attributes {stable_mosaic.version = 14 : i64} {
  func.func @_gather_body(%arg0: i32, %arg1: i32, %arg2: memref<10000x32xf32, #tpu.memory_space<hbm>>, %arg3: memref<1280x125xi32, #tpu.memory_space<hbm>>, %arg4: memref<16x160000xf32, #tpu.memory_space<hbm>>, %arg5: memref<160000x32xf32, #tpu.memory_space<hbm>>, %arg6: memref<160x250x64xf32, #tpu.memory_space<hbm>>, %arg7: memref<40x125xi32, #tpu.memory_space<vmem>>, %arg8: memref<2x1000x32xf32, #tpu.memory_space<vmem>>, %arg9: memref<16x1000xf32, #tpu.memory_space<vmem>>, %arg10: memref<250x64xf32, #tpu.memory_space<vmem>>, %arg11: memref<!tpu.dma_semaphore, #tpu.memory_space<semaphore_mem>>, %arg12: memref<!tpu.dma_semaphore, #tpu.memory_space<semaphore_mem>>) attributes {dimension_semantics = [#tpu.dimension_semantics<core_parallel>, #tpu.dimension_semantics<subcore_parallel>], iteration_bounds = array<i64: 2, 16>, scalar_prefetch = 0 : i64, scratch_operands = 6 : i64, tpu.core_type = #tpu.core_type<sc_vector_subcore>, window_params = [{transform_indices = #map}, {transform_indices = #map}, {transform_indices = #map}, {transform_indices = #map}, {transform_indices = #map1}]} {
    %mul3A = arith.constant 2 : i32
    %mul3A_0 = arith.muli %arg1, %mul3A : i32
    %add3A = arith.addi %mul3A_0, %arg0 : i32
    %mul3A_1 = arith.constant 40 : i32
    %mul3A_2 = arith.muli %add3A, %mul3A_1 : i32
    "tpu.region"() ({
      %run_scoped3A = tpu.sem_alloc : memref<!tpu.dma_semaphore, #tpu.memory_space<semaphore_mem>>
      %dma_start3A_1440 = arith.constant 0 : i32
      %dma_start3A_1441 = tpu.memref_slice %arg3[%mul3A_2, %dma_start3A_1440] : memref<1280x125xi32, #tpu.memory_space<hbm>> -> memref<40x125xi32, #tpu.memory_space<hbm>>
      %dma_start3A_1442 = arith.constant 0 : i32
      %dma_start3A_1443 = tpu.memref_slice %arg3[%mul3A_2, %dma_start3A_1442] : memref<1280x125xi32, #tpu.memory_space<hbm>> -> memref<40x125xi32, #tpu.memory_space<hbm>>
      tpu.enqueue_dma source(%dma_start3A_1443 : memref<40x125xi32, #tpu.memory_space<hbm>>) target(%arg7 : memref<40x125xi32, #tpu.memory_space<vmem>>) target_semaphore(%run_scoped3A : memref<!tpu.dma_semaphore, #tpu.memory_space<semaphore_mem>>)
      %dma_wait3A_1444 = arith.constant 0 : i32
      %dma_wait3A_1445 = tpu.memref_slice %arg3[%mul3A_2, %dma_wait3A_1444] : memref<1280x125xi32, #tpu.memory_space<hbm>> -> memref<40x125xi32, #tpu.memory_space<hbm>>
      %dma_wait3A_1446 = arith.constant 0 : i32
      %dma_wait3A_1447 = tpu.memref_slice %arg3[%mul3A_2, %dma_wait3A_1446] : memref<1280x125xi32, #tpu.memory_space<hbm>> -> memref<40x125xi32, #tpu.memory_space<hbm>>
      tpu.wait_dma2 semaphore(%run_scoped3A : memref<!tpu.dma_semaphore, #tpu.memory_space<semaphore_mem>>) src(%dma_wait3A_1447 : memref<40x125xi32, #tpu.memory_space<hbm>>) dst(%arg7 : memref<40x125xi32, #tpu.memory_space<vmem>>)
      tpu.yield
    }) : () -> ()
    %iota3A = tpu.iota {dimensions = array<i32: 0>} : vector<16xi32>
    %dma_start3A = arith.constant 0 : i32
    %dma_start3A_3 = arith.constant 0 : i32
    %dma_start3A_4 = arith.constant 0 : i32
    %dma_start3A_5 = arith.constant 0 : i32
    %dma_start3A_6 = tpu.memref_slice %arg8[%dma_start3A_3, %dma_start3A_4, %dma_start3A_5] : memref<2x1000x32xf32, #tpu.memory_space<vmem>> -> memref<1x1000x32xf32, #tpu.memory_space<vmem>>
    %dma_start3A_7 = tpu.memref_squeeze %dma_start3A_6 : memref<1x1000x32xf32, #tpu.memory_space<vmem>> -> memref<1000x32xf32, #tpu.memory_space<vmem>>
    %dma_start3A_8 = arith.constant 0 : i32
    %dma_start3A_9 = arith.constant 0 : i32
    %dma_start3A_10 = tpu.memref_slice %dma_start3A_7[%dma_start3A_8, %dma_start3A_9] : memref<1000x32xf32, #tpu.memory_space<vmem>> -> memref<125x32xf32, #tpu.memory_space<vmem>>
    %dma_start3A_11 = arith.constant 0 : i32
    %dma_start3A_12 = tpu.memref_slice %arg7[%dma_start3A, %dma_start3A_11] : memref<40x125xi32, #tpu.memory_space<vmem>> -> memref<1x125xi32, #tpu.memory_space<vmem>>
    %dma_start3A_13 = tpu.memref_squeeze %dma_start3A_12 : memref<1x125xi32, #tpu.memory_space<vmem>> -> memref<125xi32, #tpu.memory_space<vmem>>
    %dma_start3A_14 = arith.constant 0 : i32
    %dma_start3A_15 = arith.constant 0 : i32
    %dma_start3A_16 = tpu.memref_slice %arg2[%dma_start3A_14, %dma_start3A_15] : memref<10000x32xf32, #tpu.memory_space<hbm>> -> memref<10000x32xf32, #tpu.memory_space<hbm>>
    tpu.enqueue_indirect_dma source(%dma_start3A_16 : memref<10000x32xf32, #tpu.memory_space<hbm>>) target(%dma_start3A_10 : memref<125x32xf32, #tpu.memory_space<vmem>>) offsets(%dma_start3A_13 : memref<125xi32, #tpu.memory_space<vmem>>) semaphore(%arg11 : memref<!tpu.dma_semaphore, #tpu.memory_space<semaphore_mem>>)
    %dma_start3A_17 = arith.constant 1 : i32
    %dma_start3A_18 = arith.constant 0 : i32
    %dma_start3A_19 = arith.constant 0 : i32
    %dma_start3A_20 = arith.constant 0 : i32
    %dma_start3A_21 = tpu.memref_slice %arg8[%dma_start3A_18, %dma_start3A_19, %dma_start3A_20] : memref<2x1000x32xf32, #tpu.memory_space<vmem>> -> memref<1x1000x32xf32, #tpu.memory_space<vmem>>
    %dma_start3A_22 = tpu.memref_squeeze %dma_start3A_21 : memref<1x1000x32xf32, #tpu.memory_space<vmem>> -> memref<1000x32xf32, #tpu.memory_space<vmem>>
    %dma_start3A_23 = arith.constant 125 : i32
    %dma_start3A_24 = arith.constant 0 : i32
    %dma_start3A_25 = tpu.memref_slice %dma_start3A_22[%dma_start3A_23, %dma_start3A_24] : memref<1000x32xf32, #tpu.memory_space<vmem>> -> memref<125x32xf32, #tpu.memory_space<vmem>>
    %dma_start3A_26 = arith.constant 0 : i32
    %dma_start3A_27 = tpu.memref_slice %arg7[%dma_start3A_17, %dma_start3A_26] : memref<40x125xi32, #tpu.memory_space<vmem>> -> memref<1x125xi32, #tpu.memory_space<vmem>>
    %dma_start3A_28 = tpu.memref_squeeze %dma_start3A_27 : memref<1x125xi32, #tpu.memory_space<vmem>> -> memref<125xi32, #tpu.memory_space<vmem>>
    %dma_start3A_29 = arith.constant 0 : i32
    %dma_start3A_30 = arith.constant 0 : i32
    %dma_start3A_31 = tpu.memref_slice %arg2[%dma_start3A_29, %dma_start3A_30] : memref<10000x32xf32, #tpu.memory_space<hbm>> -> memref<10000x32xf32, #tpu.memory_space<hbm>>
    tpu.enqueue_indirect_dma source(%dma_start3A_31 : memref<10000x32xf32, #tpu.memory_space<hbm>>) target(%dma_start3A_25 : memref<125x32xf32, #tpu.memory_space<vmem>>) offsets(%dma_start3A_28 : memref<125xi32, #tpu.memory_space<vmem>>) semaphore(%arg11 : memref<!tpu.dma_semaphore, #tpu.memory_space<semaphore_mem>>)
    %dma_start3A_32 = arith.constant 2 : i32
    %dma_start3A_33 = arith.constant 0 : i32
    %dma_start3A_34 = arith.constant 0 : i32
    %dma_start3A_35 = arith.constant 0 : i32
    %dma_start3A_36 = tpu.memref_slice %arg8[%dma_start3A_33, %dma_start3A_34, %dma_start3A_35] : memref<2x1000x32xf32, #tpu.memory_space<vmem>> -> memref<1x1000x32xf32, #tpu.memory_space<vmem>>
    %dma_start3A_37 = tpu.memref_squeeze %dma_start3A_36 : memref<1x1000x32xf32, #tpu.memory_space<vmem>> -> memref<1000x32xf32, #tpu.memory_space<vmem>>
    %dma_start3A_38 = arith.constant 250 : i32
    %dma_start3A_39 = arith.constant 0 : i32
    %dma_start3A_40 = tpu.memref_slice %dma_start3A_37[%dma_start3A_38, %dma_start3A_39] : memref<1000x32xf32, #tpu.memory_space<vmem>> -> memref<125x32xf32, #tpu.memory_space<vmem>>
    %dma_start3A_41 = arith.constant 0 : i32
    %dma_start3A_42 = tpu.memref_slice %arg7[%dma_start3A_32, %dma_start3A_41] : memref<40x125xi32, #tpu.memory_space<vmem>> -> memref<1x125xi32, #tpu.memory_space<vmem>>
    %dma_start3A_43 = tpu.memref_squeeze %dma_start3A_42 : memref<1x125xi32, #tpu.memory_space<vmem>> -> memref<125xi32, #tpu.memory_space<vmem>>
    %dma_start3A_44 = arith.constant 0 : i32
    %dma_start3A_45 = arith.constant 0 : i32
    %dma_start3A_46 = tpu.memref_slice %arg2[%dma_start3A_44, %dma_start3A_45] : memref<10000x32xf32, #tpu.memory_space<hbm>> -> memref<10000x32xf32, #tpu.memory_space<hbm>>
    tpu.enqueue_indirect_dma source(%dma_start3A_46 : memref<10000x32xf32, #tpu.memory_space<hbm>>) target(%dma_start3A_40 : memref<125x32xf32, #tpu.memory_space<vmem>>) offsets(%dma_start3A_43 : memref<125xi32, #tpu.memory_space<vmem>>) semaphore(%arg11 : memref<!tpu.dma_semaphore, #tpu.memory_space<semaphore_mem>>)
    %dma_start3A_47 = arith.constant 3 : i32
    %dma_start3A_48 = arith.constant 0 : i32
    %dma_start3A_49 = arith.constant 0 : i32
    %dma_start3A_50 = arith.constant 0 : i32
    %dma_start3A_51 = tpu.memref_slice %arg8[%dma_start3A_48, %dma_start3A_49, %dma_start3A_50] : memref<2x1000x32xf32, #tpu.memory_space<vmem>> -> memref<1x1000x32xf32, #tpu.memory_space<vmem>>
    %dma_start3A_52 = tpu.memref_squeeze %dma_start3A_51 : memref<1x1000x32xf32, #tpu.memory_space<vmem>> -> memref<1000x32xf32, #tpu.memory_space<vmem>>
    %dma_start3A_53 = arith.constant 375 : i32
    %dma_start3A_54 = arith.constant 0 : i32
    %dma_start3A_55 = tpu.memref_slice %dma_start3A_52[%dma_start3A_53, %dma_start3A_54] : memref<1000x32xf32, #tpu.memory_space<vmem>> -> memref<125x32xf32, #tpu.memory_space<vmem>>
    %dma_start3A_56 = arith.constant 0 : i32
    %dma_start3A_57 = tpu.memref_slice %arg7[%dma_start3A_47, %dma_start3A_56] : memref<40x125xi32, #tpu.memory_space<vmem>> -> memref<1x125xi32, #tpu.memory_space<vmem>>
    %dma_start3A_58 = tpu.memref_squeeze %dma_start3A_57 : memref<1x125xi32, #tpu.memory_space<vmem>> -> memref<125xi32, #tpu.memory_space<vmem>>
    %dma_start3A_59 = arith.constant 0 : i32
    %dma_start3A_60 = arith.constant 0 : i32
    %dma_start3A_61 = tpu.memref_slice %arg2[%dma_start3A_59, %dma_start3A_60] : memref<10000x32xf32, #tpu.memory_space<hbm>> -> memref<10000x32xf32, #tpu.memory_space<hbm>>
    tpu.enqueue_indirect_dma source(%dma_start3A_61 : memref<10000x32xf32, #tpu.memory_space<hbm>>) target(%dma_start3A_55 : memref<125x32xf32, #tpu.memory_space<vmem>>) offsets(%dma_start3A_58 : memref<125xi32, #tpu.memory_space<vmem>>) semaphore(%arg11 : memref<!tpu.dma_semaphore, #tpu.memory_space<semaphore_mem>>)
    %dma_start3A_62 = arith.constant 4 : i32
    %dma_start3A_63 = arith.constant 0 : i32
    %dma_start3A_64 = arith.constant 0 : i32
    %dma_start3A_65 = arith.constant 0 : i32
    %dma_start3A_66 = tpu.memref_slice %arg8[%dma_start3A_63, %dma_start3A_64, %dma_start3A_65] : memref<2x1000x32xf32, #tpu.memory_space<vmem>> -> memref<1x1000x32xf32, #tpu.memory_space<vmem>>
    %dma_start3A_67 = tpu.memref_squeeze %dma_start3A_66 : memref<1x1000x32xf32, #tpu.memory_space<vmem>> -> memref<1000x32xf32, #tpu.memory_space<vmem>>
    %dma_start3A_68 = arith.constant 500 : i32
    %dma_start3A_69 = arith.constant 0 : i32
    %dma_start3A_70 = tpu.memref_slice %dma_start3A_67[%dma_start3A_68, %dma_start3A_69] : memref<1000x32xf32, #tpu.memory_space<vmem>> -> memref<125x32xf32, #tpu.memory_space<vmem>>
    %dma_start3A_71 = arith.constant 0 : i32
    %dma_start3A_72 = tpu.memref_slice %arg7[%dma_start3A_62, %dma_start3A_71] : memref<40x125xi32, #tpu.memory_space<vmem>> -> memref<1x125xi32, #tpu.memory_space<vmem>>
    %dma_start3A_73 = tpu.memref_squeeze %dma_start3A_72 : memref<1x125xi32, #tpu.memory_space<vmem>> -> memref<125xi32, #tpu.memory_space<vmem>>
    %dma_start3A_74 = arith.constant 0 : i32
    %dma_start3A_75 = arith.constant 0 : i32
    %dma_start3A_76 = tpu.memref_slice %arg2[%dma_start3A_74, %dma_start3A_75] : memref<10000x32xf32, #tpu.memory_space<hbm>> -> memref<10000x32xf32, #tpu.memory_space<hbm>>
    tpu.enqueue_indirect_dma source(%dma_start3A_76 : memref<10000x32xf32, #tpu.memory_space<hbm>>) target(%dma_start3A_70 : memref<125x32xf32, #tpu.memory_space<vmem>>) offsets(%dma_start3A_73 : memref<125xi32, #tpu.memory_space<vmem>>) semaphore(%arg11 : memref<!tpu.dma_semaphore, #tpu.memory_space<semaphore_mem>>)
    %dma_start3A_77 = arith.constant 5 : i32
    %dma_start3A_78 = arith.constant 0 : i32
    %dma_start3A_79 = arith.constant 0 : i32
    %dma_start3A_80 = arith.constant 0 : i32
    %dma_start3A_81 = tpu.memref_slice %arg8[%dma_start3A_78, %dma_start3A_79, %dma_start3A_80] : memref<2x1000x32xf32, #tpu.memory_space<vmem>> -> memref<1x1000x32xf32, #tpu.memory_space<vmem>>
    %dma_start3A_82 = tpu.memref_squeeze %dma_start3A_81 : memref<1x1000x32xf32, #tpu.memory_space<vmem>> -> memref<1000x32xf32, #tpu.memory_space<vmem>>
    %dma_start3A_83 = arith.constant 625 : i32
    %dma_start3A_84 = arith.constant 0 : i32
    %dma_start3A_85 = tpu.memref_slice %dma_start3A_82[%dma_start3A_83, %dma_start3A_84] : memref<1000x32xf32, #tpu.memory_space<vmem>> -> memref<125x32xf32, #tpu.memory_space<vmem>>
    %dma_start3A_86 = arith.constant 0 : i32
    %dma_start3A_87 = tpu.memref_slice %arg7[%dma_start3A_77, %dma_start3A_86] : memref<40x125xi32, #tpu.memory_space<vmem>> -> memref<1x125xi32, #tpu.memory_space<vmem>>
    %dma_start3A_88 = tpu.memref_squeeze %dma_start3A_87 : memref<1x125xi32, #tpu.memory_space<vmem>> -> memref<125xi32, #tpu.memory_space<vmem>>
    %dma_start3A_89 = arith.constant 0 : i32
    %dma_start3A_90 = arith.constant 0 : i32
    %dma_start3A_91 = tpu.memref_slice %arg2[%dma_start3A_89, %dma_start3A_90] : memref<10000x32xf32, #tpu.memory_space<hbm>> -> memref<10000x32xf32, #tpu.memory_space<hbm>>
    tpu.enqueue_indirect_dma source(%dma_start3A_91 : memref<10000x32xf32, #tpu.memory_space<hbm>>) target(%dma_start3A_85 : memref<125x32xf32, #tpu.memory_space<vmem>>) offsets(%dma_start3A_88 : memref<125xi32, #tpu.memory_space<vmem>>) semaphore(%arg11 : memref<!tpu.dma_semaphore, #tpu.memory_space<semaphore_mem>>)
    %dma_start3A_92 = arith.constant 6 : i32
    %dma_start3A_93 = arith.constant 0 : i32
    %dma_start3A_94 = arith.constant 0 : i32
    %dma_start3A_95 = arith.constant 0 : i32
    %dma_start3A_96 = tpu.memref_slice %arg8[%dma_start3A_93, %dma_start3A_94, %dma_start3A_95] : memref<2x1000x32xf32, #tpu.memory_space<vmem>> -> memref<1x1000x32xf32, #tpu.memory_space<vmem>>
    %dma_start3A_97 = tpu.memref_squeeze %dma_start3A_96 : memref<1x1000x32xf32, #tpu.memory_space<vmem>> -> memref<1000x32xf32, #tpu.memory_space<vmem>>
    %dma_start3A_98 = arith.constant 750 : i32
    %dma_start3A_99 = arith.constant 0 : i32
    %dma_start3A_100 = tpu.memref_slice %dma_start3A_97[%dma_start3A_98, %dma_start3A_99] : memref<1000x32xf32, #tpu.memory_space<vmem>> -> memref<125x32xf32, #tpu.memory_space<vmem>>
    %dma_start3A_101 = arith.constant 0 : i32
    %dma_start3A_102 = tpu.memref_slice %arg7[%dma_start3A_92, %dma_start3A_101] : memref<40x125xi32, #tpu.memory_space<vmem>> -> memref<1x125xi32, #tpu.memory_space<vmem>>
    %dma_start3A_103 = tpu.memref_squeeze %dma_start3A_102 : memref<1x125xi32, #tpu.memory_space<vmem>> -> memref<125xi32, #tpu.memory_space<vmem>>
    %dma_start3A_104 = arith.constant 0 : i32
    %dma_start3A_105 = arith.constant 0 : i32
    %dma_start3A_106 = tpu.memref_slice %arg2[%dma_start3A_104, %dma_start3A_105] : memref<10000x32xf32, #tpu.memory_space<hbm>> -> memref<10000x32xf32, #tpu.memory_space<hbm>>
    tpu.enqueue_indirect_dma source(%dma_start3A_106 : memref<10000x32xf32, #tpu.memory_space<hbm>>) target(%dma_start3A_100 : memref<125x32xf32, #tpu.memory_space<vmem>>) offsets(%dma_start3A_103 : memref<125xi32, #tpu.memory_space<vmem>>) semaphore(%arg11 : memref<!tpu.dma_semaphore, #tpu.memory_space<semaphore_mem>>)
    %dma_start3A_107 = arith.constant 7 : i32
    %dma_start3A_108 = arith.constant 0 : i32
    %dma_start3A_109 = arith.constant 0 : i32
    %dma_start3A_110 = arith.constant 0 : i32
    %dma_start3A_111 = tpu.memref_slice %arg8[%dma_start3A_108, %dma_start3A_109, %dma_start3A_110] : memref<2x1000x32xf32, #tpu.memory_space<vmem>> -> memref<1x1000x32xf32, #tpu.memory_space<vmem>>
    %dma_start3A_112 = tpu.memref_squeeze %dma_start3A_111 : memref<1x1000x32xf32, #tpu.memory_space<vmem>> -> memref<1000x32xf32, #tpu.memory_space<vmem>>
    %dma_start3A_113 = arith.constant 875 : i32
    %dma_start3A_114 = arith.constant 0 : i32
    %dma_start3A_115 = tpu.memref_slice %dma_start3A_112[%dma_start3A_113, %dma_start3A_114] : memref<1000x32xf32, #tpu.memory_space<vmem>> -> memref<125x32xf32, #tpu.memory_space<vmem>>
    %dma_start3A_116 = arith.constant 0 : i32
    %dma_start3A_117 = tpu.memref_slice %arg7[%dma_start3A_107, %dma_start3A_116] : memref<40x125xi32, #tpu.memory_space<vmem>> -> memref<1x125xi32, #tpu.memory_space<vmem>>
    %dma_start3A_118 = tpu.memref_squeeze %dma_start3A_117 : memref<1x125xi32, #tpu.memory_space<vmem>> -> memref<125xi32, #tpu.memory_space<vmem>>
    %dma_start3A_119 = arith.constant 0 : i32
    %dma_start3A_120 = arith.constant 0 : i32
    %dma_start3A_121 = tpu.memref_slice %arg2[%dma_start3A_119, %dma_start3A_120] : memref<10000x32xf32, #tpu.memory_space<hbm>> -> memref<10000x32xf32, #tpu.memory_space<hbm>>
    tpu.enqueue_indirect_dma source(%dma_start3A_121 : memref<10000x32xf32, #tpu.memory_space<hbm>>) target(%dma_start3A_115 : memref<125x32xf32, #tpu.memory_space<vmem>>) offsets(%dma_start3A_118 : memref<125xi32, #tpu.memory_space<vmem>>) semaphore(%arg11 : memref<!tpu.dma_semaphore, #tpu.memory_space<semaphore_mem>>)
    %mul3A_122 = arith.constant 5000 : i32
    %mul3A_123 = arith.muli %add3A, %mul3A_122 : i32
    %add3A_124 = arith.constant 0 : i32
    %add3A_125 = arith.addi %mul3A_123, %add3A_124 : i32
    "tpu.region"() ({
      %run_scoped3A = tpu.sem_alloc : memref<!tpu.dma_semaphore, #tpu.memory_space<semaphore_mem>>
      %dma_start3A_1440 = arith.constant 0 : i32
      %dma_start3A_1441 = tpu.memref_slice %arg4[%dma_start3A_1440, %add3A_125] : memref<16x160000xf32, #tpu.memory_space<hbm>> -> memref<16x1000xf32, #tpu.memory_space<hbm>>
      %dma_start3A_1442 = arith.constant 0 : i32
      %dma_start3A_1443 = tpu.memref_slice %arg4[%dma_start3A_1442, %add3A_125] : memref<16x160000xf32, #tpu.memory_space<hbm>> -> memref<16x1000xf32, #tpu.memory_space<hbm>>
      tpu.enqueue_dma source(%dma_start3A_1443 : memref<16x1000xf32, #tpu.memory_space<hbm>>) target(%arg9 : memref<16x1000xf32, #tpu.memory_space<vmem>>) target_semaphore(%run_scoped3A : memref<!tpu.dma_semaphore, #tpu.memory_space<semaphore_mem>>)
      %dma_wait3A_1444 = arith.constant 0 : i32
      %dma_wait3A_1445 = tpu.memref_slice %arg4[%dma_wait3A_1444, %add3A_125] : memref<16x160000xf32, #tpu.memory_space<hbm>> -> memref<16x1000xf32, #tpu.memory_space<hbm>>
      %dma_wait3A_1446 = arith.constant 0 : i32
      %dma_wait3A_1447 = tpu.memref_slice %arg4[%dma_wait3A_1446, %add3A_125] : memref<16x160000xf32, #tpu.memory_space<hbm>> -> memref<16x1000xf32, #tpu.memory_space<hbm>>
      tpu.wait_dma2 semaphore(%run_scoped3A : memref<!tpu.dma_semaphore, #tpu.memory_space<semaphore_mem>>) src(%dma_wait3A_1447 : memref<16x1000xf32, #tpu.memory_space<hbm>>) dst(%arg9 : memref<16x1000xf32, #tpu.memory_space<vmem>>)
      tpu.yield
    }) : () -> ()
    %scan3A = arith.constant 0 : i32
    %scan3A_126 = arith.constant 0 : i32
    %scan3A_127 = arith.constant 250 : i32
    %scan3A_128 = arith.addi %scan3A_126, %scan3A_127 : i32
    %scan3A_129 = arith.constant 1 : i32
    scf.for %scan3A_1440 = %scan3A_126 to %scan3A_128 step %scan3A_129  : i32 {
      %mul3A_1441 = arith.constant 4 : i32
      %mul3A_1442 = arith.muli %mul3A_1441, %scan3A_1440 : i32
      %add3A_1443 = arith.constant 0 : i32
      %add3A_1444 = arith.addi %mul3A_1442, %add3A_1443 : i32
      %broadcast_in_dim3A = vector.broadcast %add3A_1444 : i32 to vector<16xi32>
      %gather3A = tpu.vector_load_idx %arg9[%iota3A, %broadcast_in_dim3A] : memref<16x1000xf32, #tpu.memory_space<vmem>>[vector<16xi32>, vector<16xi32>], vector<16xf32>,
      %swap3A = arith.index_cast %scan3A_1440 : i32 to index
      %swap3A_1445 = arith.constant 0 : index
      %swap3A_1446 = tpu.vector_load %arg10[%swap3A, %swap3A_1445] {strides = array<i32>} : memref<250x64xf32, #tpu.memory_space<vmem>>, vector<16xf32>,
      tpu.vector_store %arg10[%swap3A, %swap3A_1445], %gather3A {strides = array<i32>} : memref<250x64xf32, #tpu.memory_space<vmem>>, vector<16xf32>,
      %mul3A_1447 = arith.constant 4 : i32
      %mul3A_1448 = arith.muli %mul3A_1447, %scan3A_1440 : i32
      %add3A_1449 = arith.constant 1 : i32
      %add3A_1450 = arith.addi %mul3A_1448, %add3A_1449 : i32
      %broadcast_in_dim3A_1451 = vector.broadcast %add3A_1450 : i32 to vector<16xi32>
      %gather3A_1452 = tpu.vector_load_idx %arg9[%iota3A, %broadcast_in_dim3A_1451] : memref<16x1000xf32, #tpu.memory_space<vmem>>[vector<16xi32>, vector<16xi32>], vector<16xf32>,
      %swap3A_1453 = arith.index_cast %scan3A_1440 : i32 to index
      %swap3A_1454 = arith.constant 16 : index
      %swap3A_1455 = tpu.vector_load %arg10[%swap3A_1453, %swap3A_1454] {strides = array<i32>} : memref<250x64xf32, #tpu.memory_space<vmem>>, vector<16xf32>,
      tpu.vector_store %arg10[%swap3A_1453, %swap3A_1454], %gather3A_1452 {strides = array<i32>} : memref<250x64xf32, #tpu.memory_space<vmem>>, vector<16xf32>,
      %mul3A_1456 = arith.constant 4 : i32
      %mul3A_1457 = arith.muli %mul3A_1456, %scan3A_1440 : i32
      %add3A_1458 = arith.constant 2 : i32
      %add3A_1459 = arith.addi %mul3A_1457, %add3A_1458 : i32
      %broadcast_in_dim3A_1460 = vector.broadcast %add3A_1459 : i32 to vector<16xi32>
      %gather3A_1461 = tpu.vector_load_idx %arg9[%iota3A, %broadcast_in_dim3A_1460] : memref<16x1000xf32, #tpu.memory_space<vmem>>[vector<16xi32>, vector<16xi32>], vector<16xf32>,
      %swap3A_1462 = arith.index_cast %scan3A_1440 : i32 to index
      %swap3A_1463 = arith.constant 32 : index
      %swap3A_1464 = tpu.vector_load %arg10[%swap3A_1462, %swap3A_1463] {strides = array<i32>} : memref<250x64xf32, #tpu.memory_space<vmem>>, vector<16xf32>,
      tpu.vector_store %arg10[%swap3A_1462, %swap3A_1463], %gather3A_1461 {strides = array<i32>} : memref<250x64xf32, #tpu.memory_space<vmem>>, vector<16xf32>,
      %mul3A_1465 = arith.constant 4 : i32
      %mul3A_1466 = arith.muli %mul3A_1465, %scan3A_1440 : i32
      %add3A_1467 = arith.constant 3 : i32
      %add3A_1468 = arith.addi %mul3A_1466, %add3A_1467 : i32
      %broadcast_in_dim3A_1469 = vector.broadcast %add3A_1468 : i32 to vector<16xi32>
      %gather3A_1470 = tpu.vector_load_idx %arg9[%iota3A, %broadcast_in_dim3A_1469] : memref<16x1000xf32, #tpu.memory_space<vmem>>[vector<16xi32>, vector<16xi32>], vector<16xf32>,
      %swap3A_1471 = arith.index_cast %scan3A_1440 : i32 to index
      %swap3A_1472 = arith.constant 48 : index
      %swap3A_1473 = tpu.vector_load %arg10[%swap3A_1471, %swap3A_1472] {strides = array<i32>} : memref<250x64xf32, #tpu.memory_space<vmem>>, vector<16xf32>,
      tpu.vector_store %arg10[%swap3A_1471, %swap3A_1472], %gather3A_1470 {strides = array<i32>} : memref<250x64xf32, #tpu.memory_space<vmem>>, vector<16xf32>,
    }
    %scan3A_130 = arith.constant 250 : i32
    %mul3A_131 = arith.constant 5 : i32
    %mul3A_132 = arith.muli %add3A, %mul3A_131 : i32
    %add3A_133 = arith.constant 0 : i32
    %add3A_134 = arith.addi %mul3A_132, %add3A_133 : i32
    "tpu.region"() ({
      %run_scoped3A = tpu.sem_alloc : memref<!tpu.dma_semaphore, #tpu.memory_space<semaphore_mem>>
      %dma_start3A_1440 = arith.constant 0 : i32
      %dma_start3A_1441 = arith.constant 0 : i32
      %dma_start3A_1442 = tpu.memref_slice %arg6[%add3A_134, %dma_start3A_1440, %dma_start3A_1441] : memref<160x250x64xf32, #tpu.memory_space<hbm>> -> memref<1x250x64xf32, #tpu.memory_space<hbm>>
      %dma_start3A_1443 = tpu.memref_squeeze %dma_start3A_1442 : memref<1x250x64xf32, #tpu.memory_space<hbm>> -> memref<250x64xf32, #tpu.memory_space<hbm>>
      %dma_start3A_1444 = arith.constant 0 : i32
      %dma_start3A_1445 = arith.constant 0 : i32
      %dma_start3A_1446 = tpu.memref_slice %arg6[%add3A_134, %dma_start3A_1444, %dma_start3A_1445] : memref<160x250x64xf32, #tpu.memory_space<hbm>> -> memref<1x250x64xf32, #tpu.memory_space<hbm>>
      %dma_start3A_1447 = tpu.memref_squeeze %dma_start3A_1446 : memref<1x250x64xf32, #tpu.memory_space<hbm>> -> memref<250x64xf32, #tpu.memory_space<hbm>>
      tpu.enqueue_dma source(%arg10 : memref<250x64xf32, #tpu.memory_space<vmem>>) target(%dma_start3A_1447 : memref<250x64xf32, #tpu.memory_space<hbm>>) target_semaphore(%run_scoped3A : memref<!tpu.dma_semaphore, #tpu.memory_space<semaphore_mem>>)
      %dma_wait3A_1448 = arith.constant 0 : i32
      %dma_wait3A_1449 = arith.constant 0 : i32
      %dma_wait3A_1450 = tpu.memref_slice %arg6[%add3A_134, %dma_wait3A_1448, %dma_wait3A_1449] : memref<160x250x64xf32, #tpu.memory_space<hbm>> -> memref<1x250x64xf32, #tpu.memory_space<hbm>>
      %dma_wait3A_1451 = tpu.memref_squeeze %dma_wait3A_1450 : memref<1x250x64xf32, #tpu.memory_space<hbm>> -> memref<250x64xf32, #tpu.memory_space<hbm>>
      %dma_wait3A_1452 = arith.constant 0 : i32
      %dma_wait3A_1453 = arith.constant 0 : i32
      %dma_wait3A_1454 = tpu.memref_slice %arg6[%add3A_134, %dma_wait3A_1452, %dma_wait3A_1453] : memref<160x250x64xf32, #tpu.memory_space<hbm>> -> memref<1x250x64xf32, #tpu.memory_space<hbm>>
      %dma_wait3A_1455 = tpu.memref_squeeze %dma_wait3A_1454 : memref<1x250x64xf32, #tpu.memory_space<hbm>> -> memref<250x64xf32, #tpu.memory_space<hbm>>
      tpu.wait_dma2 semaphore(%run_scoped3A : memref<!tpu.dma_semaphore, #tpu.memory_space<semaphore_mem>>) src(%arg10 : memref<250x64xf32, #tpu.memory_space<vmem>>) dst(%dma_wait3A_1455 : memref<250x64xf32, #tpu.memory_space<hbm>>)
      tpu.yield
    }) : () -> ()
    %dma_wait3A = arith.constant 0 : i32
    %dma_wait3A_135 = arith.constant 0 : i32
    %dma_wait3A_136 = arith.constant 0 : i32
    %dma_wait3A_137 = arith.constant 0 : i32
    %dma_wait3A_138 = tpu.memref_slice %arg8[%dma_wait3A_135, %dma_wait3A_136, %dma_wait3A_137] : memref<2x1000x32xf32, #tpu.memory_space<vmem>> -> memref<1x1000x32xf32, #tpu.memory_space<vmem>>
    %dma_wait3A_139 = tpu.memref_squeeze %dma_wait3A_138 : memref<1x1000x32xf32, #tpu.memory_space<vmem>> -> memref<1000x32xf32, #tpu.memory_space<vmem>>
    %dma_wait3A_140 = arith.constant 0 : i32
    %dma_wait3A_141 = arith.constant 0 : i32
    %dma_wait3A_142 = tpu.memref_slice %dma_wait3A_139[%dma_wait3A_140, %dma_wait3A_141] : memref<1000x32xf32, #tpu.memory_space<vmem>> -> memref<125x32xf32, #tpu.memory_space<vmem>>
    %dma_wait3A_143 = arith.constant 0 : i32
    %dma_wait3A_144 = tpu.memref_slice %arg7[%dma_wait3A, %dma_wait3A_143] : memref<40x125xi32, #tpu.memory_space<vmem>> -> memref<1x125xi32, #tpu.memory_space<vmem>>
    %dma_wait3A_145 = tpu.memref_squeeze %dma_wait3A_144 : memref<1x125xi32, #tpu.memory_space<vmem>> -> memref<125xi32, #tpu.memory_space<vmem>>
    %dma_wait3A_146 = arith.constant 0 : i32
    %dma_wait3A_147 = arith.constant 0 : i32
    %dma_wait3A_148 = tpu.memref_slice %arg2[%dma_wait3A_146, %dma_wait3A_147] : memref<10000x32xf32, #tpu.memory_space<hbm>> -> memref<10000x32xf32, #tpu.memory_space<hbm>>
    tpu.wait_indirect_dma semaphore(%arg11 : memref<!tpu.dma_semaphore, #tpu.memory_space<semaphore_mem>>) src(%dma_wait3A_148 : memref<10000x32xf32, #tpu.memory_space<hbm>>) dst(%dma_wait3A_142 : memref<125x32xf32, #tpu.memory_space<vmem>>)
    %dma_wait3A_149 = arith.constant 1 : i32
    %dma_wait3A_150 = arith.constant 0 : i32
    %dma_wait3A_151 = arith.constant 0 : i32
    %dma_wait3A_152 = arith.constant 0 : i32
    %dma_wait3A_153 = tpu.memref_slice %arg8[%dma_wait3A_150, %dma_wait3A_151, %dma_wait3A_152] : memref<2x1000x32xf32, #tpu.memory_space<vmem>> -> memref<1x1000x32xf32, #tpu.memory_space<vmem>>
    %dma_wait3A_154 = tpu.memref_squeeze %dma_wait3A_153 : memref<1x1000x32xf32, #tpu.memory_space<vmem>> -> memref<1000x32xf32, #tpu.memory_space<vmem>>
    %dma_wait3A_155 = arith.constant 125 : i32
    %dma_wait3A_156 = arith.constant 0 : i32
    %dma_wait3A_157 = tpu.memref_slice %dma_wait3A_154[%dma_wait3A_155, %dma_wait3A_156] : memref<1000x32xf32, #tpu.memory_space<vmem>> -> memref<125x32xf32, #tpu.memory_space<vmem>>
    %dma_wait3A_158 = arith.constant 0 : i32
    %dma_wait3A_159 = tpu.memref_slice %arg7[%dma_wait3A_149, %dma_wait3A_158] : memref<40x125xi32, #tpu.memory_space<vmem>> -> memref<1x125xi32, #tpu.memory_space<vmem>>
    %dma_wait3A_160 = tpu.memref_squeeze %dma_wait3A_159 : memref<1x125xi32, #tpu.memory_space<vmem>> -> memref<125xi32, #tpu.memory_space<vmem>>
    %dma_wait3A_161 = arith.constant 0 : i32
    %dma_wait3A_162 = arith.constant 0 : i32
    %dma_wait3A_163 = tpu.memref_slice %arg2[%dma_wait3A_161, %dma_wait3A_162] : memref<10000x32xf32, #tpu.memory_space<hbm>> -> memref<10000x32xf32, #tpu.memory_space<hbm>>
    tpu.wait_indirect_dma semaphore(%arg11 : memref<!tpu.dma_semaphore, #tpu.memory_space<semaphore_mem>>) src(%dma_wait3A_163 : memref<10000x32xf32, #tpu.memory_space<hbm>>) dst(%dma_wait3A_157 : memref<125x32xf32, #tpu.memory_space<vmem>>)
    %dma_wait3A_164 = arith.constant 2 : i32
    %dma_wait3A_165 = arith.constant 0 : i32
    %dma_wait3A_166 = arith.constant 0 : i32
    %dma_wait3A_167 = arith.constant 0 : i32
    %dma_wait3A_168 = tpu.memref_slice %arg8[%dma_wait3A_165, %dma_wait3A_166, %dma_wait3A_167] : memref<2x1000x32xf32, #tpu.memory_space<vmem>> -> memref<1x1000x32xf32, #tpu.memory_space<vmem>>
    %dma_wait3A_169 = tpu.memref_squeeze %dma_wait3A_168 : memref<1x1000x32xf32, #tpu.memory_space<vmem>> -> memref<1000x32xf32, #tpu.memory_space<vmem>>
    %dma_wait3A_170 = arith.constant 250 : i32
    %dma_wait3A_171 = arith.constant 0 : i32
    %dma_wait3A_172 = tpu.memref_slice %dma_wait3A_169[%dma_wait3A_170, %dma_wait3A_171] : memref<1000x32xf32, #tpu.memory_space<vmem>> -> memref<125x32xf32, #tpu.memory_space<vmem>>
    %dma_wait3A_173 = arith.constant 0 : i32
    %dma_wait3A_174 = tpu.memref_slice %arg7[%dma_wait3A_164, %dma_wait3A_173] : memref<40x125xi32, #tpu.memory_space<vmem>> -> memref<1x125xi32, #tpu.memory_space<vmem>>
    %dma_wait3A_175 = tpu.memref_squeeze %dma_wait3A_174 : memref<1x125xi32, #tpu.memory_space<vmem>> -> memref<125xi32, #tpu.memory_space<vmem>>
    %dma_wait3A_176 = arith.constant 0 : i32
    %dma_wait3A_177 = arith.constant 0 : i32
    %dma_wait3A_178 = tpu.memref_slice %arg2[%dma_wait3A_176, %dma_wait3A_177] : memref<10000x32xf32, #tpu.memory_space<hbm>> -> memref<10000x32xf32, #tpu.memory_space<hbm>>
    tpu.wait_indirect_dma semaphore(%arg11 : memref<!tpu.dma_semaphore, #tpu.memory_space<semaphore_mem>>) src(%dma_wait3A_178 : memref<10000x32xf32, #tpu.memory_space<hbm>>) dst(%dma_wait3A_172 : memref<125x32xf32, #tpu.memory_space<vmem>>)
    %dma_wait3A_179 = arith.constant 3 : i32
    %dma_wait3A_180 = arith.constant 0 : i32
    %dma_wait3A_181 = arith.constant 0 : i32
    %dma_wait3A_182 = arith.constant 0 : i32
    %dma_wait3A_183 = tpu.memref_slice %arg8[%dma_wait3A_180, %dma_wait3A_181, %dma_wait3A_182] : memref<2x1000x32xf32, #tpu.memory_space<vmem>> -> memref<1x1000x32xf32, #tpu.memory_space<vmem>>
    %dma_wait3A_184 = tpu.memref_squeeze %dma_wait3A_183 : memref<1x1000x32xf32, #tpu.memory_space<vmem>> -> memref<1000x32xf32, #tpu.memory_space<vmem>>
    %dma_wait3A_185 = arith.constant 375 : i32
    %dma_wait3A_186 = arith.constant 0 : i32
    %dma_wait3A_187 = tpu.memref_slice %dma_wait3A_184[%dma_wait3A_185, %dma_wait3A_186] : memref<1000x32xf32, #tpu.memory_space<vmem>> -> memref<125x32xf32, #tpu.memory_space<vmem>>
    %dma_wait3A_188 = arith.constant 0 : i32
    %dma_wait3A_189 = tpu.memref_slice %arg7[%dma_wait3A_179, %dma_wait3A_188] : memref<40x125xi32, #tpu.memory_space<vmem>> -> memref<1x125xi32, #tpu.memory_space<vmem>>
    %dma_wait3A_190 = tpu.memref_squeeze %dma_wait3A_189 : memref<1x125xi32, #tpu.memory_space<vmem>> -> memref<125xi32, #tpu.memory_space<vmem>>
    %dma_wait3A_191 = arith.constant 0 : i32
    %dma_wait3A_192 = arith.constant 0 : i32
    %dma_wait3A_193 = tpu.memref_slice %arg2[%dma_wait3A_191, %dma_wait3A_192] : memref<10000x32xf32, #tpu.memory_space<hbm>> -> memref<10000x32xf32, #tpu.memory_space<hbm>>
    tpu.wait_indirect_dma semaphore(%arg11 : memref<!tpu.dma_semaphore, #tpu.memory_space<semaphore_mem>>) src(%dma_wait3A_193 : memref<10000x32xf32, #tpu.memory_space<hbm>>) dst(%dma_wait3A_187 : memref<125x32xf32, #tpu.memory_space<vmem>>)
    %dma_wait3A_194 = arith.constant 4 : i32
    %dma_wait3A_195 = arith.constant 0 : i32
    %dma_wait3A_196 = arith.constant 0 : i32
    %dma_wait3A_197 = arith.constant 0 : i32
    %dma_wait3A_198 = tpu.memref_slice %arg8[%dma_wait3A_195, %dma_wait3A_196, %dma_wait3A_197] : memref<2x1000x32xf32, #tpu.memory_space<vmem>> -> memref<1x1000x32xf32, #tpu.memory_space<vmem>>
    %dma_wait3A_199 = tpu.memref_squeeze %dma_wait3A_198 : memref<1x1000x32xf32, #tpu.memory_space<vmem>> -> memref<1000x32xf32, #tpu.memory_space<vmem>>
    %dma_wait3A_200 = arith.constant 500 : i32
    %dma_wait3A_201 = arith.constant 0 : i32
    %dma_wait3A_202 = tpu.memref_slice %dma_wait3A_199[%dma_wait3A_200, %dma_wait3A_201] : memref<1000x32xf32, #tpu.memory_space<vmem>> -> memref<125x32xf32, #tpu.memory_space<vmem>>
    %dma_wait3A_203 = arith.constant 0 : i32
    %dma_wait3A_204 = tpu.memref_slice %arg7[%dma_wait3A_194, %dma_wait3A_203] : memref<40x125xi32, #tpu.memory_space<vmem>> -> memref<1x125xi32, #tpu.memory_space<vmem>>
    %dma_wait3A_205 = tpu.memref_squeeze %dma_wait3A_204 : memref<1x125xi32, #tpu.memory_space<vmem>> -> memref<125xi32, #tpu.memory_space<vmem>>
    %dma_wait3A_206 = arith.constant 0 : i32
    %dma_wait3A_207 = arith.constant 0 : i32
    %dma_wait3A_208 = tpu.memref_slice %arg2[%dma_wait3A_206, %dma_wait3A_207] : memref<10000x32xf32, #tpu.memory_space<hbm>> -> memref<10000x32xf32, #tpu.memory_space<hbm>>
    tpu.wait_indirect_dma semaphore(%arg11 : memref<!tpu.dma_semaphore, #tpu.memory_space<semaphore_mem>>) src(%dma_wait3A_208 : memref<10000x32xf32, #tpu.memory_space<hbm>>) dst(%dma_wait3A_202 : memref<125x32xf32, #tpu.memory_space<vmem>>)
    %dma_wait3A_209 = arith.constant 5 : i32
    %dma_wait3A_210 = arith.constant 0 : i32
    %dma_wait3A_211 = arith.constant 0 : i32
    %dma_wait3A_212 = arith.constant 0 : i32
    %dma_wait3A_213 = tpu.memref_slice %arg8[%dma_wait3A_210, %dma_wait3A_211, %dma_wait3A_212] : memref<2x1000x32xf32, #tpu.memory_space<vmem>> -> memref<1x1000x32xf32, #tpu.memory_space<vmem>>
    %dma_wait3A_214 = tpu.memref_squeeze %dma_wait3A_213 : memref<1x1000x32xf32, #tpu.memory_space<vmem>> -> memref<1000x32xf32, #tpu.memory_space<vmem>>
    %dma_wait3A_215 = arith.constant 625 : i32
    %dma_wait3A_216 = arith.constant 0 : i32
    %dma_wait3A_217 = tpu.memref_slice %dma_wait3A_214[%dma_wait3A_215, %dma_wait3A_216] : memref<1000x32xf32, #tpu.memory_space<vmem>> -> memref<125x32xf32, #tpu.memory_space<vmem>>
    %dma_wait3A_218 = arith.constant 0 : i32
    %dma_wait3A_219 = tpu.memref_slice %arg7[%dma_wait3A_209, %dma_wait3A_218] : memref<40x125xi32, #tpu.memory_space<vmem>> -> memref<1x125xi32, #tpu.memory_space<vmem>>
    %dma_wait3A_220 = tpu.memref_squeeze %dma_wait3A_219 : memref<1x125xi32, #tpu.memory_space<vmem>> -> memref<125xi32, #tpu.memory_space<vmem>>
    %dma_wait3A_221 = arith.constant 0 : i32
    %dma_wait3A_222 = arith.constant 0 : i32
    %dma_wait3A_223 = tpu.memref_slice %arg2[%dma_wait3A_221, %dma_wait3A_222] : memref<10000x32xf32, #tpu.memory_space<hbm>> -> memref<10000x32xf32, #tpu.memory_space<hbm>>
    tpu.wait_indirect_dma semaphore(%arg11 : memref<!tpu.dma_semaphore, #tpu.memory_space<semaphore_mem>>) src(%dma_wait3A_223 : memref<10000x32xf32, #tpu.memory_space<hbm>>) dst(%dma_wait3A_217 : memref<125x32xf32, #tpu.memory_space<vmem>>)
    %dma_wait3A_224 = arith.constant 6 : i32
    %dma_wait3A_225 = arith.constant 0 : i32
    %dma_wait3A_226 = arith.constant 0 : i32
    %dma_wait3A_227 = arith.constant 0 : i32
    %dma_wait3A_228 = tpu.memref_slice %arg8[%dma_wait3A_225, %dma_wait3A_226, %dma_wait3A_227] : memref<2x1000x32xf32, #tpu.memory_space<vmem>> -> memref<1x1000x32xf32, #tpu.memory_space<vmem>>
    %dma_wait3A_229 = tpu.memref_squeeze %dma_wait3A_228 : memref<1x1000x32xf32, #tpu.memory_space<vmem>> -> memref<1000x32xf32, #tpu.memory_space<vmem>>
    %dma_wait3A_230 = arith.constant 750 : i32
    %dma_wait3A_231 = arith.constant 0 : i32
    %dma_wait3A_232 = tpu.memref_slice %dma_wait3A_229[%dma_wait3A_230, %dma_wait3A_231] : memref<1000x32xf32, #tpu.memory_space<vmem>> -> memref<125x32xf32, #tpu.memory_space<vmem>>
    %dma_wait3A_233 = arith.constant 0 : i32
    %dma_wait3A_234 = tpu.memref_slice %arg7[%dma_wait3A_224, %dma_wait3A_233] : memref<40x125xi32, #tpu.memory_space<vmem>> -> memref<1x125xi32, #tpu.memory_space<vmem>>
    %dma_wait3A_235 = tpu.memref_squeeze %dma_wait3A_234 : memref<1x125xi32, #tpu.memory_space<vmem>> -> memref<125xi32, #tpu.memory_space<vmem>>
    %dma_wait3A_236 = arith.constant 0 : i32
    %dma_wait3A_237 = arith.constant 0 : i32
    %dma_wait3A_238 = tpu.memref_slice %arg2[%dma_wait3A_236, %dma_wait3A_237] : memref<10000x32xf32, #tpu.memory_space<hbm>> -> memref<10000x32xf32, #tpu.memory_space<hbm>>
    tpu.wait_indirect_dma semaphore(%arg11 : memref<!tpu.dma_semaphore, #tpu.memory_space<semaphore_mem>>) src(%dma_wait3A_238 : memref<10000x32xf32, #tpu.memory_space<hbm>>) dst(%dma_wait3A_232 : memref<125x32xf32, #tpu.memory_space<vmem>>)
    %dma_wait3A_239 = arith.constant 7 : i32
    %dma_wait3A_240 = arith.constant 0 : i32
    %dma_wait3A_241 = arith.constant 0 : i32
    %dma_wait3A_242 = arith.constant 0 : i32
    %dma_wait3A_243 = tpu.memref_slice %arg8[%dma_wait3A_240, %dma_wait3A_241, %dma_wait3A_242] : memref<2x1000x32xf32, #tpu.memory_space<vmem>> -> memref<1x1000x32xf32, #tpu.memory_space<vmem>>
    %dma_wait3A_244 = tpu.memref_squeeze %dma_wait3A_243 : memref<1x1000x32xf32, #tpu.memory_space<vmem>> -> memref<1000x32xf32, #tpu.memory_space<vmem>>
    %dma_wait3A_245 = arith.constant 875 : i32
    %dma_wait3A_246 = arith.constant 0 : i32
    %dma_wait3A_247 = tpu.memref_slice %dma_wait3A_244[%dma_wait3A_245, %dma_wait3A_246] : memref<1000x32xf32, #tpu.memory_space<vmem>> -> memref<125x32xf32, #tpu.memory_space<vmem>>
    %dma_wait3A_248 = arith.constant 0 : i32
    %dma_wait3A_249 = tpu.memref_slice %arg7[%dma_wait3A_239, %dma_wait3A_248] : memref<40x125xi32, #tpu.memory_space<vmem>> -> memref<1x125xi32, #tpu.memory_space<vmem>>
    %dma_wait3A_250 = tpu.memref_squeeze %dma_wait3A_249 : memref<1x125xi32, #tpu.memory_space<vmem>> -> memref<125xi32, #tpu.memory_space<vmem>>
    %dma_wait3A_251 = arith.constant 0 : i32
    %dma_wait3A_252 = arith.constant 0 : i32
    %dma_wait3A_253 = tpu.memref_slice %arg2[%dma_wait3A_251, %dma_wait3A_252] : memref<10000x32xf32, #tpu.memory_space<hbm>> -> memref<10000x32xf32, #tpu.memory_space<hbm>>
    tpu.wait_indirect_dma semaphore(%arg11 : memref<!tpu.dma_semaphore, #tpu.memory_space<semaphore_mem>>) src(%dma_wait3A_253 : memref<10000x32xf32, #tpu.memory_space<hbm>>) dst(%dma_wait3A_247 : memref<125x32xf32, #tpu.memory_space<vmem>>)
    %mul3A_254 = arith.constant 5000 : i32
    %mul3A_255 = arith.muli %add3A, %mul3A_254 : i32
    %add3A_256 = arith.constant 0 : i32
    %add3A_257 = arith.addi %mul3A_255, %add3A_256 : i32
    %dma_start3A_258 = arith.constant 0 : i32
    %dma_start3A_259 = arith.constant 0 : i32
    %dma_start3A_260 = arith.constant 0 : i32
    %dma_start3A_261 = tpu.memref_slice %arg8[%dma_start3A_258, %dma_start3A_259, %dma_start3A_260] : memref<2x1000x32xf32, #tpu.memory_space<vmem>> -> memref<1x1000x32xf32, #tpu.memory_space<vmem>>
    %dma_start3A_262 = tpu.memref_squeeze %dma_start3A_261 : memref<1x1000x32xf32, #tpu.memory_space<vmem>> -> memref<1000x32xf32, #tpu.memory_space<vmem>>
    %dma_start3A_263 = arith.constant 0 : i32
    %dma_start3A_264 = tpu.memref_slice %arg5[%add3A_257, %dma_start3A_263] : memref<160000x32xf32, #tpu.memory_space<hbm>> -> memref<1000x32xf32, #tpu.memory_space<hbm>>
    %dma_start3A_265 = arith.constant 0 : i32
    %dma_start3A_266 = tpu.memref_slice %arg5[%add3A_257, %dma_start3A_265] : memref<160000x32xf32, #tpu.memory_space<hbm>> -> memref<1000x32xf32, #tpu.memory_space<hbm>>
    %dma_start3A_267 = arith.constant 0 : i32
    %dma_start3A_268 = arith.constant 0 : i32
    %dma_start3A_269 = tpu.memref_slice %arg8[%dma_start3A_258, %dma_start3A_267, %dma_start3A_268] : memref<2x1000x32xf32, #tpu.memory_space<vmem>> -> memref<1x1000x32xf32, #tpu.memory_space<vmem>>
    %dma_start3A_270 = tpu.memref_squeeze %dma_start3A_269 : memref<1x1000x32xf32, #tpu.memory_space<vmem>> -> memref<1000x32xf32, #tpu.memory_space<vmem>>
    tpu.enqueue_dma source(%dma_start3A_270 : memref<1000x32xf32, #tpu.memory_space<vmem>>) target(%dma_start3A_266 : memref<1000x32xf32, #tpu.memory_space<hbm>>) target_semaphore(%arg12 : memref<!tpu.dma_semaphore, #tpu.memory_space<semaphore_mem>>)
    %dma_start3A_271 = arith.constant 8 : i32
    %dma_start3A_272 = arith.constant 1 : i32
    %dma_start3A_273 = arith.constant 0 : i32
    %dma_start3A_274 = arith.constant 0 : i32
    %dma_start3A_275 = tpu.memref_slice %arg8[%dma_start3A_272, %dma_start3A_273, %dma_start3A_274] : memref<2x1000x32xf32, #tpu.memory_space<vmem>> -> memref<1x1000x32xf32, #tpu.memory_space<vmem>>
    %dma_start3A_276 = tpu.memref_squeeze %dma_start3A_275 : memref<1x1000x32xf32, #tpu.memory_space<vmem>> -> memref<1000x32xf32, #tpu.memory_space<vmem>>
    %dma_start3A_277 = arith.constant 0 : i32
    %dma_start3A_278 = arith.constant 0 : i32
    %dma_start3A_279 = tpu.memref_slice %dma_start3A_276[%dma_start3A_277, %dma_start3A_278] : memref<1000x32xf32, #tpu.memory_space<vmem>> -> memref<125x32xf32, #tpu.memory_space<vmem>>
    %dma_start3A_280 = arith.constant 0 : i32
    %dma_start3A_281 = tpu.memref_slice %arg7[%dma_start3A_271, %dma_start3A_280] : memref<40x125xi32, #tpu.memory_space<vmem>> -> memref<1x125xi32, #tpu.memory_space<vmem>>
    %dma_start3A_282 = tpu.memref_squeeze %dma_start3A_281 : memref<1x125xi32, #tpu.memory_space<vmem>> -> memref<125xi32, #tpu.memory_space<vmem>>
    %dma_start3A_283 = arith.constant 0 : i32
    %dma_start3A_284 = arith.constant 0 : i32
    %dma_start3A_285 = tpu.memref_slice %arg2[%dma_start3A_283, %dma_start3A_284] : memref<10000x32xf32, #tpu.memory_space<hbm>> -> memref<10000x32xf32, #tpu.memory_space<hbm>>
    tpu.enqueue_indirect_dma source(%dma_start3A_285 : memref<10000x32xf32, #tpu.memory_space<hbm>>) target(%dma_start3A_279 : memref<125x32xf32, #tpu.memory_space<vmem>>) offsets(%dma_start3A_282 : memref<125xi32, #tpu.memory_space<vmem>>) semaphore(%arg11 : memref<!tpu.dma_semaphore, #tpu.memory_space<semaphore_mem>>)
    %dma_start3A_286 = arith.constant 9 : i32
    %dma_start3A_287 = arith.constant 1 : i32
    %dma_start3A_288 = arith.constant 0 : i32
    %dma_start3A_289 = arith.constant 0 : i32
    %dma_start3A_290 = tpu.memref_slice %arg8[%dma_start3A_287, %dma_start3A_288, %dma_start3A_289] : memref<2x1000x32xf32, #tpu.memory_space<vmem>> -> memref<1x1000x32xf32, #tpu.memory_space<vmem>>
    %dma_start3A_291 = tpu.memref_squeeze %dma_start3A_290 : memref<1x1000x32xf32, #tpu.memory_space<vmem>> -> memref<1000x32xf32, #tpu.memory_space<vmem>>
    %dma_start3A_292 = arith.constant 125 : i32
    %dma_start3A_293 = arith.constant 0 : i32
    %dma_start3A_294 = tpu.memref_slice %dma_start3A_291[%dma_start3A_292, %dma_start3A_293] : memref<1000x32xf32, #tpu.memory_space<vmem>> -> memref<125x32xf32, #tpu.memory_space<vmem>>
    %dma_start3A_295 = arith.constant 0 : i32
    %dma_start3A_296 = tpu.memref_slice %arg7[%dma_start3A_286, %dma_start3A_295] : memref<40x125xi32, #tpu.memory_space<vmem>> -> memref<1x125xi32, #tpu.memory_space<vmem>>
    %dma_start3A_297 = tpu.memref_squeeze %dma_start3A_296 : memref<1x125xi32, #tpu.memory_space<vmem>> -> memref<125xi32, #tpu.memory_space<vmem>>
    %dma_start3A_298 = arith.constant 0 : i32
    %dma_start3A_299 = arith.constant 0 : i32
    %dma_start3A_300 = tpu.memref_slice %arg2[%dma_start3A_298, %dma_start3A_299] : memref<10000x32xf32, #tpu.memory_space<hbm>> -> memref<10000x32xf32, #tpu.memory_space<hbm>>
    tpu.enqueue_indirect_dma source(%dma_start3A_300 : memref<10000x32xf32, #tpu.memory_space<hbm>>) target(%dma_start3A_294 : memref<125x32xf32, #tpu.memory_space<vmem>>) offsets(%dma_start3A_297 : memref<125xi32, #tpu.memory_space<vmem>>) semaphore(%arg11 : memref<!tpu.dma_semaphore, #tpu.memory_space<semaphore_mem>>)
    %dma_start3A_301 = arith.constant 10 : i32
    %dma_start3A_302 = arith.constant 1 : i32
    %dma_start3A_303 = arith.constant 0 : i32
    %dma_start3A_304 = arith.constant 0 : i32
    %dma_start3A_305 = tpu.memref_slice %arg8[%dma_start3A_302, %dma_start3A_303, %dma_start3A_304] : memref<2x1000x32xf32, #tpu.memory_space<vmem>> -> memref<1x1000x32xf32, #tpu.memory_space<vmem>>
    %dma_start3A_306 = tpu.memref_squeeze %dma_start3A_305 : memref<1x1000x32xf32, #tpu.memory_space<vmem>> -> memref<1000x32xf32, #tpu.memory_space<vmem>>
    %dma_start3A_307 = arith.constant 250 : i32
    %dma_start3A_308 = arith.constant 0 : i32
    %dma_start3A_309 = tpu.memref_slice %dma_start3A_306[%dma_start3A_307, %dma_start3A_308] : memref<1000x32xf32, #tpu.memory_space<vmem>> -> memref<125x32xf32, #tpu.memory_space<vmem>>
    %dma_start3A_310 = arith.constant 0 : i32
    %dma_start3A_311 = tpu.memref_slice %arg7[%dma_start3A_301, %dma_start3A_310] : memref<40x125xi32, #tpu.memory_space<vmem>> -> memref<1x125xi32, #tpu.memory_space<vmem>>
    %dma_start3A_312 = tpu.memref_squeeze %dma_start3A_311 : memref<1x125xi32, #tpu.memory_space<vmem>> -> memref<125xi32, #tpu.memory_space<vmem>>
    %dma_start3A_313 = arith.constant 0 : i32
    %dma_start3A_314 = arith.constant 0 : i32
    %dma_start3A_315 = tpu.memref_slice %arg2[%dma_start3A_313, %dma_start3A_314] : memref<10000x32xf32, #tpu.memory_space<hbm>> -> memref<10000x32xf32, #tpu.memory_space<hbm>>
    tpu.enqueue_indirect_dma source(%dma_start3A_315 : memref<10000x32xf32, #tpu.memory_space<hbm>>) target(%dma_start3A_309 : memref<125x32xf32, #tpu.memory_space<vmem>>) offsets(%dma_start3A_312 : memref<125xi32, #tpu.memory_space<vmem>>) semaphore(%arg11 : memref<!tpu.dma_semaphore, #tpu.memory_space<semaphore_mem>>)
    %dma_start3A_316 = arith.constant 11 : i32
    %dma_start3A_317 = arith.constant 1 : i32
    %dma_start3A_318 = arith.constant 0 : i32
    %dma_start3A_319 = arith.constant 0 : i32
    %dma_start3A_320 = tpu.memref_slice %arg8[%dma_start3A_317, %dma_start3A_318, %dma_start3A_319] : memref<2x1000x32xf32, #tpu.memory_space<vmem>> -> memref<1x1000x32xf32, #tpu.memory_space<vmem>>
    %dma_start3A_321 = tpu.memref_squeeze %dma_start3A_320 : memref<1x1000x32xf32, #tpu.memory_space<vmem>> -> memref<1000x32xf32, #tpu.memory_space<vmem>>
    %dma_start3A_322 = arith.constant 375 : i32
    %dma_start3A_323 = arith.constant 0 : i32
    %dma_start3A_324 = tpu.memref_slice %dma_start3A_321[%dma_start3A_322, %dma_start3A_323] : memref<1000x32xf32, #tpu.memory_space<vmem>> -> memref<125x32xf32, #tpu.memory_space<vmem>>
    %dma_start3A_325 = arith.constant 0 : i32
    %dma_start3A_326 = tpu.memref_slice %arg7[%dma_start3A_316, %dma_start3A_325] : memref<40x125xi32, #tpu.memory_space<vmem>> -> memref<1x125xi32, #tpu.memory_space<vmem>>
    %dma_start3A_327 = tpu.memref_squeeze %dma_start3A_326 : memref<1x125xi32, #tpu.memory_space<vmem>> -> memref<125xi32, #tpu.memory_space<vmem>>
    %dma_start3A_328 = arith.constant 0 : i32
    %dma_start3A_329 = arith.constant 0 : i32
    %dma_start3A_330 = tpu.memref_slice %arg2[%dma_start3A_328, %dma_start3A_329] : memref<10000x32xf32, #tpu.memory_space<hbm>> -> memref<10000x32xf32, #tpu.memory_space<hbm>>
    tpu.enqueue_indirect_dma source(%dma_start3A_330 : memref<10000x32xf32, #tpu.memory_space<hbm>>) target(%dma_start3A_324 : memref<125x32xf32, #tpu.memory_space<vmem>>) offsets(%dma_start3A_327 : memref<125xi32, #tpu.memory_space<vmem>>) semaphore(%arg11 : memref<!tpu.dma_semaphore, #tpu.memory_space<semaphore_mem>>)
    %dma_start3A_331 = arith.constant 12 : i32
    %dma_start3A_332 = arith.constant 1 : i32
    %dma_start3A_333 = arith.constant 0 : i32
    %dma_start3A_334 = arith.constant 0 : i32
    %dma_start3A_335 = tpu.memref_slice %arg8[%dma_start3A_332, %dma_start3A_333, %dma_start3A_334] : memref<2x1000x32xf32, #tpu.memory_space<vmem>> -> memref<1x1000x32xf32, #tpu.memory_space<vmem>>
    %dma_start3A_336 = tpu.memref_squeeze %dma_start3A_335 : memref<1x1000x32xf32, #tpu.memory_space<vmem>> -> memref<1000x32xf32, #tpu.memory_space<vmem>>
    %dma_start3A_337 = arith.constant 500 : i32
    %dma_start3A_338 = arith.constant 0 : i32
    %dma_start3A_339 = tpu.memref_slice %dma_start3A_336[%dma_start3A_337, %dma_start3A_338] : memref<1000x32xf32, #tpu.memory_space<vmem>> -> memref<125x32xf32, #tpu.memory_space<vmem>>
    %dma_start3A_340 = arith.constant 0 : i32
    %dma_start3A_341 = tpu.memref_slice %arg7[%dma_start3A_331, %dma_start3A_340] : memref<40x125xi32, #tpu.memory_space<vmem>> -> memref<1x125xi32, #tpu.memory_space<vmem>>
    %dma_start3A_342 = tpu.memref_squeeze %dma_start3A_341 : memref<1x125xi32, #tpu.memory_space<vmem>> -> memref<125xi32, #tpu.memory_space<vmem>>
    %dma_start3A_343 = arith.constant 0 : i32
    %dma_start3A_344 = arith.constant 0 : i32
    %dma_start3A_345 = tpu.memref_slice %arg2[%dma_start3A_343, %dma_start3A_344] : memref<10000x32xf32, #tpu.memory_space<hbm>> -> memref<10000x32xf32, #tpu.memory_space<hbm>>
    tpu.enqueue_indirect_dma source(%dma_start3A_345 : memref<10000x32xf32, #tpu.memory_space<hbm>>) target(%dma_start3A_339 : memref<125x32xf32, #tpu.memory_space<vmem>>) offsets(%dma_start3A_342 : memref<125xi32, #tpu.memory_space<vmem>>) semaphore(%arg11 : memref<!tpu.dma_semaphore, #tpu.memory_space<semaphore_mem>>)
    %dma_start3A_346 = arith.constant 13 : i32
    %dma_start3A_347 = arith.constant 1 : i32
    %dma_start3A_348 = arith.constant 0 : i32
    %dma_start3A_349 = arith.constant 0 : i32
    %dma_start3A_350 = tpu.memref_slice %arg8[%dma_start3A_347, %dma_start3A_348, %dma_start3A_349] : memref<2x1000x32xf32, #tpu.memory_space<vmem>> -> memref<1x1000x32xf32, #tpu.memory_space<vmem>>
    %dma_start3A_351 = tpu.memref_squeeze %dma_start3A_350 : memref<1x1000x32xf32, #tpu.memory_space<vmem>> -> memref<1000x32xf32, #tpu.memory_space<vmem>>
    %dma_start3A_352 = arith.constant 625 : i32
    %dma_start3A_353 = arith.constant 0 : i32
    %dma_start3A_354 = tpu.memref_slice %dma_start3A_351[%dma_start3A_352, %dma_start3A_353] : memref<1000x32xf32, #tpu.memory_space<vmem>> -> memref<125x32xf32, #tpu.memory_space<vmem>>
    %dma_start3A_355 = arith.constant 0 : i32
    %dma_start3A_356 = tpu.memref_slice %arg7[%dma_start3A_346, %dma_start3A_355] : memref<40x125xi32, #tpu.memory_space<vmem>> -> memref<1x125xi32, #tpu.memory_space<vmem>>
    %dma_start3A_357 = tpu.memref_squeeze %dma_start3A_356 : memref<1x125xi32, #tpu.memory_space<vmem>> -> memref<125xi32, #tpu.memory_space<vmem>>
    %dma_start3A_358 = arith.constant 0 : i32
    %dma_start3A_359 = arith.constant 0 : i32
    %dma_start3A_360 = tpu.memref_slice %arg2[%dma_start3A_358, %dma_start3A_359] : memref<10000x32xf32, #tpu.memory_space<hbm>> -> memref<10000x32xf32, #tpu.memory_space<hbm>>
    tpu.enqueue_indirect_dma source(%dma_start3A_360 : memref<10000x32xf32, #tpu.memory_space<hbm>>) target(%dma_start3A_354 : memref<125x32xf32, #tpu.memory_space<vmem>>) offsets(%dma_start3A_357 : memref<125xi32, #tpu.memory_space<vmem>>) semaphore(%arg11 : memref<!tpu.dma_semaphore, #tpu.memory_space<semaphore_mem>>)
    %dma_start3A_361 = arith.constant 14 : i32
    %dma_start3A_362 = arith.constant 1 : i32
    %dma_start3A_363 = arith.constant 0 : i32
    %dma_start3A_364 = arith.constant 0 : i32
    %dma_start3A_365 = tpu.memref_slice %arg8[%dma_start3A_362, %dma_start3A_363, %dma_start3A_364] : memref<2x1000x32xf32, #tpu.memory_space<vmem>> -> memref<1x1000x32xf32, #tpu.memory_space<vmem>>
    %dma_start3A_366 = tpu.memref_squeeze %dma_start3A_365 : memref<1x1000x32xf32, #tpu.memory_space<vmem>> -> memref<1000x32xf32, #tpu.memory_space<vmem>>
    %dma_start3A_367 = arith.constant 750 : i32
    %dma_start3A_368 = arith.constant 0 : i32
    %dma_start3A_369 = tpu.memref_slice %dma_start3A_366[%dma_start3A_367, %dma_start3A_368] : memref<1000x32xf32, #tpu.memory_space<vmem>> -> memref<125x32xf32, #tpu.memory_space<vmem>>
    %dma_start3A_370 = arith.constant 0 : i32
    %dma_start3A_371 = tpu.memref_slice %arg7[%dma_start3A_361, %dma_start3A_370] : memref<40x125xi32, #tpu.memory_space<vmem>> -> memref<1x125xi32, #tpu.memory_space<vmem>>
    %dma_start3A_372 = tpu.memref_squeeze %dma_start3A_371 : memref<1x125xi32, #tpu.memory_space<vmem>> -> memref<125xi32, #tpu.memory_space<vmem>>
    %dma_start3A_373 = arith.constant 0 : i32
    %dma_start3A_374 = arith.constant 0 : i32
    %dma_start3A_375 = tpu.memref_slice %arg2[%dma_start3A_373, %dma_start3A_374] : memref<10000x32xf32, #tpu.memory_space<hbm>> -> memref<10000x32xf32, #tpu.memory_space<hbm>>
    tpu.enqueue_indirect_dma source(%dma_start3A_375 : memref<10000x32xf32, #tpu.memory_space<hbm>>) target(%dma_start3A_369 : memref<125x32xf32, #tpu.memory_space<vmem>>) offsets(%dma_start3A_372 : memref<125xi32, #tpu.memory_space<vmem>>) semaphore(%arg11 : memref<!tpu.dma_semaphore, #tpu.memory_space<semaphore_mem>>)
    %dma_start3A_376 = arith.constant 15 : i32
    %dma_start3A_377 = arith.constant 1 : i32
    %dma_start3A_378 = arith.constant 0 : i32
    %dma_start3A_379 = arith.constant 0 : i32
    %dma_start3A_380 = tpu.memref_slice %arg8[%dma_start3A_377, %dma_start3A_378, %dma_start3A_379] : memref<2x1000x32xf32, #tpu.memory_space<vmem>> -> memref<1x1000x32xf32, #tpu.memory_space<vmem>>
    %dma_start3A_381 = tpu.memref_squeeze %dma_start3A_380 : memref<1x1000x32xf32, #tpu.memory_space<vmem>> -> memref<1000x32xf32, #tpu.memory_space<vmem>>
    %dma_start3A_382 = arith.constant 875 : i32
    %dma_start3A_383 = arith.constant 0 : i32
    %dma_start3A_384 = tpu.memref_slice %dma_start3A_381[%dma_start3A_382, %dma_start3A_383] : memref<1000x32xf32, #tpu.memory_space<vmem>> -> memref<125x32xf32, #tpu.memory_space<vmem>>
    %dma_start3A_385 = arith.constant 0 : i32
    %dma_start3A_386 = tpu.memref_slice %arg7[%dma_start3A_376, %dma_start3A_385] : memref<40x125xi32, #tpu.memory_space<vmem>> -> memref<1x125xi32, #tpu.memory_space<vmem>>
    %dma_start3A_387 = tpu.memref_squeeze %dma_start3A_386 : memref<1x125xi32, #tpu.memory_space<vmem>> -> memref<125xi32, #tpu.memory_space<vmem>>
    %dma_start3A_388 = arith.constant 0 : i32
    %dma_start3A_389 = arith.constant 0 : i32
    %dma_start3A_390 = tpu.memref_slice %arg2[%dma_start3A_388, %dma_start3A_389] : memref<10000x32xf32, #tpu.memory_space<hbm>> -> memref<10000x32xf32, #tpu.memory_space<hbm>>
    tpu.enqueue_indirect_dma source(%dma_start3A_390 : memref<10000x32xf32, #tpu.memory_space<hbm>>) target(%dma_start3A_384 : memref<125x32xf32, #tpu.memory_space<vmem>>) offsets(%dma_start3A_387 : memref<125xi32, #tpu.memory_space<vmem>>) semaphore(%arg11 : memref<!tpu.dma_semaphore, #tpu.memory_space<semaphore_mem>>)
    %mul3A_391 = arith.constant 5000 : i32
    %mul3A_392 = arith.muli %add3A, %mul3A_391 : i32
    %add3A_393 = arith.constant 1000 : i32
    %add3A_394 = arith.addi %mul3A_392, %add3A_393 : i32
    "tpu.region"() ({
      %run_scoped3A = tpu.sem_alloc : memref<!tpu.dma_semaphore, #tpu.memory_space<semaphore_mem>>
      %dma_start3A_1440 = arith.constant 0 : i32
      %dma_start3A_1441 = tpu.memref_slice %arg4[%dma_start3A_1440, %add3A_394] : memref<16x160000xf32, #tpu.memory_space<hbm>> -> memref<16x1000xf32, #tpu.memory_space<hbm>>
      %dma_start3A_1442 = arith.constant 0 : i32
      %dma_start3A_1443 = tpu.memref_slice %arg4[%dma_start3A_1442, %add3A_394] : memref<16x160000xf32, #tpu.memory_space<hbm>> -> memref<16x1000xf32, #tpu.memory_space<hbm>>
      tpu.enqueue_dma source(%dma_start3A_1443 : memref<16x1000xf32, #tpu.memory_space<hbm>>) target(%arg9 : memref<16x1000xf32, #tpu.memory_space<vmem>>) target_semaphore(%run_scoped3A : memref<!tpu.dma_semaphore, #tpu.memory_space<semaphore_mem>>)
      %dma_wait3A_1444 = arith.constant 0 : i32
      %dma_wait3A_1445 = tpu.memref_slice %arg4[%dma_wait3A_1444, %add3A_394] : memref<16x160000xf32, #tpu.memory_space<hbm>> -> memref<16x1000xf32, #tpu.memory_space<hbm>>
      %dma_wait3A_1446 = arith.constant 0 : i32
      %dma_wait3A_1447 = tpu.memref_slice %arg4[%dma_wait3A_1446, %add3A_394] : memref<16x160000xf32, #tpu.memory_space<hbm>> -> memref<16x1000xf32, #tpu.memory_space<hbm>>
      tpu.wait_dma2 semaphore(%run_scoped3A : memref<!tpu.dma_semaphore, #tpu.memory_space<semaphore_mem>>) src(%dma_wait3A_1447 : memref<16x1000xf32, #tpu.memory_space<hbm>>) dst(%arg9 : memref<16x1000xf32, #tpu.memory_space<vmem>>)
      tpu.yield
    }) : () -> ()
    %scan3A_395 = arith.constant 0 : i32
    %scan3A_396 = arith.constant 0 : i32
    %scan3A_397 = arith.constant 250 : i32
    %scan3A_398 = arith.addi %scan3A_396, %scan3A_397 : i32
    %scan3A_399 = arith.constant 1 : i32
    scf.for %scan3A_1440 = %scan3A_396 to %scan3A_398 step %scan3A_399  : i32 {
      %mul3A_1441 = arith.constant 4 : i32
      %mul3A_1442 = arith.muli %mul3A_1441, %scan3A_1440 : i32
      %add3A_1443 = arith.constant 0 : i32
      %add3A_1444 = arith.addi %mul3A_1442, %add3A_1443 : i32
      %broadcast_in_dim3A = vector.broadcast %add3A_1444 : i32 to vector<16xi32>
      %gather3A = tpu.vector_load_idx %arg9[%iota3A, %broadcast_in_dim3A] : memref<16x1000xf32, #tpu.memory_space<vmem>>[vector<16xi32>, vector<16xi32>], vector<16xf32>,
      %swap3A = arith.index_cast %scan3A_1440 : i32 to index
      %swap3A_1445 = arith.constant 0 : index
      %swap3A_1446 = tpu.vector_load %arg10[%swap3A, %swap3A_1445] {strides = array<i32>} : memref<250x64xf32, #tpu.memory_space<vmem>>, vector<16xf32>,
      tpu.vector_store %arg10[%swap3A, %swap3A_1445], %gather3A {strides = array<i32>} : memref<250x64xf32, #tpu.memory_space<vmem>>, vector<16xf32>,
      %mul3A_1447 = arith.constant 4 : i32
      %mul3A_1448 = arith.muli %mul3A_1447, %scan3A_1440 : i32
      %add3A_1449 = arith.constant 1 : i32
      %add3A_1450 = arith.addi %mul3A_1448, %add3A_1449 : i32
      %broadcast_in_dim3A_1451 = vector.broadcast %add3A_1450 : i32 to vector<16xi32>
      %gather3A_1452 = tpu.vector_load_idx %arg9[%iota3A, %broadcast_in_dim3A_1451] : memref<16x1000xf32, #tpu.memory_space<vmem>>[vector<16xi32>, vector<16xi32>], vector<16xf32>,
      %swap3A_1453 = arith.index_cast %scan3A_1440 : i32 to index
      %swap3A_1454 = arith.constant 16 : index
      %swap3A_1455 = tpu.vector_load %arg10[%swap3A_1453, %swap3A_1454] {strides = array<i32>} : memref<250x64xf32, #tpu.memory_space<vmem>>, vector<16xf32>,
      tpu.vector_store %arg10[%swap3A_1453, %swap3A_1454], %gather3A_1452 {strides = array<i32>} : memref<250x64xf32, #tpu.memory_space<vmem>>, vector<16xf32>,
      %mul3A_1456 = arith.constant 4 : i32
      %mul3A_1457 = arith.muli %mul3A_1456, %scan3A_1440 : i32
      %add3A_1458 = arith.constant 2 : i32
      %add3A_1459 = arith.addi %mul3A_1457, %add3A_1458 : i32
      %broadcast_in_dim3A_1460 = vector.broadcast %add3A_1459 : i32 to vector<16xi32>
      %gather3A_1461 = tpu.vector_load_idx %arg9[%iota3A, %broadcast_in_dim3A_1460] : memref<16x1000xf32, #tpu.memory_space<vmem>>[vector<16xi32>, vector<16xi32>], vector<16xf32>,
      %swap3A_1462 = arith.index_cast %scan3A_1440 : i32 to index
      %swap3A_1463 = arith.constant 32 : index
      %swap3A_1464 = tpu.vector_load %arg10[%swap3A_1462, %swap3A_1463] {strides = array<i32>} : memref<250x64xf32, #tpu.memory_space<vmem>>, vector<16xf32>,
      tpu.vector_store %arg10[%swap3A_1462, %swap3A_1463], %gather3A_1461 {strides = array<i32>} : memref<250x64xf32, #tpu.memory_space<vmem>>, vector<16xf32>,
      %mul3A_1465 = arith.constant 4 : i32
      %mul3A_1466 = arith.muli %mul3A_1465, %scan3A_1440 : i32
      %add3A_1467 = arith.constant 3 : i32
      %add3A_1468 = arith.addi %mul3A_1466, %add3A_1467 : i32
      %broadcast_in_dim3A_1469 = vector.broadcast %add3A_1468 : i32 to vector<16xi32>
      %gather3A_1470 = tpu.vector_load_idx %arg9[%iota3A, %broadcast_in_dim3A_1469] : memref<16x1000xf32, #tpu.memory_space<vmem>>[vector<16xi32>, vector<16xi32>], vector<16xf32>,
      %swap3A_1471 = arith.index_cast %scan3A_1440 : i32 to index
      %swap3A_1472 = arith.constant 48 : index
      %swap3A_1473 = tpu.vector_load %arg10[%swap3A_1471, %swap3A_1472] {strides = array<i32>} : memref<250x64xf32, #tpu.memory_space<vmem>>, vector<16xf32>,
      tpu.vector_store %arg10[%swap3A_1471, %swap3A_1472], %gather3A_1470 {strides = array<i32>} : memref<250x64xf32, #tpu.memory_space<vmem>>, vector<16xf32>,
    }
    %scan3A_400 = arith.constant 250 : i32
    %mul3A_401 = arith.constant 5 : i32
    %mul3A_402 = arith.muli %add3A, %mul3A_401 : i32
    %add3A_403 = arith.constant 1 : i32
    %add3A_404 = arith.addi %mul3A_402, %add3A_403 : i32
    "tpu.region"() ({
      %run_scoped3A = tpu.sem_alloc : memref<!tpu.dma_semaphore, #tpu.memory_space<semaphore_mem>>
      %dma_start3A_1440 = arith.constant 0 : i32
      %dma_start3A_1441 = arith.constant 0 : i32
      %dma_start3A_1442 = tpu.memref_slice %arg6[%add3A_404, %dma_start3A_1440, %dma_start3A_1441] : memref<160x250x64xf32, #tpu.memory_space<hbm>> -> memref<1x250x64xf32, #tpu.memory_space<hbm>>
      %dma_start3A_1443 = tpu.memref_squeeze %dma_start3A_1442 : memref<1x250x64xf32, #tpu.memory_space<hbm>> -> memref<250x64xf32, #tpu.memory_space<hbm>>
      %dma_start3A_1444 = arith.constant 0 : i32
      %dma_start3A_1445 = arith.constant 0 : i32
      %dma_start3A_1446 = tpu.memref_slice %arg6[%add3A_404, %dma_start3A_1444, %dma_start3A_1445] : memref<160x250x64xf32, #tpu.memory_space<hbm>> -> memref<1x250x64xf32, #tpu.memory_space<hbm>>
      %dma_start3A_1447 = tpu.memref_squeeze %dma_start3A_1446 : memref<1x250x64xf32, #tpu.memory_space<hbm>> -> memref<250x64xf32, #tpu.memory_space<hbm>>
      tpu.enqueue_dma source(%arg10 : memref<250x64xf32, #tpu.memory_space<vmem>>) target(%dma_start3A_1447 : memref<250x64xf32, #tpu.memory_space<hbm>>) target_semaphore(%run_scoped3A : memref<!tpu.dma_semaphore, #tpu.memory_space<semaphore_mem>>)
      %dma_wait3A_1448 = arith.constant 0 : i32
      %dma_wait3A_1449 = arith.constant 0 : i32
      %dma_wait3A_1450 = tpu.memref_slice %arg6[%add3A_404, %dma_wait3A_1448, %dma_wait3A_1449] : memref<160x250x64xf32, #tpu.memory_space<hbm>> -> memref<1x250x64xf32, #tpu.memory_space<hbm>>
      %dma_wait3A_1451 = tpu.memref_squeeze %dma_wait3A_1450 : memref<1x250x64xf32, #tpu.memory_space<hbm>> -> memref<250x64xf32, #tpu.memory_space<hbm>>
      %dma_wait3A_1452 = arith.constant 0 : i32
      %dma_wait3A_1453 = arith.constant 0 : i32
      %dma_wait3A_1454 = tpu.memref_slice %arg6[%add3A_404, %dma_wait3A_1452, %dma_wait3A_1453] : memref<160x250x64xf32, #tpu.memory_space<hbm>> -> memref<1x250x64xf32, #tpu.memory_space<hbm>>
      %dma_wait3A_1455 = tpu.memref_squeeze %dma_wait3A_1454 : memref<1x250x64xf32, #tpu.memory_space<hbm>> -> memref<250x64xf32, #tpu.memory_space<hbm>>
      tpu.wait_dma2 semaphore(%run_scoped3A : memref<!tpu.dma_semaphore, #tpu.memory_space<semaphore_mem>>) src(%arg10 : memref<250x64xf32, #tpu.memory_space<vmem>>) dst(%dma_wait3A_1455 : memref<250x64xf32, #tpu.memory_space<hbm>>)
      tpu.yield
    }) : () -> ()
    %dma_wait3A_405 = arith.constant 8 : i32
    %dma_wait3A_406 = arith.constant 1 : i32
    %dma_wait3A_407 = arith.constant 0 : i32
    %dma_wait3A_408 = arith.constant 0 : i32
    %dma_wait3A_409 = tpu.memref_slice %arg8[%dma_wait3A_406, %dma_wait3A_407, %dma_wait3A_408] : memref<2x1000x32xf32, #tpu.memory_space<vmem>> -> memref<1x1000x32xf32, #tpu.memory_space<vmem>>
    %dma_wait3A_410 = tpu.memref_squeeze %dma_wait3A_409 : memref<1x1000x32xf32, #tpu.memory_space<vmem>> -> memref<1000x32xf32, #tpu.memory_space<vmem>>
    %dma_wait3A_411 = arith.constant 0 : i32
    %dma_wait3A_412 = arith.constant 0 : i32
    %dma_wait3A_413 = tpu.memref_slice %dma_wait3A_410[%dma_wait3A_411, %dma_wait3A_412] : memref<1000x32xf32, #tpu.memory_space<vmem>> -> memref<125x32xf32, #tpu.memory_space<vmem>>
    %dma_wait3A_414 = arith.constant 0 : i32
    %dma_wait3A_415 = tpu.memref_slice %arg7[%dma_wait3A_405, %dma_wait3A_414] : memref<40x125xi32, #tpu.memory_space<vmem>> -> memref<1x125xi32, #tpu.memory_space<vmem>>
    %dma_wait3A_416 = tpu.memref_squeeze %dma_wait3A_415 : memref<1x125xi32, #tpu.memory_space<vmem>> -> memref<125xi32, #tpu.memory_space<vmem>>
    %dma_wait3A_417 = arith.constant 0 : i32
    %dma_wait3A_418 = arith.constant 0 : i32
    %dma_wait3A_419 = tpu.memref_slice %arg2[%dma_wait3A_417, %dma_wait3A_418] : memref<10000x32xf32, #tpu.memory_space<hbm>> -> memref<10000x32xf32, #tpu.memory_space<hbm>>
    tpu.wait_indirect_dma semaphore(%arg11 : memref<!tpu.dma_semaphore, #tpu.memory_space<semaphore_mem>>) src(%dma_wait3A_419 : memref<10000x32xf32, #tpu.memory_space<hbm>>) dst(%dma_wait3A_413 : memref<125x32xf32, #tpu.memory_space<vmem>>)
    %dma_wait3A_420 = arith.constant 9 : i32
    %dma_wait3A_421 = arith.constant 1 : i32
    %dma_wait3A_422 = arith.constant 0 : i32
    %dma_wait3A_423 = arith.constant 0 : i32
    %dma_wait3A_424 = tpu.memref_slice %arg8[%dma_wait3A_421, %dma_wait3A_422, %dma_wait3A_423] : memref<2x1000x32xf32, #tpu.memory_space<vmem>> -> memref<1x1000x32xf32, #tpu.memory_space<vmem>>
    %dma_wait3A_425 = tpu.memref_squeeze %dma_wait3A_424 : memref<1x1000x32xf32, #tpu.memory_space<vmem>> -> memref<1000x32xf32, #tpu.memory_space<vmem>>
    %dma_wait3A_426 = arith.constant 125 : i32
    %dma_wait3A_427 = arith.constant 0 : i32
    %dma_wait3A_428 = tpu.memref_slice %dma_wait3A_425[%dma_wait3A_426, %dma_wait3A_427] : memref<1000x32xf32, #tpu.memory_space<vmem>> -> memref<125x32xf32, #tpu.memory_space<vmem>>
    %dma_wait3A_429 = arith.constant 0 : i32
    %dma_wait3A_430 = tpu.memref_slice %arg7[%dma_wait3A_420, %dma_wait3A_429] : memref<40x125xi32, #tpu.memory_space<vmem>> -> memref<1x125xi32, #tpu.memory_space<vmem>>
    %dma_wait3A_431 = tpu.memref_squeeze %dma_wait3A_430 : memref<1x125xi32, #tpu.memory_space<vmem>> -> memref<125xi32, #tpu.memory_space<vmem>>
    %dma_wait3A_432 = arith.constant 0 : i32
    %dma_wait3A_433 = arith.constant 0 : i32
    %dma_wait3A_434 = tpu.memref_slice %arg2[%dma_wait3A_432, %dma_wait3A_433] : memref<10000x32xf32, #tpu.memory_space<hbm>> -> memref<10000x32xf32, #tpu.memory_space<hbm>>
    tpu.wait_indirect_dma semaphore(%arg11 : memref<!tpu.dma_semaphore, #tpu.memory_space<semaphore_mem>>) src(%dma_wait3A_434 : memref<10000x32xf32, #tpu.memory_space<hbm>>) dst(%dma_wait3A_428 : memref<125x32xf32, #tpu.memory_space<vmem>>)
    %dma_wait3A_435 = arith.constant 10 : i32
    %dma_wait3A_436 = arith.constant 1 : i32
    %dma_wait3A_437 = arith.constant 0 : i32
    %dma_wait3A_438 = arith.constant 0 : i32
    %dma_wait3A_439 = tpu.memref_slice %arg8[%dma_wait3A_436, %dma_wait3A_437, %dma_wait3A_438] : memref<2x1000x32xf32, #tpu.memory_space<vmem>> -> memref<1x1000x32xf32, #tpu.memory_space<vmem>>
    %dma_wait3A_440 = tpu.memref_squeeze %dma_wait3A_439 : memref<1x1000x32xf32, #tpu.memory_space<vmem>> -> memref<1000x32xf32, #tpu.memory_space<vmem>>
    %dma_wait3A_441 = arith.constant 250 : i32
    %dma_wait3A_442 = arith.constant 0 : i32
    %dma_wait3A_443 = tpu.memref_slice %dma_wait3A_440[%dma_wait3A_441, %dma_wait3A_442] : memref<1000x32xf32, #tpu.memory_space<vmem>> -> memref<125x32xf32, #tpu.memory_space<vmem>>
    %dma_wait3A_444 = arith.constant 0 : i32
    %dma_wait3A_445 = tpu.memref_slice %arg7[%dma_wait3A_435, %dma_wait3A_444] : memref<40x125xi32, #tpu.memory_space<vmem>> -> memref<1x125xi32, #tpu.memory_space<vmem>>
    %dma_wait3A_446 = tpu.memref_squeeze %dma_wait3A_445 : memref<1x125xi32, #tpu.memory_space<vmem>> -> memref<125xi32, #tpu.memory_space<vmem>>
    %dma_wait3A_447 = arith.constant 0 : i32
    %dma_wait3A_448 = arith.constant 0 : i32
    %dma_wait3A_449 = tpu.memref_slice %arg2[%dma_wait3A_447, %dma_wait3A_448] : memref<10000x32xf32, #tpu.memory_space<hbm>> -> memref<10000x32xf32, #tpu.memory_space<hbm>>
    tpu.wait_indirect_dma semaphore(%arg11 : memref<!tpu.dma_semaphore, #tpu.memory_space<semaphore_mem>>) src(%dma_wait3A_449 : memref<10000x32xf32, #tpu.memory_space<hbm>>) dst(%dma_wait3A_443 : memref<125x32xf32, #tpu.memory_space<vmem>>)
    %dma_wait3A_450 = arith.constant 11 : i32
    %dma_wait3A_451 = arith.constant 1 : i32
    %dma_wait3A_452 = arith.constant 0 : i32
    %dma_wait3A_453 = arith.constant 0 : i32
    %dma_wait3A_454 = tpu.memref_slice %arg8[%dma_wait3A_451, %dma_wait3A_452, %dma_wait3A_453] : memref<2x1000x32xf32, #tpu.memory_space<vmem>> -> memref<1x1000x32xf32, #tpu.memory_space<vmem>>
    %dma_wait3A_455 = tpu.memref_squeeze %dma_wait3A_454 : memref<1x1000x32xf32, #tpu.memory_space<vmem>> -> memref<1000x32xf32, #tpu.memory_space<vmem>>
    %dma_wait3A_456 = arith.constant 375 : i32
    %dma_wait3A_457 = arith.constant 0 : i32
    %dma_wait3A_458 = tpu.memref_slice %dma_wait3A_455[%dma_wait3A_456, %dma_wait3A_457] : memref<1000x32xf32, #tpu.memory_space<vmem>> -> memref<125x32xf32, #tpu.memory_space<vmem>>
    %dma_wait3A_459 = arith.constant 0 : i32
    %dma_wait3A_460 = tpu.memref_slice %arg7[%dma_wait3A_450, %dma_wait3A_459] : memref<40x125xi32, #tpu.memory_space<vmem>> -> memref<1x125xi32, #tpu.memory_space<vmem>>
    %dma_wait3A_461 = tpu.memref_squeeze %dma_wait3A_460 : memref<1x125xi32, #tpu.memory_space<vmem>> -> memref<125xi32, #tpu.memory_space<vmem>>
    %dma_wait3A_462 = arith.constant 0 : i32
    %dma_wait3A_463 = arith.constant 0 : i32
    %dma_wait3A_464 = tpu.memref_slice %arg2[%dma_wait3A_462, %dma_wait3A_463] : memref<10000x32xf32, #tpu.memory_space<hbm>> -> memref<10000x32xf32, #tpu.memory_space<hbm>>
    tpu.wait_indirect_dma semaphore(%arg11 : memref<!tpu.dma_semaphore, #tpu.memory_space<semaphore_mem>>) src(%dma_wait3A_464 : memref<10000x32xf32, #tpu.memory_space<hbm>>) dst(%dma_wait3A_458 : memref<125x32xf32, #tpu.memory_space<vmem>>)
    %dma_wait3A_465 = arith.constant 12 : i32
    %dma_wait3A_466 = arith.constant 1 : i32
    %dma_wait3A_467 = arith.constant 0 : i32
    %dma_wait3A_468 = arith.constant 0 : i32
    %dma_wait3A_469 = tpu.memref_slice %arg8[%dma_wait3A_466, %dma_wait3A_467, %dma_wait3A_468] : memref<2x1000x32xf32, #tpu.memory_space<vmem>> -> memref<1x1000x32xf32, #tpu.memory_space<vmem>>
    %dma_wait3A_470 = tpu.memref_squeeze %dma_wait3A_469 : memref<1x1000x32xf32, #tpu.memory_space<vmem>> -> memref<1000x32xf32, #tpu.memory_space<vmem>>
    %dma_wait3A_471 = arith.constant 500 : i32
    %dma_wait3A_472 = arith.constant 0 : i32
    %dma_wait3A_473 = tpu.memref_slice %dma_wait3A_470[%dma_wait3A_471, %dma_wait3A_472] : memref<1000x32xf32, #tpu.memory_space<vmem>> -> memref<125x32xf32, #tpu.memory_space<vmem>>
    %dma_wait3A_474 = arith.constant 0 : i32
    %dma_wait3A_475 = tpu.memref_slice %arg7[%dma_wait3A_465, %dma_wait3A_474] : memref<40x125xi32, #tpu.memory_space<vmem>> -> memref<1x125xi32, #tpu.memory_space<vmem>>
    %dma_wait3A_476 = tpu.memref_squeeze %dma_wait3A_475 : memref<1x125xi32, #tpu.memory_space<vmem>> -> memref<125xi32, #tpu.memory_space<vmem>>
    %dma_wait3A_477 = arith.constant 0 : i32
    %dma_wait3A_478 = arith.constant 0 : i32
    %dma_wait3A_479 = tpu.memref_slice %arg2[%dma_wait3A_477, %dma_wait3A_478] : memref<10000x32xf32, #tpu.memory_space<hbm>> -> memref<10000x32xf32, #tpu.memory_space<hbm>>
    tpu.wait_indirect_dma semaphore(%arg11 : memref<!tpu.dma_semaphore, #tpu.memory_space<semaphore_mem>>) src(%dma_wait3A_479 : memref<10000x32xf32, #tpu.memory_space<hbm>>) dst(%dma_wait3A_473 : memref<125x32xf32, #tpu.memory_space<vmem>>)
    %dma_wait3A_480 = arith.constant 13 : i32
    %dma_wait3A_481 = arith.constant 1 : i32
    %dma_wait3A_482 = arith.constant 0 : i32
    %dma_wait3A_483 = arith.constant 0 : i32
    %dma_wait3A_484 = tpu.memref_slice %arg8[%dma_wait3A_481, %dma_wait3A_482, %dma_wait3A_483] : memref<2x1000x32xf32, #tpu.memory_space<vmem>> -> memref<1x1000x32xf32, #tpu.memory_space<vmem>>
    %dma_wait3A_485 = tpu.memref_squeeze %dma_wait3A_484 : memref<1x1000x32xf32, #tpu.memory_space<vmem>> -> memref<1000x32xf32, #tpu.memory_space<vmem>>
    %dma_wait3A_486 = arith.constant 625 : i32
    %dma_wait3A_487 = arith.constant 0 : i32
    %dma_wait3A_488 = tpu.memref_slice %dma_wait3A_485[%dma_wait3A_486, %dma_wait3A_487] : memref<1000x32xf32, #tpu.memory_space<vmem>> -> memref<125x32xf32, #tpu.memory_space<vmem>>
    %dma_wait3A_489 = arith.constant 0 : i32
    %dma_wait3A_490 = tpu.memref_slice %arg7[%dma_wait3A_480, %dma_wait3A_489] : memref<40x125xi32, #tpu.memory_space<vmem>> -> memref<1x125xi32, #tpu.memory_space<vmem>>
    %dma_wait3A_491 = tpu.memref_squeeze %dma_wait3A_490 : memref<1x125xi32, #tpu.memory_space<vmem>> -> memref<125xi32, #tpu.memory_space<vmem>>
    %dma_wait3A_492 = arith.constant 0 : i32
    %dma_wait3A_493 = arith.constant 0 : i32
    %dma_wait3A_494 = tpu.memref_slice %arg2[%dma_wait3A_492, %dma_wait3A_493] : memref<10000x32xf32, #tpu.memory_space<hbm>> -> memref<10000x32xf32, #tpu.memory_space<hbm>>
    tpu.wait_indirect_dma semaphore(%arg11 : memref<!tpu.dma_semaphore, #tpu.memory_space<semaphore_mem>>) src(%dma_wait3A_494 : memref<10000x32xf32, #tpu.memory_space<hbm>>) dst(%dma_wait3A_488 : memref<125x32xf32, #tpu.memory_space<vmem>>)
    %dma_wait3A_495 = arith.constant 14 : i32
    %dma_wait3A_496 = arith.constant 1 : i32
    %dma_wait3A_497 = arith.constant 0 : i32
    %dma_wait3A_498 = arith.constant 0 : i32
    %dma_wait3A_499 = tpu.memref_slice %arg8[%dma_wait3A_496, %dma_wait3A_497, %dma_wait3A_498] : memref<2x1000x32xf32, #tpu.memory_space<vmem>> -> memref<1x1000x32xf32, #tpu.memory_space<vmem>>
    %dma_wait3A_500 = tpu.memref_squeeze %dma_wait3A_499 : memref<1x1000x32xf32, #tpu.memory_space<vmem>> -> memref<1000x32xf32, #tpu.memory_space<vmem>>
    %dma_wait3A_501 = arith.constant 750 : i32
    %dma_wait3A_502 = arith.constant 0 : i32
    %dma_wait3A_503 = tpu.memref_slice %dma_wait3A_500[%dma_wait3A_501, %dma_wait3A_502] : memref<1000x32xf32, #tpu.memory_space<vmem>> -> memref<125x32xf32, #tpu.memory_space<vmem>>
    %dma_wait3A_504 = arith.constant 0 : i32
    %dma_wait3A_505 = tpu.memref_slice %arg7[%dma_wait3A_495, %dma_wait3A_504] : memref<40x125xi32, #tpu.memory_space<vmem>> -> memref<1x125xi32, #tpu.memory_space<vmem>>
    %dma_wait3A_506 = tpu.memref_squeeze %dma_wait3A_505 : memref<1x125xi32, #tpu.memory_space<vmem>> -> memref<125xi32, #tpu.memory_space<vmem>>
    %dma_wait3A_507 = arith.constant 0 : i32
    %dma_wait3A_508 = arith.constant 0 : i32
    %dma_wait3A_509 = tpu.memref_slice %arg2[%dma_wait3A_507, %dma_wait3A_508] : memref<10000x32xf32, #tpu.memory_space<hbm>> -> memref<10000x32xf32, #tpu.memory_space<hbm>>
    tpu.wait_indirect_dma semaphore(%arg11 : memref<!tpu.dma_semaphore, #tpu.memory_space<semaphore_mem>>) src(%dma_wait3A_509 : memref<10000x32xf32, #tpu.memory_space<hbm>>) dst(%dma_wait3A_503 : memref<125x32xf32, #tpu.memory_space<vmem>>)
    %dma_wait3A_510 = arith.constant 15 : i32
    %dma_wait3A_511 = arith.constant 1 : i32
    %dma_wait3A_512 = arith.constant 0 : i32
    %dma_wait3A_513 = arith.constant 0 : i32
    %dma_wait3A_514 = tpu.memref_slice %arg8[%dma_wait3A_511, %dma_wait3A_512, %dma_wait3A_513] : memref<2x1000x32xf32, #tpu.memory_space<vmem>> -> memref<1x1000x32xf32, #tpu.memory_space<vmem>>
    %dma_wait3A_515 = tpu.memref_squeeze %dma_wait3A_514 : memref<1x1000x32xf32, #tpu.memory_space<vmem>> -> memref<1000x32xf32, #tpu.memory_space<vmem>>
    %dma_wait3A_516 = arith.constant 875 : i32
    %dma_wait3A_517 = arith.constant 0 : i32
    %dma_wait3A_518 = tpu.memref_slice %dma_wait3A_515[%dma_wait3A_516, %dma_wait3A_517] : memref<1000x32xf32, #tpu.memory_space<vmem>> -> memref<125x32xf32, #tpu.memory_space<vmem>>
    %dma_wait3A_519 = arith.constant 0 : i32
    %dma_wait3A_520 = tpu.memref_slice %arg7[%dma_wait3A_510, %dma_wait3A_519] : memref<40x125xi32, #tpu.memory_space<vmem>> -> memref<1x125xi32, #tpu.memory_space<vmem>>
    %dma_wait3A_521 = tpu.memref_squeeze %dma_wait3A_520 : memref<1x125xi32, #tpu.memory_space<vmem>> -> memref<125xi32, #tpu.memory_space<vmem>>
    %dma_wait3A_522 = arith.constant 0 : i32
    %dma_wait3A_523 = arith.constant 0 : i32
    %dma_wait3A_524 = tpu.memref_slice %arg2[%dma_wait3A_522, %dma_wait3A_523] : memref<10000x32xf32, #tpu.memory_space<hbm>> -> memref<10000x32xf32, #tpu.memory_space<hbm>>
    tpu.wait_indirect_dma semaphore(%arg11 : memref<!tpu.dma_semaphore, #tpu.memory_space<semaphore_mem>>) src(%dma_wait3A_524 : memref<10000x32xf32, #tpu.memory_space<hbm>>) dst(%dma_wait3A_518 : memref<125x32xf32, #tpu.memory_space<vmem>>)
    %mul3A_525 = arith.constant 5000 : i32
    %mul3A_526 = arith.muli %add3A, %mul3A_525 : i32
    %add3A_527 = arith.constant 1000 : i32
    %add3A_528 = arith.addi %mul3A_526, %add3A_527 : i32
    %dma_start3A_529 = arith.constant 1 : i32
    %dma_start3A_530 = arith.constant 0 : i32
    %dma_start3A_531 = arith.constant 0 : i32
    %dma_start3A_532 = tpu.memref_slice %arg8[%dma_start3A_529, %dma_start3A_530, %dma_start3A_531] : memref<2x1000x32xf32, #tpu.memory_space<vmem>> -> memref<1x1000x32xf32, #tpu.memory_space<vmem>>
    %dma_start3A_533 = tpu.memref_squeeze %dma_start3A_532 : memref<1x1000x32xf32, #tpu.memory_space<vmem>> -> memref<1000x32xf32, #tpu.memory_space<vmem>>
    %dma_start3A_534 = arith.constant 0 : i32
    %dma_start3A_535 = tpu.memref_slice %arg5[%add3A_528, %dma_start3A_534] : memref<160000x32xf32, #tpu.memory_space<hbm>> -> memref<1000x32xf32, #tpu.memory_space<hbm>>
    %dma_start3A_536 = arith.constant 0 : i32
    %dma_start3A_537 = tpu.memref_slice %arg5[%add3A_528, %dma_start3A_536] : memref<160000x32xf32, #tpu.memory_space<hbm>> -> memref<1000x32xf32, #tpu.memory_space<hbm>>
    %dma_start3A_538 = arith.constant 0 : i32
    %dma_start3A_539 = arith.constant 0 : i32
    %dma_start3A_540 = tpu.memref_slice %arg8[%dma_start3A_529, %dma_start3A_538, %dma_start3A_539] : memref<2x1000x32xf32, #tpu.memory_space<vmem>> -> memref<1x1000x32xf32, #tpu.memory_space<vmem>>
    %dma_start3A_541 = tpu.memref_squeeze %dma_start3A_540 : memref<1x1000x32xf32, #tpu.memory_space<vmem>> -> memref<1000x32xf32, #tpu.memory_space<vmem>>
    tpu.enqueue_dma source(%dma_start3A_541 : memref<1000x32xf32, #tpu.memory_space<vmem>>) target(%dma_start3A_537 : memref<1000x32xf32, #tpu.memory_space<hbm>>) target_semaphore(%arg12 : memref<!tpu.dma_semaphore, #tpu.memory_space<semaphore_mem>>)
    %mul3A_542 = arith.constant 5000 : i32
    %mul3A_543 = arith.muli %add3A, %mul3A_542 : i32
    %add3A_544 = arith.constant 0 : i32
    %add3A_545 = arith.addi %mul3A_543, %add3A_544 : i32
    %dma_wait3A_546 = arith.constant 0 : i32
    %dma_wait3A_547 = arith.constant 0 : i32
    %dma_wait3A_548 = arith.constant 0 : i32
    %dma_wait3A_549 = tpu.memref_slice %arg8[%dma_wait3A_546, %dma_wait3A_547, %dma_wait3A_548] : memref<2x1000x32xf32, #tpu.memory_space<vmem>> -> memref<1x1000x32xf32, #tpu.memory_space<vmem>>
    %dma_wait3A_550 = tpu.memref_squeeze %dma_wait3A_549 : memref<1x1000x32xf32, #tpu.memory_space<vmem>> -> memref<1000x32xf32, #tpu.memory_space<vmem>>
    %dma_wait3A_551 = arith.constant 0 : i32
    %dma_wait3A_552 = tpu.memref_slice %arg5[%add3A_545, %dma_wait3A_551] : memref<160000x32xf32, #tpu.memory_space<hbm>> -> memref<1000x32xf32, #tpu.memory_space<hbm>>
    %dma_wait3A_553 = arith.constant 0 : i32
    %dma_wait3A_554 = tpu.memref_slice %arg5[%add3A_545, %dma_wait3A_553] : memref<160000x32xf32, #tpu.memory_space<hbm>> -> memref<1000x32xf32, #tpu.memory_space<hbm>>
    %dma_wait3A_555 = arith.constant 0 : i32
    %dma_wait3A_556 = arith.constant 0 : i32
    %dma_wait3A_557 = tpu.memref_slice %arg8[%dma_wait3A_546, %dma_wait3A_555, %dma_wait3A_556] : memref<2x1000x32xf32, #tpu.memory_space<vmem>> -> memref<1x1000x32xf32, #tpu.memory_space<vmem>>
    %dma_wait3A_558 = tpu.memref_squeeze %dma_wait3A_557 : memref<1x1000x32xf32, #tpu.memory_space<vmem>> -> memref<1000x32xf32, #tpu.memory_space<vmem>>
    tpu.wait_dma2 semaphore(%arg12 : memref<!tpu.dma_semaphore, #tpu.memory_space<semaphore_mem>>) src(%dma_wait3A_558 : memref<1000x32xf32, #tpu.memory_space<vmem>>) dst(%dma_wait3A_554 : memref<1000x32xf32, #tpu.memory_space<hbm>>)
    %dma_start3A_559 = arith.constant 16 : i32
    %dma_start3A_560 = arith.constant 0 : i32
    %dma_start3A_561 = arith.constant 0 : i32
    %dma_start3A_562 = arith.constant 0 : i32
    %dma_start3A_563 = tpu.memref_slice %arg8[%dma_start3A_560, %dma_start3A_561, %dma_start3A_562] : memref<2x1000x32xf32, #tpu.memory_space<vmem>> -> memref<1x1000x32xf32, #tpu.memory_space<vmem>>
    %dma_start3A_564 = tpu.memref_squeeze %dma_start3A_563 : memref<1x1000x32xf32, #tpu.memory_space<vmem>> -> memref<1000x32xf32, #tpu.memory_space<vmem>>
    %dma_start3A_565 = arith.constant 0 : i32
    %dma_start3A_566 = arith.constant 0 : i32
    %dma_start3A_567 = tpu.memref_slice %dma_start3A_564[%dma_start3A_565, %dma_start3A_566] : memref<1000x32xf32, #tpu.memory_space<vmem>> -> memref<125x32xf32, #tpu.memory_space<vmem>>
    %dma_start3A_568 = arith.constant 0 : i32
    %dma_start3A_569 = tpu.memref_slice %arg7[%dma_start3A_559, %dma_start3A_568] : memref<40x125xi32, #tpu.memory_space<vmem>> -> memref<1x125xi32, #tpu.memory_space<vmem>>
    %dma_start3A_570 = tpu.memref_squeeze %dma_start3A_569 : memref<1x125xi32, #tpu.memory_space<vmem>> -> memref<125xi32, #tpu.memory_space<vmem>>
    %dma_start3A_571 = arith.constant 0 : i32
    %dma_start3A_572 = arith.constant 0 : i32
    %dma_start3A_573 = tpu.memref_slice %arg2[%dma_start3A_571, %dma_start3A_572] : memref<10000x32xf32, #tpu.memory_space<hbm>> -> memref<10000x32xf32, #tpu.memory_space<hbm>>
    tpu.enqueue_indirect_dma source(%dma_start3A_573 : memref<10000x32xf32, #tpu.memory_space<hbm>>) target(%dma_start3A_567 : memref<125x32xf32, #tpu.memory_space<vmem>>) offsets(%dma_start3A_570 : memref<125xi32, #tpu.memory_space<vmem>>) semaphore(%arg11 : memref<!tpu.dma_semaphore, #tpu.memory_space<semaphore_mem>>)
    %dma_start3A_574 = arith.constant 17 : i32
    %dma_start3A_575 = arith.constant 0 : i32
    %dma_start3A_576 = arith.constant 0 : i32
    %dma_start3A_577 = arith.constant 0 : i32
    %dma_start3A_578 = tpu.memref_slice %arg8[%dma_start3A_575, %dma_start3A_576, %dma_start3A_577] : memref<2x1000x32xf32, #tpu.memory_space<vmem>> -> memref<1x1000x32xf32, #tpu.memory_space<vmem>>
    %dma_start3A_579 = tpu.memref_squeeze %dma_start3A_578 : memref<1x1000x32xf32, #tpu.memory_space<vmem>> -> memref<1000x32xf32, #tpu.memory_space<vmem>>
    %dma_start3A_580 = arith.constant 125 : i32
    %dma_start3A_581 = arith.constant 0 : i32
    %dma_start3A_582 = tpu.memref_slice %dma_start3A_579[%dma_start3A_580, %dma_start3A_581] : memref<1000x32xf32, #tpu.memory_space<vmem>> -> memref<125x32xf32, #tpu.memory_space<vmem>>
    %dma_start3A_583 = arith.constant 0 : i32
    %dma_start3A_584 = tpu.memref_slice %arg7[%dma_start3A_574, %dma_start3A_583] : memref<40x125xi32, #tpu.memory_space<vmem>> -> memref<1x125xi32, #tpu.memory_space<vmem>>
    %dma_start3A_585 = tpu.memref_squeeze %dma_start3A_584 : memref<1x125xi32, #tpu.memory_space<vmem>> -> memref<125xi32, #tpu.memory_space<vmem>>
    %dma_start3A_586 = arith.constant 0 : i32
    %dma_start3A_587 = arith.constant 0 : i32
    %dma_start3A_588 = tpu.memref_slice %arg2[%dma_start3A_586, %dma_start3A_587] : memref<10000x32xf32, #tpu.memory_space<hbm>> -> memref<10000x32xf32, #tpu.memory_space<hbm>>
    tpu.enqueue_indirect_dma source(%dma_start3A_588 : memref<10000x32xf32, #tpu.memory_space<hbm>>) target(%dma_start3A_582 : memref<125x32xf32, #tpu.memory_space<vmem>>) offsets(%dma_start3A_585 : memref<125xi32, #tpu.memory_space<vmem>>) semaphore(%arg11 : memref<!tpu.dma_semaphore, #tpu.memory_space<semaphore_mem>>)
    %dma_start3A_589 = arith.constant 18 : i32
    %dma_start3A_590 = arith.constant 0 : i32
    %dma_start3A_591 = arith.constant 0 : i32
    %dma_start3A_592 = arith.constant 0 : i32
    %dma_start3A_593 = tpu.memref_slice %arg8[%dma_start3A_590, %dma_start3A_591, %dma_start3A_592] : memref<2x1000x32xf32, #tpu.memory_space<vmem>> -> memref<1x1000x32xf32, #tpu.memory_space<vmem>>
    %dma_start3A_594 = tpu.memref_squeeze %dma_start3A_593 : memref<1x1000x32xf32, #tpu.memory_space<vmem>> -> memref<1000x32xf32, #tpu.memory_space<vmem>>
    %dma_start3A_595 = arith.constant 250 : i32
    %dma_start3A_596 = arith.constant 0 : i32
    %dma_start3A_597 = tpu.memref_slice %dma_start3A_594[%dma_start3A_595, %dma_start3A_596] : memref<1000x32xf32, #tpu.memory_space<vmem>> -> memref<125x32xf32, #tpu.memory_space<vmem>>
    %dma_start3A_598 = arith.constant 0 : i32
    %dma_start3A_599 = tpu.memref_slice %arg7[%dma_start3A_589, %dma_start3A_598] : memref<40x125xi32, #tpu.memory_space<vmem>> -> memref<1x125xi32, #tpu.memory_space<vmem>>
    %dma_start3A_600 = tpu.memref_squeeze %dma_start3A_599 : memref<1x125xi32, #tpu.memory_space<vmem>> -> memref<125xi32, #tpu.memory_space<vmem>>
    %dma_start3A_601 = arith.constant 0 : i32
    %dma_start3A_602 = arith.constant 0 : i32
    %dma_start3A_603 = tpu.memref_slice %arg2[%dma_start3A_601, %dma_start3A_602] : memref<10000x32xf32, #tpu.memory_space<hbm>> -> memref<10000x32xf32, #tpu.memory_space<hbm>>
    tpu.enqueue_indirect_dma source(%dma_start3A_603 : memref<10000x32xf32, #tpu.memory_space<hbm>>) target(%dma_start3A_597 : memref<125x32xf32, #tpu.memory_space<vmem>>) offsets(%dma_start3A_600 : memref<125xi32, #tpu.memory_space<vmem>>) semaphore(%arg11 : memref<!tpu.dma_semaphore, #tpu.memory_space<semaphore_mem>>)
    %dma_start3A_604 = arith.constant 19 : i32
    %dma_start3A_605 = arith.constant 0 : i32
    %dma_start3A_606 = arith.constant 0 : i32
    %dma_start3A_607 = arith.constant 0 : i32
    %dma_start3A_608 = tpu.memref_slice %arg8[%dma_start3A_605, %dma_start3A_606, %dma_start3A_607] : memref<2x1000x32xf32, #tpu.memory_space<vmem>> -> memref<1x1000x32xf32, #tpu.memory_space<vmem>>
    %dma_start3A_609 = tpu.memref_squeeze %dma_start3A_608 : memref<1x1000x32xf32, #tpu.memory_space<vmem>> -> memref<1000x32xf32, #tpu.memory_space<vmem>>
    %dma_start3A_610 = arith.constant 375 : i32
    %dma_start3A_611 = arith.constant 0 : i32
    %dma_start3A_612 = tpu.memref_slice %dma_start3A_609[%dma_start3A_610, %dma_start3A_611] : memref<1000x32xf32, #tpu.memory_space<vmem>> -> memref<125x32xf32, #tpu.memory_space<vmem>>
    %dma_start3A_613 = arith.constant 0 : i32
    %dma_start3A_614 = tpu.memref_slice %arg7[%dma_start3A_604, %dma_start3A_613] : memref<40x125xi32, #tpu.memory_space<vmem>> -> memref<1x125xi32, #tpu.memory_space<vmem>>
    %dma_start3A_615 = tpu.memref_squeeze %dma_start3A_614 : memref<1x125xi32, #tpu.memory_space<vmem>> -> memref<125xi32, #tpu.memory_space<vmem>>
    %dma_start3A_616 = arith.constant 0 : i32
    %dma_start3A_617 = arith.constant 0 : i32
    %dma_start3A_618 = tpu.memref_slice %arg2[%dma_start3A_616, %dma_start3A_617] : memref<10000x32xf32, #tpu.memory_space<hbm>> -> memref<10000x32xf32, #tpu.memory_space<hbm>>
    tpu.enqueue_indirect_dma source(%dma_start3A_618 : memref<10000x32xf32, #tpu.memory_space<hbm>>) target(%dma_start3A_612 : memref<125x32xf32, #tpu.memory_space<vmem>>) offsets(%dma_start3A_615 : memref<125xi32, #tpu.memory_space<vmem>>) semaphore(%arg11 : memref<!tpu.dma_semaphore, #tpu.memory_space<semaphore_mem>>)
    %dma_start3A_619 = arith.constant 20 : i32
    %dma_start3A_620 = arith.constant 0 : i32
    %dma_start3A_621 = arith.constant 0 : i32
    %dma_start3A_622 = arith.constant 0 : i32
    %dma_start3A_623 = tpu.memref_slice %arg8[%dma_start3A_620, %dma_start3A_621, %dma_start3A_622] : memref<2x1000x32xf32, #tpu.memory_space<vmem>> -> memref<1x1000x32xf32, #tpu.memory_space<vmem>>
    %dma_start3A_624 = tpu.memref_squeeze %dma_start3A_623 : memref<1x1000x32xf32, #tpu.memory_space<vmem>> -> memref<1000x32xf32, #tpu.memory_space<vmem>>
    %dma_start3A_625 = arith.constant 500 : i32
    %dma_start3A_626 = arith.constant 0 : i32
    %dma_start3A_627 = tpu.memref_slice %dma_start3A_624[%dma_start3A_625, %dma_start3A_626] : memref<1000x32xf32, #tpu.memory_space<vmem>> -> memref<125x32xf32, #tpu.memory_space<vmem>>
    %dma_start3A_628 = arith.constant 0 : i32
    %dma_start3A_629 = tpu.memref_slice %arg7[%dma_start3A_619, %dma_start3A_628] : memref<40x125xi32, #tpu.memory_space<vmem>> -> memref<1x125xi32, #tpu.memory_space<vmem>>
    %dma_start3A_630 = tpu.memref_squeeze %dma_start3A_629 : memref<1x125xi32, #tpu.memory_space<vmem>> -> memref<125xi32, #tpu.memory_space<vmem>>
    %dma_start3A_631 = arith.constant 0 : i32
    %dma_start3A_632 = arith.constant 0 : i32
    %dma_start3A_633 = tpu.memref_slice %arg2[%dma_start3A_631, %dma_start3A_632] : memref<10000x32xf32, #tpu.memory_space<hbm>> -> memref<10000x32xf32, #tpu.memory_space<hbm>>
    tpu.enqueue_indirect_dma source(%dma_start3A_633 : memref<10000x32xf32, #tpu.memory_space<hbm>>) target(%dma_start3A_627 : memref<125x32xf32, #tpu.memory_space<vmem>>) offsets(%dma_start3A_630 : memref<125xi32, #tpu.memory_space<vmem>>) semaphore(%arg11 : memref<!tpu.dma_semaphore, #tpu.memory_space<semaphore_mem>>)
    %dma_start3A_634 = arith.constant 21 : i32
    %dma_start3A_635 = arith.constant 0 : i32
    %dma_start3A_636 = arith.constant 0 : i32
    %dma_start3A_637 = arith.constant 0 : i32
    %dma_start3A_638 = tpu.memref_slice %arg8[%dma_start3A_635, %dma_start3A_636, %dma_start3A_637] : memref<2x1000x32xf32, #tpu.memory_space<vmem>> -> memref<1x1000x32xf32, #tpu.memory_space<vmem>>
    %dma_start3A_639 = tpu.memref_squeeze %dma_start3A_638 : memref<1x1000x32xf32, #tpu.memory_space<vmem>> -> memref<1000x32xf32, #tpu.memory_space<vmem>>
    %dma_start3A_640 = arith.constant 625 : i32
    %dma_start3A_641 = arith.constant 0 : i32
    %dma_start3A_642 = tpu.memref_slice %dma_start3A_639[%dma_start3A_640, %dma_start3A_641] : memref<1000x32xf32, #tpu.memory_space<vmem>> -> memref<125x32xf32, #tpu.memory_space<vmem>>
    %dma_start3A_643 = arith.constant 0 : i32
    %dma_start3A_644 = tpu.memref_slice %arg7[%dma_start3A_634, %dma_start3A_643] : memref<40x125xi32, #tpu.memory_space<vmem>> -> memref<1x125xi32, #tpu.memory_space<vmem>>
    %dma_start3A_645 = tpu.memref_squeeze %dma_start3A_644 : memref<1x125xi32, #tpu.memory_space<vmem>> -> memref<125xi32, #tpu.memory_space<vmem>>
    %dma_start3A_646 = arith.constant 0 : i32
    %dma_start3A_647 = arith.constant 0 : i32
    %dma_start3A_648 = tpu.memref_slice %arg2[%dma_start3A_646, %dma_start3A_647] : memref<10000x32xf32, #tpu.memory_space<hbm>> -> memref<10000x32xf32, #tpu.memory_space<hbm>>
    tpu.enqueue_indirect_dma source(%dma_start3A_648 : memref<10000x32xf32, #tpu.memory_space<hbm>>) target(%dma_start3A_642 : memref<125x32xf32, #tpu.memory_space<vmem>>) offsets(%dma_start3A_645 : memref<125xi32, #tpu.memory_space<vmem>>) semaphore(%arg11 : memref<!tpu.dma_semaphore, #tpu.memory_space<semaphore_mem>>)
    %dma_start3A_649 = arith.constant 22 : i32
    %dma_start3A_650 = arith.constant 0 : i32
    %dma_start3A_651 = arith.constant 0 : i32
    %dma_start3A_652 = arith.constant 0 : i32
    %dma_start3A_653 = tpu.memref_slice %arg8[%dma_start3A_650, %dma_start3A_651, %dma_start3A_652] : memref<2x1000x32xf32, #tpu.memory_space<vmem>> -> memref<1x1000x32xf32, #tpu.memory_space<vmem>>
    %dma_start3A_654 = tpu.memref_squeeze %dma_start3A_653 : memref<1x1000x32xf32, #tpu.memory_space<vmem>> -> memref<1000x32xf32, #tpu.memory_space<vmem>>
    %dma_start3A_655 = arith.constant 750 : i32
    %dma_start3A_656 = arith.constant 0 : i32
    %dma_start3A_657 = tpu.memref_slice %dma_start3A_654[%dma_start3A_655, %dma_start3A_656] : memref<1000x32xf32, #tpu.memory_space<vmem>> -> memref<125x32xf32, #tpu.memory_space<vmem>>
    %dma_start3A_658 = arith.constant 0 : i32
    %dma_start3A_659 = tpu.memref_slice %arg7[%dma_start3A_649, %dma_start3A_658] : memref<40x125xi32, #tpu.memory_space<vmem>> -> memref<1x125xi32, #tpu.memory_space<vmem>>
    %dma_start3A_660 = tpu.memref_squeeze %dma_start3A_659 : memref<1x125xi32, #tpu.memory_space<vmem>> -> memref<125xi32, #tpu.memory_space<vmem>>
    %dma_start3A_661 = arith.constant 0 : i32
    %dma_start3A_662 = arith.constant 0 : i32
    %dma_start3A_663 = tpu.memref_slice %arg2[%dma_start3A_661, %dma_start3A_662] : memref<10000x32xf32, #tpu.memory_space<hbm>> -> memref<10000x32xf32, #tpu.memory_space<hbm>>
    tpu.enqueue_indirect_dma source(%dma_start3A_663 : memref<10000x32xf32, #tpu.memory_space<hbm>>) target(%dma_start3A_657 : memref<125x32xf32, #tpu.memory_space<vmem>>) offsets(%dma_start3A_660 : memref<125xi32, #tpu.memory_space<vmem>>) semaphore(%arg11 : memref<!tpu.dma_semaphore, #tpu.memory_space<semaphore_mem>>)
    %dma_start3A_664 = arith.constant 23 : i32
    %dma_start3A_665 = arith.constant 0 : i32
    %dma_start3A_666 = arith.constant 0 : i32
    %dma_start3A_667 = arith.constant 0 : i32
    %dma_start3A_668 = tpu.memref_slice %arg8[%dma_start3A_665, %dma_start3A_666, %dma_start3A_667] : memref<2x1000x32xf32, #tpu.memory_space<vmem>> -> memref<1x1000x32xf32, #tpu.memory_space<vmem>>
    %dma_start3A_669 = tpu.memref_squeeze %dma_start3A_668 : memref<1x1000x32xf32, #tpu.memory_space<vmem>> -> memref<1000x32xf32, #tpu.memory_space<vmem>>
    %dma_start3A_670 = arith.constant 875 : i32
    %dma_start3A_671 = arith.constant 0 : i32
    %dma_start3A_672 = tpu.memref_slice %dma_start3A_669[%dma_start3A_670, %dma_start3A_671] : memref<1000x32xf32, #tpu.memory_space<vmem>> -> memref<125x32xf32, #tpu.memory_space<vmem>>
    %dma_start3A_673 = arith.constant 0 : i32
    %dma_start3A_674 = tpu.memref_slice %arg7[%dma_start3A_664, %dma_start3A_673] : memref<40x125xi32, #tpu.memory_space<vmem>> -> memref<1x125xi32, #tpu.memory_space<vmem>>
    %dma_start3A_675 = tpu.memref_squeeze %dma_start3A_674 : memref<1x125xi32, #tpu.memory_space<vmem>> -> memref<125xi32, #tpu.memory_space<vmem>>
    %dma_start3A_676 = arith.constant 0 : i32
    %dma_start3A_677 = arith.constant 0 : i32
    %dma_start3A_678 = tpu.memref_slice %arg2[%dma_start3A_676, %dma_start3A_677] : memref<10000x32xf32, #tpu.memory_space<hbm>> -> memref<10000x32xf32, #tpu.memory_space<hbm>>
    tpu.enqueue_indirect_dma source(%dma_start3A_678 : memref<10000x32xf32, #tpu.memory_space<hbm>>) target(%dma_start3A_672 : memref<125x32xf32, #tpu.memory_space<vmem>>) offsets(%dma_start3A_675 : memref<125xi32, #tpu.memory_space<vmem>>) semaphore(%arg11 : memref<!tpu.dma_semaphore, #tpu.memory_space<semaphore_mem>>)
    %mul3A_679 = arith.constant 5000 : i32
    %mul3A_680 = arith.muli %add3A, %mul3A_679 : i32
    %add3A_681 = arith.constant 2000 : i32
    %add3A_682 = arith.addi %mul3A_680, %add3A_681 : i32
    "tpu.region"() ({
      %run_scoped3A = tpu.sem_alloc : memref<!tpu.dma_semaphore, #tpu.memory_space<semaphore_mem>>
      %dma_start3A_1440 = arith.constant 0 : i32
      %dma_start3A_1441 = tpu.memref_slice %arg4[%dma_start3A_1440, %add3A_682] : memref<16x160000xf32, #tpu.memory_space<hbm>> -> memref<16x1000xf32, #tpu.memory_space<hbm>>
      %dma_start3A_1442 = arith.constant 0 : i32
      %dma_start3A_1443 = tpu.memref_slice %arg4[%dma_start3A_1442, %add3A_682] : memref<16x160000xf32, #tpu.memory_space<hbm>> -> memref<16x1000xf32, #tpu.memory_space<hbm>>
      tpu.enqueue_dma source(%dma_start3A_1443 : memref<16x1000xf32, #tpu.memory_space<hbm>>) target(%arg9 : memref<16x1000xf32, #tpu.memory_space<vmem>>) target_semaphore(%run_scoped3A : memref<!tpu.dma_semaphore, #tpu.memory_space<semaphore_mem>>)
      %dma_wait3A_1444 = arith.constant 0 : i32
      %dma_wait3A_1445 = tpu.memref_slice %arg4[%dma_wait3A_1444, %add3A_682] : memref<16x160000xf32, #tpu.memory_space<hbm>> -> memref<16x1000xf32, #tpu.memory_space<hbm>>
      %dma_wait3A_1446 = arith.constant 0 : i32
      %dma_wait3A_1447 = tpu.memref_slice %arg4[%dma_wait3A_1446, %add3A_682] : memref<16x160000xf32, #tpu.memory_space<hbm>> -> memref<16x1000xf32, #tpu.memory_space<hbm>>
      tpu.wait_dma2 semaphore(%run_scoped3A : memref<!tpu.dma_semaphore, #tpu.memory_space<semaphore_mem>>) src(%dma_wait3A_1447 : memref<16x1000xf32, #tpu.memory_space<hbm>>) dst(%arg9 : memref<16x1000xf32, #tpu.memory_space<vmem>>)
      tpu.yield
    }) : () -> ()
    %scan3A_683 = arith.constant 0 : i32
    %scan3A_684 = arith.constant 0 : i32
    %scan3A_685 = arith.constant 250 : i32
    %scan3A_686 = arith.addi %scan3A_684, %scan3A_685 : i32
    %scan3A_687 = arith.constant 1 : i32
    scf.for %scan3A_1440 = %scan3A_684 to %scan3A_686 step %scan3A_687  : i32 {
      %mul3A_1441 = arith.constant 4 : i32
      %mul3A_1442 = arith.muli %mul3A_1441, %scan3A_1440 : i32
      %add3A_1443 = arith.constant 0 : i32
      %add3A_1444 = arith.addi %mul3A_1442, %add3A_1443 : i32
      %broadcast_in_dim3A = vector.broadcast %add3A_1444 : i32 to vector<16xi32>
      %gather3A = tpu.vector_load_idx %arg9[%iota3A, %broadcast_in_dim3A] : memref<16x1000xf32, #tpu.memory_space<vmem>>[vector<16xi32>, vector<16xi32>], vector<16xf32>,
      %swap3A = arith.index_cast %scan3A_1440 : i32 to index
      %swap3A_1445 = arith.constant 0 : index
      %swap3A_1446 = tpu.vector_load %arg10[%swap3A, %swap3A_1445] {strides = array<i32>} : memref<250x64xf32, #tpu.memory_space<vmem>>, vector<16xf32>,
      tpu.vector_store %arg10[%swap3A, %swap3A_1445], %gather3A {strides = array<i32>} : memref<250x64xf32, #tpu.memory_space<vmem>>, vector<16xf32>,
      %mul3A_1447 = arith.constant 4 : i32
      %mul3A_1448 = arith.muli %mul3A_1447, %scan3A_1440 : i32
      %add3A_1449 = arith.constant 1 : i32
      %add3A_1450 = arith.addi %mul3A_1448, %add3A_1449 : i32
      %broadcast_in_dim3A_1451 = vector.broadcast %add3A_1450 : i32 to vector<16xi32>
      %gather3A_1452 = tpu.vector_load_idx %arg9[%iota3A, %broadcast_in_dim3A_1451] : memref<16x1000xf32, #tpu.memory_space<vmem>>[vector<16xi32>, vector<16xi32>], vector<16xf32>,
      %swap3A_1453 = arith.index_cast %scan3A_1440 : i32 to index
      %swap3A_1454 = arith.constant 16 : index
      %swap3A_1455 = tpu.vector_load %arg10[%swap3A_1453, %swap3A_1454] {strides = array<i32>} : memref<250x64xf32, #tpu.memory_space<vmem>>, vector<16xf32>,
      tpu.vector_store %arg10[%swap3A_1453, %swap3A_1454], %gather3A_1452 {strides = array<i32>} : memref<250x64xf32, #tpu.memory_space<vmem>>, vector<16xf32>,
      %mul3A_1456 = arith.constant 4 : i32
      %mul3A_1457 = arith.muli %mul3A_1456, %scan3A_1440 : i32
      %add3A_1458 = arith.constant 2 : i32
      %add3A_1459 = arith.addi %mul3A_1457, %add3A_1458 : i32
      %broadcast_in_dim3A_1460 = vector.broadcast %add3A_1459 : i32 to vector<16xi32>
      %gather3A_1461 = tpu.vector_load_idx %arg9[%iota3A, %broadcast_in_dim3A_1460] : memref<16x1000xf32, #tpu.memory_space<vmem>>[vector<16xi32>, vector<16xi32>], vector<16xf32>,
      %swap3A_1462 = arith.index_cast %scan3A_1440 : i32 to index
      %swap3A_1463 = arith.constant 32 : index
      %swap3A_1464 = tpu.vector_load %arg10[%swap3A_1462, %swap3A_1463] {strides = array<i32>} : memref<250x64xf32, #tpu.memory_space<vmem>>, vector<16xf32>,
      tpu.vector_store %arg10[%swap3A_1462, %swap3A_1463], %gather3A_1461 {strides = array<i32>} : memref<250x64xf32, #tpu.memory_space<vmem>>, vector<16xf32>,
      %mul3A_1465 = arith.constant 4 : i32
      %mul3A_1466 = arith.muli %mul3A_1465, %scan3A_1440 : i32
      %add3A_1467 = arith.constant 3 : i32
      %add3A_1468 = arith.addi %mul3A_1466, %add3A_1467 : i32
      %broadcast_in_dim3A_1469 = vector.broadcast %add3A_1468 : i32 to vector<16xi32>
      %gather3A_1470 = tpu.vector_load_idx %arg9[%iota3A, %broadcast_in_dim3A_1469] : memref<16x1000xf32, #tpu.memory_space<vmem>>[vector<16xi32>, vector<16xi32>], vector<16xf32>,
      %swap3A_1471 = arith.index_cast %scan3A_1440 : i32 to index
      %swap3A_1472 = arith.constant 48 : index
      %swap3A_1473 = tpu.vector_load %arg10[%swap3A_1471, %swap3A_1472] {strides = array<i32>} : memref<250x64xf32, #tpu.memory_space<vmem>>, vector<16xf32>,
      tpu.vector_store %arg10[%swap3A_1471, %swap3A_1472], %gather3A_1470 {strides = array<i32>} : memref<250x64xf32, #tpu.memory_space<vmem>>, vector<16xf32>,
    }
    %scan3A_688 = arith.constant 250 : i32
    %mul3A_689 = arith.constant 5 : i32
    %mul3A_690 = arith.muli %add3A, %mul3A_689 : i32
    %add3A_691 = arith.constant 2 : i32
    %add3A_692 = arith.addi %mul3A_690, %add3A_691 : i32
    "tpu.region"() ({
      %run_scoped3A = tpu.sem_alloc : memref<!tpu.dma_semaphore, #tpu.memory_space<semaphore_mem>>
      %dma_start3A_1440 = arith.constant 0 : i32
      %dma_start3A_1441 = arith.constant 0 : i32
      %dma_start3A_1442 = tpu.memref_slice %arg6[%add3A_692, %dma_start3A_1440, %dma_start3A_1441] : memref<160x250x64xf32, #tpu.memory_space<hbm>> -> memref<1x250x64xf32, #tpu.memory_space<hbm>>
      %dma_start3A_1443 = tpu.memref_squeeze %dma_start3A_1442 : memref<1x250x64xf32, #tpu.memory_space<hbm>> -> memref<250x64xf32, #tpu.memory_space<hbm>>
      %dma_start3A_1444 = arith.constant 0 : i32
      %dma_start3A_1445 = arith.constant 0 : i32
      %dma_start3A_1446 = tpu.memref_slice %arg6[%add3A_692, %dma_start3A_1444, %dma_start3A_1445] : memref<160x250x64xf32, #tpu.memory_space<hbm>> -> memref<1x250x64xf32, #tpu.memory_space<hbm>>
      %dma_start3A_1447 = tpu.memref_squeeze %dma_start3A_1446 : memref<1x250x64xf32, #tpu.memory_space<hbm>> -> memref<250x64xf32, #tpu.memory_space<hbm>>
      tpu.enqueue_dma source(%arg10 : memref<250x64xf32, #tpu.memory_space<vmem>>) target(%dma_start3A_1447 : memref<250x64xf32, #tpu.memory_space<hbm>>) target_semaphore(%run_scoped3A : memref<!tpu.dma_semaphore, #tpu.memory_space<semaphore_mem>>)
      %dma_wait3A_1448 = arith.constant 0 : i32
      %dma_wait3A_1449 = arith.constant 0 : i32
      %dma_wait3A_1450 = tpu.memref_slice %arg6[%add3A_692, %dma_wait3A_1448, %dma_wait3A_1449] : memref<160x250x64xf32, #tpu.memory_space<hbm>> -> memref<1x250x64xf32, #tpu.memory_space<hbm>>
      %dma_wait3A_1451 = tpu.memref_squeeze %dma_wait3A_1450 : memref<1x250x64xf32, #tpu.memory_space<hbm>> -> memref<250x64xf32, #tpu.memory_space<hbm>>
      %dma_wait3A_1452 = arith.constant 0 : i32
      %dma_wait3A_1453 = arith.constant 0 : i32
      %dma_wait3A_1454 = tpu.memref_slice %arg6[%add3A_692, %dma_wait3A_1452, %dma_wait3A_1453] : memref<160x250x64xf32, #tpu.memory_space<hbm>> -> memref<1x250x64xf32, #tpu.memory_space<hbm>>
      %dma_wait3A_1455 = tpu.memref_squeeze %dma_wait3A_1454 : memref<1x250x64xf32, #tpu.memory_space<hbm>> -> memref<250x64xf32, #tpu.memory_space<hbm>>
      tpu.wait_dma2 semaphore(%run_scoped3A : memref<!tpu.dma_semaphore, #tpu.memory_space<semaphore_mem>>) src(%arg10 : memref<250x64xf32, #tpu.memory_space<vmem>>) dst(%dma_wait3A_1455 : memref<250x64xf32, #tpu.memory_space<hbm>>)
      tpu.yield
    }) : () -> ()
    %dma_wait3A_693 = arith.constant 16 : i32
    %dma_wait3A_694 = arith.constant 0 : i32
    %dma_wait3A_695 = arith.constant 0 : i32
    %dma_wait3A_696 = arith.constant 0 : i32
    %dma_wait3A_697 = tpu.memref_slice %arg8[%dma_wait3A_694, %dma_wait3A_695, %dma_wait3A_696] : memref<2x1000x32xf32, #tpu.memory_space<vmem>> -> memref<1x1000x32xf32, #tpu.memory_space<vmem>>
    %dma_wait3A_698 = tpu.memref_squeeze %dma_wait3A_697 : memref<1x1000x32xf32, #tpu.memory_space<vmem>> -> memref<1000x32xf32, #tpu.memory_space<vmem>>
    %dma_wait3A_699 = arith.constant 0 : i32
    %dma_wait3A_700 = arith.constant 0 : i32
    %dma_wait3A_701 = tpu.memref_slice %dma_wait3A_698[%dma_wait3A_699, %dma_wait3A_700] : memref<1000x32xf32, #tpu.memory_space<vmem>> -> memref<125x32xf32, #tpu.memory_space<vmem>>
    %dma_wait3A_702 = arith.constant 0 : i32
    %dma_wait3A_703 = tpu.memref_slice %arg7[%dma_wait3A_693, %dma_wait3A_702] : memref<40x125xi32, #tpu.memory_space<vmem>> -> memref<1x125xi32, #tpu.memory_space<vmem>>
    %dma_wait3A_704 = tpu.memref_squeeze %dma_wait3A_703 : memref<1x125xi32, #tpu.memory_space<vmem>> -> memref<125xi32, #tpu.memory_space<vmem>>
    %dma_wait3A_705 = arith.constant 0 : i32
    %dma_wait3A_706 = arith.constant 0 : i32
    %dma_wait3A_707 = tpu.memref_slice %arg2[%dma_wait3A_705, %dma_wait3A_706] : memref<10000x32xf32, #tpu.memory_space<hbm>> -> memref<10000x32xf32, #tpu.memory_space<hbm>>
    tpu.wait_indirect_dma semaphore(%arg11 : memref<!tpu.dma_semaphore, #tpu.memory_space<semaphore_mem>>) src(%dma_wait3A_707 : memref<10000x32xf32, #tpu.memory_space<hbm>>) dst(%dma_wait3A_701 : memref<125x32xf32, #tpu.memory_space<vmem>>)
    %dma_wait3A_708 = arith.constant 17 : i32
    %dma_wait3A_709 = arith.constant 0 : i32
    %dma_wait3A_710 = arith.constant 0 : i32
    %dma_wait3A_711 = arith.constant 0 : i32
    %dma_wait3A_712 = tpu.memref_slice %arg8[%dma_wait3A_709, %dma_wait3A_710, %dma_wait3A_711] : memref<2x1000x32xf32, #tpu.memory_space<vmem>> -> memref<1x1000x32xf32, #tpu.memory_space<vmem>>
    %dma_wait3A_713 = tpu.memref_squeeze %dma_wait3A_712 : memref<1x1000x32xf32, #tpu.memory_space<vmem>> -> memref<1000x32xf32, #tpu.memory_space<vmem>>
    %dma_wait3A_714 = arith.constant 125 : i32
    %dma_wait3A_715 = arith.constant 0 : i32
    %dma_wait3A_716 = tpu.memref_slice %dma_wait3A_713[%dma_wait3A_714, %dma_wait3A_715] : memref<1000x32xf32, #tpu.memory_space<vmem>> -> memref<125x32xf32, #tpu.memory_space<vmem>>
    %dma_wait3A_717 = arith.constant 0 : i32
    %dma_wait3A_718 = tpu.memref_slice %arg7[%dma_wait3A_708, %dma_wait3A_717] : memref<40x125xi32, #tpu.memory_space<vmem>> -> memref<1x125xi32, #tpu.memory_space<vmem>>
    %dma_wait3A_719 = tpu.memref_squeeze %dma_wait3A_718 : memref<1x125xi32, #tpu.memory_space<vmem>> -> memref<125xi32, #tpu.memory_space<vmem>>
    %dma_wait3A_720 = arith.constant 0 : i32
    %dma_wait3A_721 = arith.constant 0 : i32
    %dma_wait3A_722 = tpu.memref_slice %arg2[%dma_wait3A_720, %dma_wait3A_721] : memref<10000x32xf32, #tpu.memory_space<hbm>> -> memref<10000x32xf32, #tpu.memory_space<hbm>>
    tpu.wait_indirect_dma semaphore(%arg11 : memref<!tpu.dma_semaphore, #tpu.memory_space<semaphore_mem>>) src(%dma_wait3A_722 : memref<10000x32xf32, #tpu.memory_space<hbm>>) dst(%dma_wait3A_716 : memref<125x32xf32, #tpu.memory_space<vmem>>)
    %dma_wait3A_723 = arith.constant 18 : i32
    %dma_wait3A_724 = arith.constant 0 : i32
    %dma_wait3A_725 = arith.constant 0 : i32
    %dma_wait3A_726 = arith.constant 0 : i32
    %dma_wait3A_727 = tpu.memref_slice %arg8[%dma_wait3A_724, %dma_wait3A_725, %dma_wait3A_726] : memref<2x1000x32xf32, #tpu.memory_space<vmem>> -> memref<1x1000x32xf32, #tpu.memory_space<vmem>>
    %dma_wait3A_728 = tpu.memref_squeeze %dma_wait3A_727 : memref<1x1000x32xf32, #tpu.memory_space<vmem>> -> memref<1000x32xf32, #tpu.memory_space<vmem>>
    %dma_wait3A_729 = arith.constant 250 : i32
    %dma_wait3A_730 = arith.constant 0 : i32
    %dma_wait3A_731 = tpu.memref_slice %dma_wait3A_728[%dma_wait3A_729, %dma_wait3A_730] : memref<1000x32xf32, #tpu.memory_space<vmem>> -> memref<125x32xf32, #tpu.memory_space<vmem>>
    %dma_wait3A_732 = arith.constant 0 : i32
    %dma_wait3A_733 = tpu.memref_slice %arg7[%dma_wait3A_723, %dma_wait3A_732] : memref<40x125xi32, #tpu.memory_space<vmem>> -> memref<1x125xi32, #tpu.memory_space<vmem>>
    %dma_wait3A_734 = tpu.memref_squeeze %dma_wait3A_733 : memref<1x125xi32, #tpu.memory_space<vmem>> -> memref<125xi32, #tpu.memory_space<vmem>>
    %dma_wait3A_735 = arith.constant 0 : i32
    %dma_wait3A_736 = arith.constant 0 : i32
    %dma_wait3A_737 = tpu.memref_slice %arg2[%dma_wait3A_735, %dma_wait3A_736] : memref<10000x32xf32, #tpu.memory_space<hbm>> -> memref<10000x32xf32, #tpu.memory_space<hbm>>
    tpu.wait_indirect_dma semaphore(%arg11 : memref<!tpu.dma_semaphore, #tpu.memory_space<semaphore_mem>>) src(%dma_wait3A_737 : memref<10000x32xf32, #tpu.memory_space<hbm>>) dst(%dma_wait3A_731 : memref<125x32xf32, #tpu.memory_space<vmem>>)
    %dma_wait3A_738 = arith.constant 19 : i32
    %dma_wait3A_739 = arith.constant 0 : i32
    %dma_wait3A_740 = arith.constant 0 : i32
    %dma_wait3A_741 = arith.constant 0 : i32
    %dma_wait3A_742 = tpu.memref_slice %arg8[%dma_wait3A_739, %dma_wait3A_740, %dma_wait3A_741] : memref<2x1000x32xf32, #tpu.memory_space<vmem>> -> memref<1x1000x32xf32, #tpu.memory_space<vmem>>
    %dma_wait3A_743 = tpu.memref_squeeze %dma_wait3A_742 : memref<1x1000x32xf32, #tpu.memory_space<vmem>> -> memref<1000x32xf32, #tpu.memory_space<vmem>>
    %dma_wait3A_744 = arith.constant 375 : i32
    %dma_wait3A_745 = arith.constant 0 : i32
    %dma_wait3A_746 = tpu.memref_slice %dma_wait3A_743[%dma_wait3A_744, %dma_wait3A_745] : memref<1000x32xf32, #tpu.memory_space<vmem>> -> memref<125x32xf32, #tpu.memory_space<vmem>>
    %dma_wait3A_747 = arith.constant 0 : i32
    %dma_wait3A_748 = tpu.memref_slice %arg7[%dma_wait3A_738, %dma_wait3A_747] : memref<40x125xi32, #tpu.memory_space<vmem>> -> memref<1x125xi32, #tpu.memory_space<vmem>>
    %dma_wait3A_749 = tpu.memref_squeeze %dma_wait3A_748 : memref<1x125xi32, #tpu.memory_space<vmem>> -> memref<125xi32, #tpu.memory_space<vmem>>
    %dma_wait3A_750 = arith.constant 0 : i32
    %dma_wait3A_751 = arith.constant 0 : i32
    %dma_wait3A_752 = tpu.memref_slice %arg2[%dma_wait3A_750, %dma_wait3A_751] : memref<10000x32xf32, #tpu.memory_space<hbm>> -> memref<10000x32xf32, #tpu.memory_space<hbm>>
    tpu.wait_indirect_dma semaphore(%arg11 : memref<!tpu.dma_semaphore, #tpu.memory_space<semaphore_mem>>) src(%dma_wait3A_752 : memref<10000x32xf32, #tpu.memory_space<hbm>>) dst(%dma_wait3A_746 : memref<125x32xf32, #tpu.memory_space<vmem>>)
    %dma_wait3A_753 = arith.constant 20 : i32
    %dma_wait3A_754 = arith.constant 0 : i32
    %dma_wait3A_755 = arith.constant 0 : i32
    %dma_wait3A_756 = arith.constant 0 : i32
    %dma_wait3A_757 = tpu.memref_slice %arg8[%dma_wait3A_754, %dma_wait3A_755, %dma_wait3A_756] : memref<2x1000x32xf32, #tpu.memory_space<vmem>> -> memref<1x1000x32xf32, #tpu.memory_space<vmem>>
    %dma_wait3A_758 = tpu.memref_squeeze %dma_wait3A_757 : memref<1x1000x32xf32, #tpu.memory_space<vmem>> -> memref<1000x32xf32, #tpu.memory_space<vmem>>
    %dma_wait3A_759 = arith.constant 500 : i32
    %dma_wait3A_760 = arith.constant 0 : i32
    %dma_wait3A_761 = tpu.memref_slice %dma_wait3A_758[%dma_wait3A_759, %dma_wait3A_760] : memref<1000x32xf32, #tpu.memory_space<vmem>> -> memref<125x32xf32, #tpu.memory_space<vmem>>
    %dma_wait3A_762 = arith.constant 0 : i32
    %dma_wait3A_763 = tpu.memref_slice %arg7[%dma_wait3A_753, %dma_wait3A_762] : memref<40x125xi32, #tpu.memory_space<vmem>> -> memref<1x125xi32, #tpu.memory_space<vmem>>
    %dma_wait3A_764 = tpu.memref_squeeze %dma_wait3A_763 : memref<1x125xi32, #tpu.memory_space<vmem>> -> memref<125xi32, #tpu.memory_space<vmem>>
    %dma_wait3A_765 = arith.constant 0 : i32
    %dma_wait3A_766 = arith.constant 0 : i32
    %dma_wait3A_767 = tpu.memref_slice %arg2[%dma_wait3A_765, %dma_wait3A_766] : memref<10000x32xf32, #tpu.memory_space<hbm>> -> memref<10000x32xf32, #tpu.memory_space<hbm>>
    tpu.wait_indirect_dma semaphore(%arg11 : memref<!tpu.dma_semaphore, #tpu.memory_space<semaphore_mem>>) src(%dma_wait3A_767 : memref<10000x32xf32, #tpu.memory_space<hbm>>) dst(%dma_wait3A_761 : memref<125x32xf32, #tpu.memory_space<vmem>>)
    %dma_wait3A_768 = arith.constant 21 : i32
    %dma_wait3A_769 = arith.constant 0 : i32
    %dma_wait3A_770 = arith.constant 0 : i32
    %dma_wait3A_771 = arith.constant 0 : i32
    %dma_wait3A_772 = tpu.memref_slice %arg8[%dma_wait3A_769, %dma_wait3A_770, %dma_wait3A_771] : memref<2x1000x32xf32, #tpu.memory_space<vmem>> -> memref<1x1000x32xf32, #tpu.memory_space<vmem>>
    %dma_wait3A_773 = tpu.memref_squeeze %dma_wait3A_772 : memref<1x1000x32xf32, #tpu.memory_space<vmem>> -> memref<1000x32xf32, #tpu.memory_space<vmem>>
    %dma_wait3A_774 = arith.constant 625 : i32
    %dma_wait3A_775 = arith.constant 0 : i32
    %dma_wait3A_776 = tpu.memref_slice %dma_wait3A_773[%dma_wait3A_774, %dma_wait3A_775] : memref<1000x32xf32, #tpu.memory_space<vmem>> -> memref<125x32xf32, #tpu.memory_space<vmem>>
    %dma_wait3A_777 = arith.constant 0 : i32
    %dma_wait3A_778 = tpu.memref_slice %arg7[%dma_wait3A_768, %dma_wait3A_777] : memref<40x125xi32, #tpu.memory_space<vmem>> -> memref<1x125xi32, #tpu.memory_space<vmem>>
    %dma_wait3A_779 = tpu.memref_squeeze %dma_wait3A_778 : memref<1x125xi32, #tpu.memory_space<vmem>> -> memref<125xi32, #tpu.memory_space<vmem>>
    %dma_wait3A_780 = arith.constant 0 : i32
    %dma_wait3A_781 = arith.constant 0 : i32
    %dma_wait3A_782 = tpu.memref_slice %arg2[%dma_wait3A_780, %dma_wait3A_781] : memref<10000x32xf32, #tpu.memory_space<hbm>> -> memref<10000x32xf32, #tpu.memory_space<hbm>>
    tpu.wait_indirect_dma semaphore(%arg11 : memref<!tpu.dma_semaphore, #tpu.memory_space<semaphore_mem>>) src(%dma_wait3A_782 : memref<10000x32xf32, #tpu.memory_space<hbm>>) dst(%dma_wait3A_776 : memref<125x32xf32, #tpu.memory_space<vmem>>)
    %dma_wait3A_783 = arith.constant 22 : i32
    %dma_wait3A_784 = arith.constant 0 : i32
    %dma_wait3A_785 = arith.constant 0 : i32
    %dma_wait3A_786 = arith.constant 0 : i32
    %dma_wait3A_787 = tpu.memref_slice %arg8[%dma_wait3A_784, %dma_wait3A_785, %dma_wait3A_786] : memref<2x1000x32xf32, #tpu.memory_space<vmem>> -> memref<1x1000x32xf32, #tpu.memory_space<vmem>>
    %dma_wait3A_788 = tpu.memref_squeeze %dma_wait3A_787 : memref<1x1000x32xf32, #tpu.memory_space<vmem>> -> memref<1000x32xf32, #tpu.memory_space<vmem>>
    %dma_wait3A_789 = arith.constant 750 : i32
    %dma_wait3A_790 = arith.constant 0 : i32
    %dma_wait3A_791 = tpu.memref_slice %dma_wait3A_788[%dma_wait3A_789, %dma_wait3A_790] : memref<1000x32xf32, #tpu.memory_space<vmem>> -> memref<125x32xf32, #tpu.memory_space<vmem>>
    %dma_wait3A_792 = arith.constant 0 : i32
    %dma_wait3A_793 = tpu.memref_slice %arg7[%dma_wait3A_783, %dma_wait3A_792] : memref<40x125xi32, #tpu.memory_space<vmem>> -> memref<1x125xi32, #tpu.memory_space<vmem>>
    %dma_wait3A_794 = tpu.memref_squeeze %dma_wait3A_793 : memref<1x125xi32, #tpu.memory_space<vmem>> -> memref<125xi32, #tpu.memory_space<vmem>>
    %dma_wait3A_795 = arith.constant 0 : i32
    %dma_wait3A_796 = arith.constant 0 : i32
    %dma_wait3A_797 = tpu.memref_slice %arg2[%dma_wait3A_795, %dma_wait3A_796] : memref<10000x32xf32, #tpu.memory_space<hbm>> -> memref<10000x32xf32, #tpu.memory_space<hbm>>
    tpu.wait_indirect_dma semaphore(%arg11 : memref<!tpu.dma_semaphore, #tpu.memory_space<semaphore_mem>>) src(%dma_wait3A_797 : memref<10000x32xf32, #tpu.memory_space<hbm>>) dst(%dma_wait3A_791 : memref<125x32xf32, #tpu.memory_space<vmem>>)
    %dma_wait3A_798 = arith.constant 23 : i32
    %dma_wait3A_799 = arith.constant 0 : i32
    %dma_wait3A_800 = arith.constant 0 : i32
    %dma_wait3A_801 = arith.constant 0 : i32
    %dma_wait3A_802 = tpu.memref_slice %arg8[%dma_wait3A_799, %dma_wait3A_800, %dma_wait3A_801] : memref<2x1000x32xf32, #tpu.memory_space<vmem>> -> memref<1x1000x32xf32, #tpu.memory_space<vmem>>
    %dma_wait3A_803 = tpu.memref_squeeze %dma_wait3A_802 : memref<1x1000x32xf32, #tpu.memory_space<vmem>> -> memref<1000x32xf32, #tpu.memory_space<vmem>>
    %dma_wait3A_804 = arith.constant 875 : i32
    %dma_wait3A_805 = arith.constant 0 : i32
    %dma_wait3A_806 = tpu.memref_slice %dma_wait3A_803[%dma_wait3A_804, %dma_wait3A_805] : memref<1000x32xf32, #tpu.memory_space<vmem>> -> memref<125x32xf32, #tpu.memory_space<vmem>>
    %dma_wait3A_807 = arith.constant 0 : i32
    %dma_wait3A_808 = tpu.memref_slice %arg7[%dma_wait3A_798, %dma_wait3A_807] : memref<40x125xi32, #tpu.memory_space<vmem>> -> memref<1x125xi32, #tpu.memory_space<vmem>>
    %dma_wait3A_809 = tpu.memref_squeeze %dma_wait3A_808 : memref<1x125xi32, #tpu.memory_space<vmem>> -> memref<125xi32, #tpu.memory_space<vmem>>
    %dma_wait3A_810 = arith.constant 0 : i32
    %dma_wait3A_811 = arith.constant 0 : i32
    %dma_wait3A_812 = tpu.memref_slice %arg2[%dma_wait3A_810, %dma_wait3A_811] : memref<10000x32xf32, #tpu.memory_space<hbm>> -> memref<10000x32xf32, #tpu.memory_space<hbm>>
    tpu.wait_indirect_dma semaphore(%arg11 : memref<!tpu.dma_semaphore, #tpu.memory_space<semaphore_mem>>) src(%dma_wait3A_812 : memref<10000x32xf32, #tpu.memory_space<hbm>>) dst(%dma_wait3A_806 : memref<125x32xf32, #tpu.memory_space<vmem>>)
    %mul3A_813 = arith.constant 5000 : i32
    %mul3A_814 = arith.muli %add3A, %mul3A_813 : i32
    %add3A_815 = arith.constant 2000 : i32
    %add3A_816 = arith.addi %mul3A_814, %add3A_815 : i32
    %dma_start3A_817 = arith.constant 0 : i32
    %dma_start3A_818 = arith.constant 0 : i32
    %dma_start3A_819 = arith.constant 0 : i32
    %dma_start3A_820 = tpu.memref_slice %arg8[%dma_start3A_817, %dma_start3A_818, %dma_start3A_819] : memref<2x1000x32xf32, #tpu.memory_space<vmem>> -> memref<1x1000x32xf32, #tpu.memory_space<vmem>>
    %dma_start3A_821 = tpu.memref_squeeze %dma_start3A_820 : memref<1x1000x32xf32, #tpu.memory_space<vmem>> -> memref<1000x32xf32, #tpu.memory_space<vmem>>
    %dma_start3A_822 = arith.constant 0 : i32
    %dma_start3A_823 = tpu.memref_slice %arg5[%add3A_816, %dma_start3A_822] : memref<160000x32xf32, #tpu.memory_space<hbm>> -> memref<1000x32xf32, #tpu.memory_space<hbm>>
    %dma_start3A_824 = arith.constant 0 : i32
    %dma_start3A_825 = tpu.memref_slice %arg5[%add3A_816, %dma_start3A_824] : memref<160000x32xf32, #tpu.memory_space<hbm>> -> memref<1000x32xf32, #tpu.memory_space<hbm>>
    %dma_start3A_826 = arith.constant 0 : i32
    %dma_start3A_827 = arith.constant 0 : i32
    %dma_start3A_828 = tpu.memref_slice %arg8[%dma_start3A_817, %dma_start3A_826, %dma_start3A_827] : memref<2x1000x32xf32, #tpu.memory_space<vmem>> -> memref<1x1000x32xf32, #tpu.memory_space<vmem>>
    %dma_start3A_829 = tpu.memref_squeeze %dma_start3A_828 : memref<1x1000x32xf32, #tpu.memory_space<vmem>> -> memref<1000x32xf32, #tpu.memory_space<vmem>>
    tpu.enqueue_dma source(%dma_start3A_829 : memref<1000x32xf32, #tpu.memory_space<vmem>>) target(%dma_start3A_825 : memref<1000x32xf32, #tpu.memory_space<hbm>>) target_semaphore(%arg12 : memref<!tpu.dma_semaphore, #tpu.memory_space<semaphore_mem>>)
    %mul3A_830 = arith.constant 5000 : i32
    %mul3A_831 = arith.muli %add3A, %mul3A_830 : i32
    %add3A_832 = arith.constant 1000 : i32
    %add3A_833 = arith.addi %mul3A_831, %add3A_832 : i32
    %dma_wait3A_834 = arith.constant 1 : i32
    %dma_wait3A_835 = arith.constant 0 : i32
    %dma_wait3A_836 = arith.constant 0 : i32
    %dma_wait3A_837 = tpu.memref_slice %arg8[%dma_wait3A_834, %dma_wait3A_835, %dma_wait3A_836] : memref<2x1000x32xf32, #tpu.memory_space<vmem>> -> memref<1x1000x32xf32, #tpu.memory_space<vmem>>
    %dma_wait3A_838 = tpu.memref_squeeze %dma_wait3A_837 : memref<1x1000x32xf32, #tpu.memory_space<vmem>> -> memref<1000x32xf32, #tpu.memory_space<vmem>>
    %dma_wait3A_839 = arith.constant 0 : i32
    %dma_wait3A_840 = tpu.memref_slice %arg5[%add3A_833, %dma_wait3A_839] : memref<160000x32xf32, #tpu.memory_space<hbm>> -> memref<1000x32xf32, #tpu.memory_space<hbm>>
    %dma_wait3A_841 = arith.constant 0 : i32
    %dma_wait3A_842 = tpu.memref_slice %arg5[%add3A_833, %dma_wait3A_841] : memref<160000x32xf32, #tpu.memory_space<hbm>> -> memref<1000x32xf32, #tpu.memory_space<hbm>>
    %dma_wait3A_843 = arith.constant 0 : i32
    %dma_wait3A_844 = arith.constant 0 : i32
    %dma_wait3A_845 = tpu.memref_slice %arg8[%dma_wait3A_834, %dma_wait3A_843, %dma_wait3A_844] : memref<2x1000x32xf32, #tpu.memory_space<vmem>> -> memref<1x1000x32xf32, #tpu.memory_space<vmem>>
    %dma_wait3A_846 = tpu.memref_squeeze %dma_wait3A_845 : memref<1x1000x32xf32, #tpu.memory_space<vmem>> -> memref<1000x32xf32, #tpu.memory_space<vmem>>
    tpu.wait_dma2 semaphore(%arg12 : memref<!tpu.dma_semaphore, #tpu.memory_space<semaphore_mem>>) src(%dma_wait3A_846 : memref<1000x32xf32, #tpu.memory_space<vmem>>) dst(%dma_wait3A_842 : memref<1000x32xf32, #tpu.memory_space<hbm>>)
    %dma_start3A_847 = arith.constant 24 : i32
    %dma_start3A_848 = arith.constant 1 : i32
    %dma_start3A_849 = arith.constant 0 : i32
    %dma_start3A_850 = arith.constant 0 : i32
    %dma_start3A_851 = tpu.memref_slice %arg8[%dma_start3A_848, %dma_start3A_849, %dma_start3A_850] : memref<2x1000x32xf32, #tpu.memory_space<vmem>> -> memref<1x1000x32xf32, #tpu.memory_space<vmem>>
    %dma_start3A_852 = tpu.memref_squeeze %dma_start3A_851 : memref<1x1000x32xf32, #tpu.memory_space<vmem>> -> memref<1000x32xf32, #tpu.memory_space<vmem>>
    %dma_start3A_853 = arith.constant 0 : i32
    %dma_start3A_854 = arith.constant 0 : i32
    %dma_start3A_855 = tpu.memref_slice %dma_start3A_852[%dma_start3A_853, %dma_start3A_854] : memref<1000x32xf32, #tpu.memory_space<vmem>> -> memref<125x32xf32, #tpu.memory_space<vmem>>
    %dma_start3A_856 = arith.constant 0 : i32
    %dma_start3A_857 = tpu.memref_slice %arg7[%dma_start3A_847, %dma_start3A_856] : memref<40x125xi32, #tpu.memory_space<vmem>> -> memref<1x125xi32, #tpu.memory_space<vmem>>
    %dma_start3A_858 = tpu.memref_squeeze %dma_start3A_857 : memref<1x125xi32, #tpu.memory_space<vmem>> -> memref<125xi32, #tpu.memory_space<vmem>>
    %dma_start3A_859 = arith.constant 0 : i32
    %dma_start3A_860 = arith.constant 0 : i32
    %dma_start3A_861 = tpu.memref_slice %arg2[%dma_start3A_859, %dma_start3A_860] : memref<10000x32xf32, #tpu.memory_space<hbm>> -> memref<10000x32xf32, #tpu.memory_space<hbm>>
    tpu.enqueue_indirect_dma source(%dma_start3A_861 : memref<10000x32xf32, #tpu.memory_space<hbm>>) target(%dma_start3A_855 : memref<125x32xf32, #tpu.memory_space<vmem>>) offsets(%dma_start3A_858 : memref<125xi32, #tpu.memory_space<vmem>>) semaphore(%arg11 : memref<!tpu.dma_semaphore, #tpu.memory_space<semaphore_mem>>)
    %dma_start3A_862 = arith.constant 25 : i32
    %dma_start3A_863 = arith.constant 1 : i32
    %dma_start3A_864 = arith.constant 0 : i32
    %dma_start3A_865 = arith.constant 0 : i32
    %dma_start3A_866 = tpu.memref_slice %arg8[%dma_start3A_863, %dma_start3A_864, %dma_start3A_865] : memref<2x1000x32xf32, #tpu.memory_space<vmem>> -> memref<1x1000x32xf32, #tpu.memory_space<vmem>>
    %dma_start3A_867 = tpu.memref_squeeze %dma_start3A_866 : memref<1x1000x32xf32, #tpu.memory_space<vmem>> -> memref<1000x32xf32, #tpu.memory_space<vmem>>
    %dma_start3A_868 = arith.constant 125 : i32
    %dma_start3A_869 = arith.constant 0 : i32
    %dma_start3A_870 = tpu.memref_slice %dma_start3A_867[%dma_start3A_868, %dma_start3A_869] : memref<1000x32xf32, #tpu.memory_space<vmem>> -> memref<125x32xf32, #tpu.memory_space<vmem>>
    %dma_start3A_871 = arith.constant 0 : i32
    %dma_start3A_872 = tpu.memref_slice %arg7[%dma_start3A_862, %dma_start3A_871] : memref<40x125xi32, #tpu.memory_space<vmem>> -> memref<1x125xi32, #tpu.memory_space<vmem>>
    %dma_start3A_873 = tpu.memref_squeeze %dma_start3A_872 : memref<1x125xi32, #tpu.memory_space<vmem>> -> memref<125xi32, #tpu.memory_space<vmem>>
    %dma_start3A_874 = arith.constant 0 : i32
    %dma_start3A_875 = arith.constant 0 : i32
    %dma_start3A_876 = tpu.memref_slice %arg2[%dma_start3A_874, %dma_start3A_875] : memref<10000x32xf32, #tpu.memory_space<hbm>> -> memref<10000x32xf32, #tpu.memory_space<hbm>>
    tpu.enqueue_indirect_dma source(%dma_start3A_876 : memref<10000x32xf32, #tpu.memory_space<hbm>>) target(%dma_start3A_870 : memref<125x32xf32, #tpu.memory_space<vmem>>) offsets(%dma_start3A_873 : memref<125xi32, #tpu.memory_space<vmem>>) semaphore(%arg11 : memref<!tpu.dma_semaphore, #tpu.memory_space<semaphore_mem>>)
    %dma_start3A_877 = arith.constant 26 : i32
    %dma_start3A_878 = arith.constant 1 : i32
    %dma_start3A_879 = arith.constant 0 : i32
    %dma_start3A_880 = arith.constant 0 : i32
    %dma_start3A_881 = tpu.memref_slice %arg8[%dma_start3A_878, %dma_start3A_879, %dma_start3A_880] : memref<2x1000x32xf32, #tpu.memory_space<vmem>> -> memref<1x1000x32xf32, #tpu.memory_space<vmem>>
    %dma_start3A_882 = tpu.memref_squeeze %dma_start3A_881 : memref<1x1000x32xf32, #tpu.memory_space<vmem>> -> memref<1000x32xf32, #tpu.memory_space<vmem>>
    %dma_start3A_883 = arith.constant 250 : i32
    %dma_start3A_884 = arith.constant 0 : i32
    %dma_start3A_885 = tpu.memref_slice %dma_start3A_882[%dma_start3A_883, %dma_start3A_884] : memref<1000x32xf32, #tpu.memory_space<vmem>> -> memref<125x32xf32, #tpu.memory_space<vmem>>
    %dma_start3A_886 = arith.constant 0 : i32
    %dma_start3A_887 = tpu.memref_slice %arg7[%dma_start3A_877, %dma_start3A_886] : memref<40x125xi32, #tpu.memory_space<vmem>> -> memref<1x125xi32, #tpu.memory_space<vmem>>
    %dma_start3A_888 = tpu.memref_squeeze %dma_start3A_887 : memref<1x125xi32, #tpu.memory_space<vmem>> -> memref<125xi32, #tpu.memory_space<vmem>>
    %dma_start3A_889 = arith.constant 0 : i32
    %dma_start3A_890 = arith.constant 0 : i32
    %dma_start3A_891 = tpu.memref_slice %arg2[%dma_start3A_889, %dma_start3A_890] : memref<10000x32xf32, #tpu.memory_space<hbm>> -> memref<10000x32xf32, #tpu.memory_space<hbm>>
    tpu.enqueue_indirect_dma source(%dma_start3A_891 : memref<10000x32xf32, #tpu.memory_space<hbm>>) target(%dma_start3A_885 : memref<125x32xf32, #tpu.memory_space<vmem>>) offsets(%dma_start3A_888 : memref<125xi32, #tpu.memory_space<vmem>>) semaphore(%arg11 : memref<!tpu.dma_semaphore, #tpu.memory_space<semaphore_mem>>)
    %dma_start3A_892 = arith.constant 27 : i32
    %dma_start3A_893 = arith.constant 1 : i32
    %dma_start3A_894 = arith.constant 0 : i32
    %dma_start3A_895 = arith.constant 0 : i32
    %dma_start3A_896 = tpu.memref_slice %arg8[%dma_start3A_893, %dma_start3A_894, %dma_start3A_895] : memref<2x1000x32xf32, #tpu.memory_space<vmem>> -> memref<1x1000x32xf32, #tpu.memory_space<vmem>>
    %dma_start3A_897 = tpu.memref_squeeze %dma_start3A_896 : memref<1x1000x32xf32, #tpu.memory_space<vmem>> -> memref<1000x32xf32, #tpu.memory_space<vmem>>
    %dma_start3A_898 = arith.constant 375 : i32
    %dma_start3A_899 = arith.constant 0 : i32
    %dma_start3A_900 = tpu.memref_slice %dma_start3A_897[%dma_start3A_898, %dma_start3A_899] : memref<1000x32xf32, #tpu.memory_space<vmem>> -> memref<125x32xf32, #tpu.memory_space<vmem>>
    %dma_start3A_901 = arith.constant 0 : i32
    %dma_start3A_902 = tpu.memref_slice %arg7[%dma_start3A_892, %dma_start3A_901] : memref<40x125xi32, #tpu.memory_space<vmem>> -> memref<1x125xi32, #tpu.memory_space<vmem>>
    %dma_start3A_903 = tpu.memref_squeeze %dma_start3A_902 : memref<1x125xi32, #tpu.memory_space<vmem>> -> memref<125xi32, #tpu.memory_space<vmem>>
    %dma_start3A_904 = arith.constant 0 : i32
    %dma_start3A_905 = arith.constant 0 : i32
    %dma_start3A_906 = tpu.memref_slice %arg2[%dma_start3A_904, %dma_start3A_905] : memref<10000x32xf32, #tpu.memory_space<hbm>> -> memref<10000x32xf32, #tpu.memory_space<hbm>>
    tpu.enqueue_indirect_dma source(%dma_start3A_906 : memref<10000x32xf32, #tpu.memory_space<hbm>>) target(%dma_start3A_900 : memref<125x32xf32, #tpu.memory_space<vmem>>) offsets(%dma_start3A_903 : memref<125xi32, #tpu.memory_space<vmem>>) semaphore(%arg11 : memref<!tpu.dma_semaphore, #tpu.memory_space<semaphore_mem>>)
    %dma_start3A_907 = arith.constant 28 : i32
    %dma_start3A_908 = arith.constant 1 : i32
    %dma_start3A_909 = arith.constant 0 : i32
    %dma_start3A_910 = arith.constant 0 : i32
    %dma_start3A_911 = tpu.memref_slice %arg8[%dma_start3A_908, %dma_start3A_909, %dma_start3A_910] : memref<2x1000x32xf32, #tpu.memory_space<vmem>> -> memref<1x1000x32xf32, #tpu.memory_space<vmem>>
    %dma_start3A_912 = tpu.memref_squeeze %dma_start3A_911 : memref<1x1000x32xf32, #tpu.memory_space<vmem>> -> memref<1000x32xf32, #tpu.memory_space<vmem>>
    %dma_start3A_913 = arith.constant 500 : i32
    %dma_start3A_914 = arith.constant 0 : i32
    %dma_start3A_915 = tpu.memref_slice %dma_start3A_912[%dma_start3A_913, %dma_start3A_914] : memref<1000x32xf32, #tpu.memory_space<vmem>> -> memref<125x32xf32, #tpu.memory_space<vmem>>
    %dma_start3A_916 = arith.constant 0 : i32
    %dma_start3A_917 = tpu.memref_slice %arg7[%dma_start3A_907, %dma_start3A_916] : memref<40x125xi32, #tpu.memory_space<vmem>> -> memref<1x125xi32, #tpu.memory_space<vmem>>
    %dma_start3A_918 = tpu.memref_squeeze %dma_start3A_917 : memref<1x125xi32, #tpu.memory_space<vmem>> -> memref<125xi32, #tpu.memory_space<vmem>>
    %dma_start3A_919 = arith.constant 0 : i32
    %dma_start3A_920 = arith.constant 0 : i32
    %dma_start3A_921 = tpu.memref_slice %arg2[%dma_start3A_919, %dma_start3A_920] : memref<10000x32xf32, #tpu.memory_space<hbm>> -> memref<10000x32xf32, #tpu.memory_space<hbm>>
    tpu.enqueue_indirect_dma source(%dma_start3A_921 : memref<10000x32xf32, #tpu.memory_space<hbm>>) target(%dma_start3A_915 : memref<125x32xf32, #tpu.memory_space<vmem>>) offsets(%dma_start3A_918 : memref<125xi32, #tpu.memory_space<vmem>>) semaphore(%arg11 : memref<!tpu.dma_semaphore, #tpu.memory_space<semaphore_mem>>)
    %dma_start3A_922 = arith.constant 29 : i32
    %dma_start3A_923 = arith.constant 1 : i32
    %dma_start3A_924 = arith.constant 0 : i32
    %dma_start3A_925 = arith.constant 0 : i32
    %dma_start3A_926 = tpu.memref_slice %arg8[%dma_start3A_923, %dma_start3A_924, %dma_start3A_925] : memref<2x1000x32xf32, #tpu.memory_space<vmem>> -> memref<1x1000x32xf32, #tpu.memory_space<vmem>>
    %dma_start3A_927 = tpu.memref_squeeze %dma_start3A_926 : memref<1x1000x32xf32, #tpu.memory_space<vmem>> -> memref<1000x32xf32, #tpu.memory_space<vmem>>
    %dma_start3A_928 = arith.constant 625 : i32
    %dma_start3A_929 = arith.constant 0 : i32
    %dma_start3A_930 = tpu.memref_slice %dma_start3A_927[%dma_start3A_928, %dma_start3A_929] : memref<1000x32xf32, #tpu.memory_space<vmem>> -> memref<125x32xf32, #tpu.memory_space<vmem>>
    %dma_start3A_931 = arith.constant 0 : i32
    %dma_start3A_932 = tpu.memref_slice %arg7[%dma_start3A_922, %dma_start3A_931] : memref<40x125xi32, #tpu.memory_space<vmem>> -> memref<1x125xi32, #tpu.memory_space<vmem>>
    %dma_start3A_933 = tpu.memref_squeeze %dma_start3A_932 : memref<1x125xi32, #tpu.memory_space<vmem>> -> memref<125xi32, #tpu.memory_space<vmem>>
    %dma_start3A_934 = arith.constant 0 : i32
    %dma_start3A_935 = arith.constant 0 : i32
    %dma_start3A_936 = tpu.memref_slice %arg2[%dma_start3A_934, %dma_start3A_935] : memref<10000x32xf32, #tpu.memory_space<hbm>> -> memref<10000x32xf32, #tpu.memory_space<hbm>>
    tpu.enqueue_indirect_dma source(%dma_start3A_936 : memref<10000x32xf32, #tpu.memory_space<hbm>>) target(%dma_start3A_930 : memref<125x32xf32, #tpu.memory_space<vmem>>) offsets(%dma_start3A_933 : memref<125xi32, #tpu.memory_space<vmem>>) semaphore(%arg11 : memref<!tpu.dma_semaphore, #tpu.memory_space<semaphore_mem>>)
    %dma_start3A_937 = arith.constant 30 : i32
    %dma_start3A_938 = arith.constant 1 : i32
    %dma_start3A_939 = arith.constant 0 : i32
    %dma_start3A_940 = arith.constant 0 : i32
    %dma_start3A_941 = tpu.memref_slice %arg8[%dma_start3A_938, %dma_start3A_939, %dma_start3A_940] : memref<2x1000x32xf32, #tpu.memory_space<vmem>> -> memref<1x1000x32xf32, #tpu.memory_space<vmem>>
    %dma_start3A_942 = tpu.memref_squeeze %dma_start3A_941 : memref<1x1000x32xf32, #tpu.memory_space<vmem>> -> memref<1000x32xf32, #tpu.memory_space<vmem>>
    %dma_start3A_943 = arith.constant 750 : i32
    %dma_start3A_944 = arith.constant 0 : i32
    %dma_start3A_945 = tpu.memref_slice %dma_start3A_942[%dma_start3A_943, %dma_start3A_944] : memref<1000x32xf32, #tpu.memory_space<vmem>> -> memref<125x32xf32, #tpu.memory_space<vmem>>
    %dma_start3A_946 = arith.constant 0 : i32
    %dma_start3A_947 = tpu.memref_slice %arg7[%dma_start3A_937, %dma_start3A_946] : memref<40x125xi32, #tpu.memory_space<vmem>> -> memref<1x125xi32, #tpu.memory_space<vmem>>
    %dma_start3A_948 = tpu.memref_squeeze %dma_start3A_947 : memref<1x125xi32, #tpu.memory_space<vmem>> -> memref<125xi32, #tpu.memory_space<vmem>>
    %dma_start3A_949 = arith.constant 0 : i32
    %dma_start3A_950 = arith.constant 0 : i32
    %dma_start3A_951 = tpu.memref_slice %arg2[%dma_start3A_949, %dma_start3A_950] : memref<10000x32xf32, #tpu.memory_space<hbm>> -> memref<10000x32xf32, #tpu.memory_space<hbm>>
    tpu.enqueue_indirect_dma source(%dma_start3A_951 : memref<10000x32xf32, #tpu.memory_space<hbm>>) target(%dma_start3A_945 : memref<125x32xf32, #tpu.memory_space<vmem>>) offsets(%dma_start3A_948 : memref<125xi32, #tpu.memory_space<vmem>>) semaphore(%arg11 : memref<!tpu.dma_semaphore, #tpu.memory_space<semaphore_mem>>)
    %dma_start3A_952 = arith.constant 31 : i32
    %dma_start3A_953 = arith.constant 1 : i32
    %dma_start3A_954 = arith.constant 0 : i32
    %dma_start3A_955 = arith.constant 0 : i32
    %dma_start3A_956 = tpu.memref_slice %arg8[%dma_start3A_953, %dma_start3A_954, %dma_start3A_955] : memref<2x1000x32xf32, #tpu.memory_space<vmem>> -> memref<1x1000x32xf32, #tpu.memory_space<vmem>>
    %dma_start3A_957 = tpu.memref_squeeze %dma_start3A_956 : memref<1x1000x32xf32, #tpu.memory_space<vmem>> -> memref<1000x32xf32, #tpu.memory_space<vmem>>
    %dma_start3A_958 = arith.constant 875 : i32
    %dma_start3A_959 = arith.constant 0 : i32
    %dma_start3A_960 = tpu.memref_slice %dma_start3A_957[%dma_start3A_958, %dma_start3A_959] : memref<1000x32xf32, #tpu.memory_space<vmem>> -> memref<125x32xf32, #tpu.memory_space<vmem>>
    %dma_start3A_961 = arith.constant 0 : i32
    %dma_start3A_962 = tpu.memref_slice %arg7[%dma_start3A_952, %dma_start3A_961] : memref<40x125xi32, #tpu.memory_space<vmem>> -> memref<1x125xi32, #tpu.memory_space<vmem>>
    %dma_start3A_963 = tpu.memref_squeeze %dma_start3A_962 : memref<1x125xi32, #tpu.memory_space<vmem>> -> memref<125xi32, #tpu.memory_space<vmem>>
    %dma_start3A_964 = arith.constant 0 : i32
    %dma_start3A_965 = arith.constant 0 : i32
    %dma_start3A_966 = tpu.memref_slice %arg2[%dma_start3A_964, %dma_start3A_965] : memref<10000x32xf32, #tpu.memory_space<hbm>> -> memref<10000x32xf32, #tpu.memory_space<hbm>>
    tpu.enqueue_indirect_dma source(%dma_start3A_966 : memref<10000x32xf32, #tpu.memory_space<hbm>>) target(%dma_start3A_960 : memref<125x32xf32, #tpu.memory_space<vmem>>) offsets(%dma_start3A_963 : memref<125xi32, #tpu.memory_space<vmem>>) semaphore(%arg11 : memref<!tpu.dma_semaphore, #tpu.memory_space<semaphore_mem>>)
    %mul3A_967 = arith.constant 5000 : i32
    %mul3A_968 = arith.muli %add3A, %mul3A_967 : i32
    %add3A_969 = arith.constant 3000 : i32
    %add3A_970 = arith.addi %mul3A_968, %add3A_969 : i32
    "tpu.region"() ({
      %run_scoped3A = tpu.sem_alloc : memref<!tpu.dma_semaphore, #tpu.memory_space<semaphore_mem>>
      %dma_start3A_1440 = arith.constant 0 : i32
      %dma_start3A_1441 = tpu.memref_slice %arg4[%dma_start3A_1440, %add3A_970] : memref<16x160000xf32, #tpu.memory_space<hbm>> -> memref<16x1000xf32, #tpu.memory_space<hbm>>
      %dma_start3A_1442 = arith.constant 0 : i32
      %dma_start3A_1443 = tpu.memref_slice %arg4[%dma_start3A_1442, %add3A_970] : memref<16x160000xf32, #tpu.memory_space<hbm>> -> memref<16x1000xf32, #tpu.memory_space<hbm>>
      tpu.enqueue_dma source(%dma_start3A_1443 : memref<16x1000xf32, #tpu.memory_space<hbm>>) target(%arg9 : memref<16x1000xf32, #tpu.memory_space<vmem>>) target_semaphore(%run_scoped3A : memref<!tpu.dma_semaphore, #tpu.memory_space<semaphore_mem>>)
      %dma_wait3A_1444 = arith.constant 0 : i32
      %dma_wait3A_1445 = tpu.memref_slice %arg4[%dma_wait3A_1444, %add3A_970] : memref<16x160000xf32, #tpu.memory_space<hbm>> -> memref<16x1000xf32, #tpu.memory_space<hbm>>
      %dma_wait3A_1446 = arith.constant 0 : i32
      %dma_wait3A_1447 = tpu.memref_slice %arg4[%dma_wait3A_1446, %add3A_970] : memref<16x160000xf32, #tpu.memory_space<hbm>> -> memref<16x1000xf32, #tpu.memory_space<hbm>>
      tpu.wait_dma2 semaphore(%run_scoped3A : memref<!tpu.dma_semaphore, #tpu.memory_space<semaphore_mem>>) src(%dma_wait3A_1447 : memref<16x1000xf32, #tpu.memory_space<hbm>>) dst(%arg9 : memref<16x1000xf32, #tpu.memory_space<vmem>>)
      tpu.yield
    }) : () -> ()
    %scan3A_971 = arith.constant 0 : i32
    %scan3A_972 = arith.constant 0 : i32
    %scan3A_973 = arith.constant 250 : i32
    %scan3A_974 = arith.addi %scan3A_972, %scan3A_973 : i32
    %scan3A_975 = arith.constant 1 : i32
    scf.for %scan3A_1440 = %scan3A_972 to %scan3A_974 step %scan3A_975  : i32 {
      %mul3A_1441 = arith.constant 4 : i32
      %mul3A_1442 = arith.muli %mul3A_1441, %scan3A_1440 : i32
      %add3A_1443 = arith.constant 0 : i32
      %add3A_1444 = arith.addi %mul3A_1442, %add3A_1443 : i32
      %broadcast_in_dim3A = vector.broadcast %add3A_1444 : i32 to vector<16xi32>
      %gather3A = tpu.vector_load_idx %arg9[%iota3A, %broadcast_in_dim3A] : memref<16x1000xf32, #tpu.memory_space<vmem>>[vector<16xi32>, vector<16xi32>], vector<16xf32>,
      %swap3A = arith.index_cast %scan3A_1440 : i32 to index
      %swap3A_1445 = arith.constant 0 : index
      %swap3A_1446 = tpu.vector_load %arg10[%swap3A, %swap3A_1445] {strides = array<i32>} : memref<250x64xf32, #tpu.memory_space<vmem>>, vector<16xf32>,
      tpu.vector_store %arg10[%swap3A, %swap3A_1445], %gather3A {strides = array<i32>} : memref<250x64xf32, #tpu.memory_space<vmem>>, vector<16xf32>,
      %mul3A_1447 = arith.constant 4 : i32
      %mul3A_1448 = arith.muli %mul3A_1447, %scan3A_1440 : i32
      %add3A_1449 = arith.constant 1 : i32
      %add3A_1450 = arith.addi %mul3A_1448, %add3A_1449 : i32
      %broadcast_in_dim3A_1451 = vector.broadcast %add3A_1450 : i32 to vector<16xi32>
      %gather3A_1452 = tpu.vector_load_idx %arg9[%iota3A, %broadcast_in_dim3A_1451] : memref<16x1000xf32, #tpu.memory_space<vmem>>[vector<16xi32>, vector<16xi32>], vector<16xf32>,
      %swap3A_1453 = arith.index_cast %scan3A_1440 : i32 to index
      %swap3A_1454 = arith.constant 16 : index
      %swap3A_1455 = tpu.vector_load %arg10[%swap3A_1453, %swap3A_1454] {strides = array<i32>} : memref<250x64xf32, #tpu.memory_space<vmem>>, vector<16xf32>,
      tpu.vector_store %arg10[%swap3A_1453, %swap3A_1454], %gather3A_1452 {strides = array<i32>} : memref<250x64xf32, #tpu.memory_space<vmem>>, vector<16xf32>,
      %mul3A_1456 = arith.constant 4 : i32
      %mul3A_1457 = arith.muli %mul3A_1456, %scan3A_1440 : i32
      %add3A_1458 = arith.constant 2 : i32
      %add3A_1459 = arith.addi %mul3A_1457, %add3A_1458 : i32
      %broadcast_in_dim3A_1460 = vector.broadcast %add3A_1459 : i32 to vector<16xi32>
      %gather3A_1461 = tpu.vector_load_idx %arg9[%iota3A, %broadcast_in_dim3A_1460] : memref<16x1000xf32, #tpu.memory_space<vmem>>[vector<16xi32>, vector<16xi32>], vector<16xf32>,
      %swap3A_1462 = arith.index_cast %scan3A_1440 : i32 to index
      %swap3A_1463 = arith.constant 32 : index
      %swap3A_1464 = tpu.vector_load %arg10[%swap3A_1462, %swap3A_1463] {strides = array<i32>} : memref<250x64xf32, #tpu.memory_space<vmem>>, vector<16xf32>,
      tpu.vector_store %arg10[%swap3A_1462, %swap3A_1463], %gather3A_1461 {strides = array<i32>} : memref<250x64xf32, #tpu.memory_space<vmem>>, vector<16xf32>,
      %mul3A_1465 = arith.constant 4 : i32
      %mul3A_1466 = arith.muli %mul3A_1465, %scan3A_1440 : i32
      %add3A_1467 = arith.constant 3 : i32
      %add3A_1468 = arith.addi %mul3A_1466, %add3A_1467 : i32
      %broadcast_in_dim3A_1469 = vector.broadcast %add3A_1468 : i32 to vector<16xi32>
      %gather3A_1470 = tpu.vector_load_idx %arg9[%iota3A, %broadcast_in_dim3A_1469] : memref<16x1000xf32, #tpu.memory_space<vmem>>[vector<16xi32>, vector<16xi32>], vector<16xf32>,
      %swap3A_1471 = arith.index_cast %scan3A_1440 : i32 to index
      %swap3A_1472 = arith.constant 48 : index
      %swap3A_1473 = tpu.vector_load %arg10[%swap3A_1471, %swap3A_1472] {strides = array<i32>} : memref<250x64xf32, #tpu.memory_space<vmem>>, vector<16xf32>,
      tpu.vector_store %arg10[%swap3A_1471, %swap3A_1472], %gather3A_1470 {strides = array<i32>} : memref<250x64xf32, #tpu.memory_space<vmem>>, vector<16xf32>,
    }
    %scan3A_976 = arith.constant 250 : i32
    %mul3A_977 = arith.constant 5 : i32
    %mul3A_978 = arith.muli %add3A, %mul3A_977 : i32
    %add3A_979 = arith.constant 3 : i32
    %add3A_980 = arith.addi %mul3A_978, %add3A_979 : i32
    "tpu.region"() ({
      %run_scoped3A = tpu.sem_alloc : memref<!tpu.dma_semaphore, #tpu.memory_space<semaphore_mem>>
      %dma_start3A_1440 = arith.constant 0 : i32
      %dma_start3A_1441 = arith.constant 0 : i32
      %dma_start3A_1442 = tpu.memref_slice %arg6[%add3A_980, %dma_start3A_1440, %dma_start3A_1441] : memref<160x250x64xf32, #tpu.memory_space<hbm>> -> memref<1x250x64xf32, #tpu.memory_space<hbm>>
      %dma_start3A_1443 = tpu.memref_squeeze %dma_start3A_1442 : memref<1x250x64xf32, #tpu.memory_space<hbm>> -> memref<250x64xf32, #tpu.memory_space<hbm>>
      %dma_start3A_1444 = arith.constant 0 : i32
      %dma_start3A_1445 = arith.constant 0 : i32
      %dma_start3A_1446 = tpu.memref_slice %arg6[%add3A_980, %dma_start3A_1444, %dma_start3A_1445] : memref<160x250x64xf32, #tpu.memory_space<hbm>> -> memref<1x250x64xf32, #tpu.memory_space<hbm>>
      %dma_start3A_1447 = tpu.memref_squeeze %dma_start3A_1446 : memref<1x250x64xf32, #tpu.memory_space<hbm>> -> memref<250x64xf32, #tpu.memory_space<hbm>>
      tpu.enqueue_dma source(%arg10 : memref<250x64xf32, #tpu.memory_space<vmem>>) target(%dma_start3A_1447 : memref<250x64xf32, #tpu.memory_space<hbm>>) target_semaphore(%run_scoped3A : memref<!tpu.dma_semaphore, #tpu.memory_space<semaphore_mem>>)
      %dma_wait3A_1448 = arith.constant 0 : i32
      %dma_wait3A_1449 = arith.constant 0 : i32
      %dma_wait3A_1450 = tpu.memref_slice %arg6[%add3A_980, %dma_wait3A_1448, %dma_wait3A_1449] : memref<160x250x64xf32, #tpu.memory_space<hbm>> -> memref<1x250x64xf32, #tpu.memory_space<hbm>>
      %dma_wait3A_1451 = tpu.memref_squeeze %dma_wait3A_1450 : memref<1x250x64xf32, #tpu.memory_space<hbm>> -> memref<250x64xf32, #tpu.memory_space<hbm>>
      %dma_wait3A_1452 = arith.constant 0 : i32
      %dma_wait3A_1453 = arith.constant 0 : i32
      %dma_wait3A_1454 = tpu.memref_slice %arg6[%add3A_980, %dma_wait3A_1452, %dma_wait3A_1453] : memref<160x250x64xf32, #tpu.memory_space<hbm>> -> memref<1x250x64xf32, #tpu.memory_space<hbm>>
      %dma_wait3A_1455 = tpu.memref_squeeze %dma_wait3A_1454 : memref<1x250x64xf32, #tpu.memory_space<hbm>> -> memref<250x64xf32, #tpu.memory_space<hbm>>
      tpu.wait_dma2 semaphore(%run_scoped3A : memref<!tpu.dma_semaphore, #tpu.memory_space<semaphore_mem>>) src(%arg10 : memref<250x64xf32, #tpu.memory_space<vmem>>) dst(%dma_wait3A_1455 : memref<250x64xf32, #tpu.memory_space<hbm>>)
      tpu.yield
    }) : () -> ()
    %dma_wait3A_981 = arith.constant 24 : i32
    %dma_wait3A_982 = arith.constant 1 : i32
    %dma_wait3A_983 = arith.constant 0 : i32
    %dma_wait3A_984 = arith.constant 0 : i32
    %dma_wait3A_985 = tpu.memref_slice %arg8[%dma_wait3A_982, %dma_wait3A_983, %dma_wait3A_984] : memref<2x1000x32xf32, #tpu.memory_space<vmem>> -> memref<1x1000x32xf32, #tpu.memory_space<vmem>>
    %dma_wait3A_986 = tpu.memref_squeeze %dma_wait3A_985 : memref<1x1000x32xf32, #tpu.memory_space<vmem>> -> memref<1000x32xf32, #tpu.memory_space<vmem>>
    %dma_wait3A_987 = arith.constant 0 : i32
    %dma_wait3A_988 = arith.constant 0 : i32
    %dma_wait3A_989 = tpu.memref_slice %dma_wait3A_986[%dma_wait3A_987, %dma_wait3A_988] : memref<1000x32xf32, #tpu.memory_space<vmem>> -> memref<125x32xf32, #tpu.memory_space<vmem>>
    %dma_wait3A_990 = arith.constant 0 : i32
    %dma_wait3A_991 = tpu.memref_slice %arg7[%dma_wait3A_981, %dma_wait3A_990] : memref<40x125xi32, #tpu.memory_space<vmem>> -> memref<1x125xi32, #tpu.memory_space<vmem>>
    %dma_wait3A_992 = tpu.memref_squeeze %dma_wait3A_991 : memref<1x125xi32, #tpu.memory_space<vmem>> -> memref<125xi32, #tpu.memory_space<vmem>>
    %dma_wait3A_993 = arith.constant 0 : i32
    %dma_wait3A_994 = arith.constant 0 : i32
    %dma_wait3A_995 = tpu.memref_slice %arg2[%dma_wait3A_993, %dma_wait3A_994] : memref<10000x32xf32, #tpu.memory_space<hbm>> -> memref<10000x32xf32, #tpu.memory_space<hbm>>
    tpu.wait_indirect_dma semaphore(%arg11 : memref<!tpu.dma_semaphore, #tpu.memory_space<semaphore_mem>>) src(%dma_wait3A_995 : memref<10000x32xf32, #tpu.memory_space<hbm>>) dst(%dma_wait3A_989 : memref<125x32xf32, #tpu.memory_space<vmem>>)
    %dma_wait3A_996 = arith.constant 25 : i32
    %dma_wait3A_997 = arith.constant 1 : i32
    %dma_wait3A_998 = arith.constant 0 : i32
    %dma_wait3A_999 = arith.constant 0 : i32
    %dma_wait3A_1000 = tpu.memref_slice %arg8[%dma_wait3A_997, %dma_wait3A_998, %dma_wait3A_999] : memref<2x1000x32xf32, #tpu.memory_space<vmem>> -> memref<1x1000x32xf32, #tpu.memory_space<vmem>>
    %dma_wait3A_1001 = tpu.memref_squeeze %dma_wait3A_1000 : memref<1x1000x32xf32, #tpu.memory_space<vmem>> -> memref<1000x32xf32, #tpu.memory_space<vmem>>
    %dma_wait3A_1002 = arith.constant 125 : i32
    %dma_wait3A_1003 = arith.constant 0 : i32
    %dma_wait3A_1004 = tpu.memref_slice %dma_wait3A_1001[%dma_wait3A_1002, %dma_wait3A_1003] : memref<1000x32xf32, #tpu.memory_space<vmem>> -> memref<125x32xf32, #tpu.memory_space<vmem>>
    %dma_wait3A_1005 = arith.constant 0 : i32
    %dma_wait3A_1006 = tpu.memref_slice %arg7[%dma_wait3A_996, %dma_wait3A_1005] : memref<40x125xi32, #tpu.memory_space<vmem>> -> memref<1x125xi32, #tpu.memory_space<vmem>>
    %dma_wait3A_1007 = tpu.memref_squeeze %dma_wait3A_1006 : memref<1x125xi32, #tpu.memory_space<vmem>> -> memref<125xi32, #tpu.memory_space<vmem>>
    %dma_wait3A_1008 = arith.constant 0 : i32
    %dma_wait3A_1009 = arith.constant 0 : i32
    %dma_wait3A_1010 = tpu.memref_slice %arg2[%dma_wait3A_1008, %dma_wait3A_1009] : memref<10000x32xf32, #tpu.memory_space<hbm>> -> memref<10000x32xf32, #tpu.memory_space<hbm>>
    tpu.wait_indirect_dma semaphore(%arg11 : memref<!tpu.dma_semaphore, #tpu.memory_space<semaphore_mem>>) src(%dma_wait3A_1010 : memref<10000x32xf32, #tpu.memory_space<hbm>>) dst(%dma_wait3A_1004 : memref<125x32xf32, #tpu.memory_space<vmem>>)
    %dma_wait3A_1011 = arith.constant 26 : i32
    %dma_wait3A_1012 = arith.constant 1 : i32
    %dma_wait3A_1013 = arith.constant 0 : i32
    %dma_wait3A_1014 = arith.constant 0 : i32
    %dma_wait3A_1015 = tpu.memref_slice %arg8[%dma_wait3A_1012, %dma_wait3A_1013, %dma_wait3A_1014] : memref<2x1000x32xf32, #tpu.memory_space<vmem>> -> memref<1x1000x32xf32, #tpu.memory_space<vmem>>
    %dma_wait3A_1016 = tpu.memref_squeeze %dma_wait3A_1015 : memref<1x1000x32xf32, #tpu.memory_space<vmem>> -> memref<1000x32xf32, #tpu.memory_space<vmem>>
    %dma_wait3A_1017 = arith.constant 250 : i32
    %dma_wait3A_1018 = arith.constant 0 : i32
    %dma_wait3A_1019 = tpu.memref_slice %dma_wait3A_1016[%dma_wait3A_1017, %dma_wait3A_1018] : memref<1000x32xf32, #tpu.memory_space<vmem>> -> memref<125x32xf32, #tpu.memory_space<vmem>>
    %dma_wait3A_1020 = arith.constant 0 : i32
    %dma_wait3A_1021 = tpu.memref_slice %arg7[%dma_wait3A_1011, %dma_wait3A_1020] : memref<40x125xi32, #tpu.memory_space<vmem>> -> memref<1x125xi32, #tpu.memory_space<vmem>>
    %dma_wait3A_1022 = tpu.memref_squeeze %dma_wait3A_1021 : memref<1x125xi32, #tpu.memory_space<vmem>> -> memref<125xi32, #tpu.memory_space<vmem>>
    %dma_wait3A_1023 = arith.constant 0 : i32
    %dma_wait3A_1024 = arith.constant 0 : i32
    %dma_wait3A_1025 = tpu.memref_slice %arg2[%dma_wait3A_1023, %dma_wait3A_1024] : memref<10000x32xf32, #tpu.memory_space<hbm>> -> memref<10000x32xf32, #tpu.memory_space<hbm>>
    tpu.wait_indirect_dma semaphore(%arg11 : memref<!tpu.dma_semaphore, #tpu.memory_space<semaphore_mem>>) src(%dma_wait3A_1025 : memref<10000x32xf32, #tpu.memory_space<hbm>>) dst(%dma_wait3A_1019 : memref<125x32xf32, #tpu.memory_space<vmem>>)
    %dma_wait3A_1026 = arith.constant 27 : i32
    %dma_wait3A_1027 = arith.constant 1 : i32
    %dma_wait3A_1028 = arith.constant 0 : i32
    %dma_wait3A_1029 = arith.constant 0 : i32
    %dma_wait3A_1030 = tpu.memref_slice %arg8[%dma_wait3A_1027, %dma_wait3A_1028, %dma_wait3A_1029] : memref<2x1000x32xf32, #tpu.memory_space<vmem>> -> memref<1x1000x32xf32, #tpu.memory_space<vmem>>
    %dma_wait3A_1031 = tpu.memref_squeeze %dma_wait3A_1030 : memref<1x1000x32xf32, #tpu.memory_space<vmem>> -> memref<1000x32xf32, #tpu.memory_space<vmem>>
    %dma_wait3A_1032 = arith.constant 375 : i32
    %dma_wait3A_1033 = arith.constant 0 : i32
    %dma_wait3A_1034 = tpu.memref_slice %dma_wait3A_1031[%dma_wait3A_1032, %dma_wait3A_1033] : memref<1000x32xf32, #tpu.memory_space<vmem>> -> memref<125x32xf32, #tpu.memory_space<vmem>>
    %dma_wait3A_1035 = arith.constant 0 : i32
    %dma_wait3A_1036 = tpu.memref_slice %arg7[%dma_wait3A_1026, %dma_wait3A_1035] : memref<40x125xi32, #tpu.memory_space<vmem>> -> memref<1x125xi32, #tpu.memory_space<vmem>>
    %dma_wait3A_1037 = tpu.memref_squeeze %dma_wait3A_1036 : memref<1x125xi32, #tpu.memory_space<vmem>> -> memref<125xi32, #tpu.memory_space<vmem>>
    %dma_wait3A_1038 = arith.constant 0 : i32
    %dma_wait3A_1039 = arith.constant 0 : i32
    %dma_wait3A_1040 = tpu.memref_slice %arg2[%dma_wait3A_1038, %dma_wait3A_1039] : memref<10000x32xf32, #tpu.memory_space<hbm>> -> memref<10000x32xf32, #tpu.memory_space<hbm>>
    tpu.wait_indirect_dma semaphore(%arg11 : memref<!tpu.dma_semaphore, #tpu.memory_space<semaphore_mem>>) src(%dma_wait3A_1040 : memref<10000x32xf32, #tpu.memory_space<hbm>>) dst(%dma_wait3A_1034 : memref<125x32xf32, #tpu.memory_space<vmem>>)
    %dma_wait3A_1041 = arith.constant 28 : i32
    %dma_wait3A_1042 = arith.constant 1 : i32
    %dma_wait3A_1043 = arith.constant 0 : i32
    %dma_wait3A_1044 = arith.constant 0 : i32
    %dma_wait3A_1045 = tpu.memref_slice %arg8[%dma_wait3A_1042, %dma_wait3A_1043, %dma_wait3A_1044] : memref<2x1000x32xf32, #tpu.memory_space<vmem>> -> memref<1x1000x32xf32, #tpu.memory_space<vmem>>
    %dma_wait3A_1046 = tpu.memref_squeeze %dma_wait3A_1045 : memref<1x1000x32xf32, #tpu.memory_space<vmem>> -> memref<1000x32xf32, #tpu.memory_space<vmem>>
    %dma_wait3A_1047 = arith.constant 500 : i32
    %dma_wait3A_1048 = arith.constant 0 : i32
    %dma_wait3A_1049 = tpu.memref_slice %dma_wait3A_1046[%dma_wait3A_1047, %dma_wait3A_1048] : memref<1000x32xf32, #tpu.memory_space<vmem>> -> memref<125x32xf32, #tpu.memory_space<vmem>>
    %dma_wait3A_1050 = arith.constant 0 : i32
    %dma_wait3A_1051 = tpu.memref_slice %arg7[%dma_wait3A_1041, %dma_wait3A_1050] : memref<40x125xi32, #tpu.memory_space<vmem>> -> memref<1x125xi32, #tpu.memory_space<vmem>>
    %dma_wait3A_1052 = tpu.memref_squeeze %dma_wait3A_1051 : memref<1x125xi32, #tpu.memory_space<vmem>> -> memref<125xi32, #tpu.memory_space<vmem>>
    %dma_wait3A_1053 = arith.constant 0 : i32
    %dma_wait3A_1054 = arith.constant 0 : i32
    %dma_wait3A_1055 = tpu.memref_slice %arg2[%dma_wait3A_1053, %dma_wait3A_1054] : memref<10000x32xf32, #tpu.memory_space<hbm>> -> memref<10000x32xf32, #tpu.memory_space<hbm>>
    tpu.wait_indirect_dma semaphore(%arg11 : memref<!tpu.dma_semaphore, #tpu.memory_space<semaphore_mem>>) src(%dma_wait3A_1055 : memref<10000x32xf32, #tpu.memory_space<hbm>>) dst(%dma_wait3A_1049 : memref<125x32xf32, #tpu.memory_space<vmem>>)
    %dma_wait3A_1056 = arith.constant 29 : i32
    %dma_wait3A_1057 = arith.constant 1 : i32
    %dma_wait3A_1058 = arith.constant 0 : i32
    %dma_wait3A_1059 = arith.constant 0 : i32
    %dma_wait3A_1060 = tpu.memref_slice %arg8[%dma_wait3A_1057, %dma_wait3A_1058, %dma_wait3A_1059] : memref<2x1000x32xf32, #tpu.memory_space<vmem>> -> memref<1x1000x32xf32, #tpu.memory_space<vmem>>
    %dma_wait3A_1061 = tpu.memref_squeeze %dma_wait3A_1060 : memref<1x1000x32xf32, #tpu.memory_space<vmem>> -> memref<1000x32xf32, #tpu.memory_space<vmem>>
    %dma_wait3A_1062 = arith.constant 625 : i32
    %dma_wait3A_1063 = arith.constant 0 : i32
    %dma_wait3A_1064 = tpu.memref_slice %dma_wait3A_1061[%dma_wait3A_1062, %dma_wait3A_1063] : memref<1000x32xf32, #tpu.memory_space<vmem>> -> memref<125x32xf32, #tpu.memory_space<vmem>>
    %dma_wait3A_1065 = arith.constant 0 : i32
    %dma_wait3A_1066 = tpu.memref_slice %arg7[%dma_wait3A_1056, %dma_wait3A_1065] : memref<40x125xi32, #tpu.memory_space<vmem>> -> memref<1x125xi32, #tpu.memory_space<vmem>>
    %dma_wait3A_1067 = tpu.memref_squeeze %dma_wait3A_1066 : memref<1x125xi32, #tpu.memory_space<vmem>> -> memref<125xi32, #tpu.memory_space<vmem>>
    %dma_wait3A_1068 = arith.constant 0 : i32
    %dma_wait3A_1069 = arith.constant 0 : i32
    %dma_wait3A_1070 = tpu.memref_slice %arg2[%dma_wait3A_1068, %dma_wait3A_1069] : memref<10000x32xf32, #tpu.memory_space<hbm>> -> memref<10000x32xf32, #tpu.memory_space<hbm>>
    tpu.wait_indirect_dma semaphore(%arg11 : memref<!tpu.dma_semaphore, #tpu.memory_space<semaphore_mem>>) src(%dma_wait3A_1070 : memref<10000x32xf32, #tpu.memory_space<hbm>>) dst(%dma_wait3A_1064 : memref<125x32xf32, #tpu.memory_space<vmem>>)
    %dma_wait3A_1071 = arith.constant 30 : i32
    %dma_wait3A_1072 = arith.constant 1 : i32
    %dma_wait3A_1073 = arith.constant 0 : i32
    %dma_wait3A_1074 = arith.constant 0 : i32
    %dma_wait3A_1075 = tpu.memref_slice %arg8[%dma_wait3A_1072, %dma_wait3A_1073, %dma_wait3A_1074] : memref<2x1000x32xf32, #tpu.memory_space<vmem>> -> memref<1x1000x32xf32, #tpu.memory_space<vmem>>
    %dma_wait3A_1076 = tpu.memref_squeeze %dma_wait3A_1075 : memref<1x1000x32xf32, #tpu.memory_space<vmem>> -> memref<1000x32xf32, #tpu.memory_space<vmem>>
    %dma_wait3A_1077 = arith.constant 750 : i32
    %dma_wait3A_1078 = arith.constant 0 : i32
    %dma_wait3A_1079 = tpu.memref_slice %dma_wait3A_1076[%dma_wait3A_1077, %dma_wait3A_1078] : memref<1000x32xf32, #tpu.memory_space<vmem>> -> memref<125x32xf32, #tpu.memory_space<vmem>>
    %dma_wait3A_1080 = arith.constant 0 : i32
    %dma_wait3A_1081 = tpu.memref_slice %arg7[%dma_wait3A_1071, %dma_wait3A_1080] : memref<40x125xi32, #tpu.memory_space<vmem>> -> memref<1x125xi32, #tpu.memory_space<vmem>>
    %dma_wait3A_1082 = tpu.memref_squeeze %dma_wait3A_1081 : memref<1x125xi32, #tpu.memory_space<vmem>> -> memref<125xi32, #tpu.memory_space<vmem>>
    %dma_wait3A_1083 = arith.constant 0 : i32
    %dma_wait3A_1084 = arith.constant 0 : i32
    %dma_wait3A_1085 = tpu.memref_slice %arg2[%dma_wait3A_1083, %dma_wait3A_1084] : memref<10000x32xf32, #tpu.memory_space<hbm>> -> memref<10000x32xf32, #tpu.memory_space<hbm>>
    tpu.wait_indirect_dma semaphore(%arg11 : memref<!tpu.dma_semaphore, #tpu.memory_space<semaphore_mem>>) src(%dma_wait3A_1085 : memref<10000x32xf32, #tpu.memory_space<hbm>>) dst(%dma_wait3A_1079 : memref<125x32xf32, #tpu.memory_space<vmem>>)
    %dma_wait3A_1086 = arith.constant 31 : i32
    %dma_wait3A_1087 = arith.constant 1 : i32
    %dma_wait3A_1088 = arith.constant 0 : i32
    %dma_wait3A_1089 = arith.constant 0 : i32
    %dma_wait3A_1090 = tpu.memref_slice %arg8[%dma_wait3A_1087, %dma_wait3A_1088, %dma_wait3A_1089] : memref<2x1000x32xf32, #tpu.memory_space<vmem>> -> memref<1x1000x32xf32, #tpu.memory_space<vmem>>
    %dma_wait3A_1091 = tpu.memref_squeeze %dma_wait3A_1090 : memref<1x1000x32xf32, #tpu.memory_space<vmem>> -> memref<1000x32xf32, #tpu.memory_space<vmem>>
    %dma_wait3A_1092 = arith.constant 875 : i32
    %dma_wait3A_1093 = arith.constant 0 : i32
    %dma_wait3A_1094 = tpu.memref_slice %dma_wait3A_1091[%dma_wait3A_1092, %dma_wait3A_1093] : memref<1000x32xf32, #tpu.memory_space<vmem>> -> memref<125x32xf32, #tpu.memory_space<vmem>>
    %dma_wait3A_1095 = arith.constant 0 : i32
    %dma_wait3A_1096 = tpu.memref_slice %arg7[%dma_wait3A_1086, %dma_wait3A_1095] : memref<40x125xi32, #tpu.memory_space<vmem>> -> memref<1x125xi32, #tpu.memory_space<vmem>>
    %dma_wait3A_1097 = tpu.memref_squeeze %dma_wait3A_1096 : memref<1x125xi32, #tpu.memory_space<vmem>> -> memref<125xi32, #tpu.memory_space<vmem>>
    %dma_wait3A_1098 = arith.constant 0 : i32
    %dma_wait3A_1099 = arith.constant 0 : i32
    %dma_wait3A_1100 = tpu.memref_slice %arg2[%dma_wait3A_1098, %dma_wait3A_1099] : memref<10000x32xf32, #tpu.memory_space<hbm>> -> memref<10000x32xf32, #tpu.memory_space<hbm>>
    tpu.wait_indirect_dma semaphore(%arg11 : memref<!tpu.dma_semaphore, #tpu.memory_space<semaphore_mem>>) src(%dma_wait3A_1100 : memref<10000x32xf32, #tpu.memory_space<hbm>>) dst(%dma_wait3A_1094 : memref<125x32xf32, #tpu.memory_space<vmem>>)
    %mul3A_1101 = arith.constant 5000 : i32
    %mul3A_1102 = arith.muli %add3A, %mul3A_1101 : i32
    %add3A_1103 = arith.constant 3000 : i32
    %add3A_1104 = arith.addi %mul3A_1102, %add3A_1103 : i32
    %dma_start3A_1105 = arith.constant 1 : i32
    %dma_start3A_1106 = arith.constant 0 : i32
    %dma_start3A_1107 = arith.constant 0 : i32
    %dma_start3A_1108 = tpu.memref_slice %arg8[%dma_start3A_1105, %dma_start3A_1106, %dma_start3A_1107] : memref<2x1000x32xf32, #tpu.memory_space<vmem>> -> memref<1x1000x32xf32, #tpu.memory_space<vmem>>
    %dma_start3A_1109 = tpu.memref_squeeze %dma_start3A_1108 : memref<1x1000x32xf32, #tpu.memory_space<vmem>> -> memref<1000x32xf32, #tpu.memory_space<vmem>>
    %dma_start3A_1110 = arith.constant 0 : i32
    %dma_start3A_1111 = tpu.memref_slice %arg5[%add3A_1104, %dma_start3A_1110] : memref<160000x32xf32, #tpu.memory_space<hbm>> -> memref<1000x32xf32, #tpu.memory_space<hbm>>
    %dma_start3A_1112 = arith.constant 0 : i32
    %dma_start3A_1113 = tpu.memref_slice %arg5[%add3A_1104, %dma_start3A_1112] : memref<160000x32xf32, #tpu.memory_space<hbm>> -> memref<1000x32xf32, #tpu.memory_space<hbm>>
    %dma_start3A_1114 = arith.constant 0 : i32
    %dma_start3A_1115 = arith.constant 0 : i32
    %dma_start3A_1116 = tpu.memref_slice %arg8[%dma_start3A_1105, %dma_start3A_1114, %dma_start3A_1115] : memref<2x1000x32xf32, #tpu.memory_space<vmem>> -> memref<1x1000x32xf32, #tpu.memory_space<vmem>>
    %dma_start3A_1117 = tpu.memref_squeeze %dma_start3A_1116 : memref<1x1000x32xf32, #tpu.memory_space<vmem>> -> memref<1000x32xf32, #tpu.memory_space<vmem>>
    tpu.enqueue_dma source(%dma_start3A_1117 : memref<1000x32xf32, #tpu.memory_space<vmem>>) target(%dma_start3A_1113 : memref<1000x32xf32, #tpu.memory_space<hbm>>) target_semaphore(%arg12 : memref<!tpu.dma_semaphore, #tpu.memory_space<semaphore_mem>>)
    %mul3A_1118 = arith.constant 5000 : i32
    %mul3A_1119 = arith.muli %add3A, %mul3A_1118 : i32
    %add3A_1120 = arith.constant 2000 : i32
    %add3A_1121 = arith.addi %mul3A_1119, %add3A_1120 : i32
    %dma_wait3A_1122 = arith.constant 0 : i32
    %dma_wait3A_1123 = arith.constant 0 : i32
    %dma_wait3A_1124 = arith.constant 0 : i32
    %dma_wait3A_1125 = tpu.memref_slice %arg8[%dma_wait3A_1122, %dma_wait3A_1123, %dma_wait3A_1124] : memref<2x1000x32xf32, #tpu.memory_space<vmem>> -> memref<1x1000x32xf32, #tpu.memory_space<vmem>>
    %dma_wait3A_1126 = tpu.memref_squeeze %dma_wait3A_1125 : memref<1x1000x32xf32, #tpu.memory_space<vmem>> -> memref<1000x32xf32, #tpu.memory_space<vmem>>
    %dma_wait3A_1127 = arith.constant 0 : i32
    %dma_wait3A_1128 = tpu.memref_slice %arg5[%add3A_1121, %dma_wait3A_1127] : memref<160000x32xf32, #tpu.memory_space<hbm>> -> memref<1000x32xf32, #tpu.memory_space<hbm>>
    %dma_wait3A_1129 = arith.constant 0 : i32
    %dma_wait3A_1130 = tpu.memref_slice %arg5[%add3A_1121, %dma_wait3A_1129] : memref<160000x32xf32, #tpu.memory_space<hbm>> -> memref<1000x32xf32, #tpu.memory_space<hbm>>
    %dma_wait3A_1131 = arith.constant 0 : i32
    %dma_wait3A_1132 = arith.constant 0 : i32
    %dma_wait3A_1133 = tpu.memref_slice %arg8[%dma_wait3A_1122, %dma_wait3A_1131, %dma_wait3A_1132] : memref<2x1000x32xf32, #tpu.memory_space<vmem>> -> memref<1x1000x32xf32, #tpu.memory_space<vmem>>
    %dma_wait3A_1134 = tpu.memref_squeeze %dma_wait3A_1133 : memref<1x1000x32xf32, #tpu.memory_space<vmem>> -> memref<1000x32xf32, #tpu.memory_space<vmem>>
    tpu.wait_dma2 semaphore(%arg12 : memref<!tpu.dma_semaphore, #tpu.memory_space<semaphore_mem>>) src(%dma_wait3A_1134 : memref<1000x32xf32, #tpu.memory_space<vmem>>) dst(%dma_wait3A_1130 : memref<1000x32xf32, #tpu.memory_space<hbm>>)
    %dma_start3A_1135 = arith.constant 32 : i32
    %dma_start3A_1136 = arith.constant 0 : i32
    %dma_start3A_1137 = arith.constant 0 : i32
    %dma_start3A_1138 = arith.constant 0 : i32
    %dma_start3A_1139 = tpu.memref_slice %arg8[%dma_start3A_1136, %dma_start3A_1137, %dma_start3A_1138] : memref<2x1000x32xf32, #tpu.memory_space<vmem>> -> memref<1x1000x32xf32, #tpu.memory_space<vmem>>
    %dma_start3A_1140 = tpu.memref_squeeze %dma_start3A_1139 : memref<1x1000x32xf32, #tpu.memory_space<vmem>> -> memref<1000x32xf32, #tpu.memory_space<vmem>>
    %dma_start3A_1141 = arith.constant 0 : i32
    %dma_start3A_1142 = arith.constant 0 : i32
    %dma_start3A_1143 = tpu.memref_slice %dma_start3A_1140[%dma_start3A_1141, %dma_start3A_1142] : memref<1000x32xf32, #tpu.memory_space<vmem>> -> memref<125x32xf32, #tpu.memory_space<vmem>>
    %dma_start3A_1144 = arith.constant 0 : i32
    %dma_start3A_1145 = tpu.memref_slice %arg7[%dma_start3A_1135, %dma_start3A_1144] : memref<40x125xi32, #tpu.memory_space<vmem>> -> memref<1x125xi32, #tpu.memory_space<vmem>>
    %dma_start3A_1146 = tpu.memref_squeeze %dma_start3A_1145 : memref<1x125xi32, #tpu.memory_space<vmem>> -> memref<125xi32, #tpu.memory_space<vmem>>
    %dma_start3A_1147 = arith.constant 0 : i32
    %dma_start3A_1148 = arith.constant 0 : i32
    %dma_start3A_1149 = tpu.memref_slice %arg2[%dma_start3A_1147, %dma_start3A_1148] : memref<10000x32xf32, #tpu.memory_space<hbm>> -> memref<10000x32xf32, #tpu.memory_space<hbm>>
    tpu.enqueue_indirect_dma source(%dma_start3A_1149 : memref<10000x32xf32, #tpu.memory_space<hbm>>) target(%dma_start3A_1143 : memref<125x32xf32, #tpu.memory_space<vmem>>) offsets(%dma_start3A_1146 : memref<125xi32, #tpu.memory_space<vmem>>) semaphore(%arg11 : memref<!tpu.dma_semaphore, #tpu.memory_space<semaphore_mem>>)
    %dma_start3A_1150 = arith.constant 33 : i32
    %dma_start3A_1151 = arith.constant 0 : i32
    %dma_start3A_1152 = arith.constant 0 : i32
    %dma_start3A_1153 = arith.constant 0 : i32
    %dma_start3A_1154 = tpu.memref_slice %arg8[%dma_start3A_1151, %dma_start3A_1152, %dma_start3A_1153] : memref<2x1000x32xf32, #tpu.memory_space<vmem>> -> memref<1x1000x32xf32, #tpu.memory_space<vmem>>
    %dma_start3A_1155 = tpu.memref_squeeze %dma_start3A_1154 : memref<1x1000x32xf32, #tpu.memory_space<vmem>> -> memref<1000x32xf32, #tpu.memory_space<vmem>>
    %dma_start3A_1156 = arith.constant 125 : i32
    %dma_start3A_1157 = arith.constant 0 : i32
    %dma_start3A_1158 = tpu.memref_slice %dma_start3A_1155[%dma_start3A_1156, %dma_start3A_1157] : memref<1000x32xf32, #tpu.memory_space<vmem>> -> memref<125x32xf32, #tpu.memory_space<vmem>>
    %dma_start3A_1159 = arith.constant 0 : i32
    %dma_start3A_1160 = tpu.memref_slice %arg7[%dma_start3A_1150, %dma_start3A_1159] : memref<40x125xi32, #tpu.memory_space<vmem>> -> memref<1x125xi32, #tpu.memory_space<vmem>>
    %dma_start3A_1161 = tpu.memref_squeeze %dma_start3A_1160 : memref<1x125xi32, #tpu.memory_space<vmem>> -> memref<125xi32, #tpu.memory_space<vmem>>
    %dma_start3A_1162 = arith.constant 0 : i32
    %dma_start3A_1163 = arith.constant 0 : i32
    %dma_start3A_1164 = tpu.memref_slice %arg2[%dma_start3A_1162, %dma_start3A_1163] : memref<10000x32xf32, #tpu.memory_space<hbm>> -> memref<10000x32xf32, #tpu.memory_space<hbm>>
    tpu.enqueue_indirect_dma source(%dma_start3A_1164 : memref<10000x32xf32, #tpu.memory_space<hbm>>) target(%dma_start3A_1158 : memref<125x32xf32, #tpu.memory_space<vmem>>) offsets(%dma_start3A_1161 : memref<125xi32, #tpu.memory_space<vmem>>) semaphore(%arg11 : memref<!tpu.dma_semaphore, #tpu.memory_space<semaphore_mem>>)
    %dma_start3A_1165 = arith.constant 34 : i32
    %dma_start3A_1166 = arith.constant 0 : i32
    %dma_start3A_1167 = arith.constant 0 : i32
    %dma_start3A_1168 = arith.constant 0 : i32
    %dma_start3A_1169 = tpu.memref_slice %arg8[%dma_start3A_1166, %dma_start3A_1167, %dma_start3A_1168] : memref<2x1000x32xf32, #tpu.memory_space<vmem>> -> memref<1x1000x32xf32, #tpu.memory_space<vmem>>
    %dma_start3A_1170 = tpu.memref_squeeze %dma_start3A_1169 : memref<1x1000x32xf32, #tpu.memory_space<vmem>> -> memref<1000x32xf32, #tpu.memory_space<vmem>>
    %dma_start3A_1171 = arith.constant 250 : i32
    %dma_start3A_1172 = arith.constant 0 : i32
    %dma_start3A_1173 = tpu.memref_slice %dma_start3A_1170[%dma_start3A_1171, %dma_start3A_1172] : memref<1000x32xf32, #tpu.memory_space<vmem>> -> memref<125x32xf32, #tpu.memory_space<vmem>>
    %dma_start3A_1174 = arith.constant 0 : i32
    %dma_start3A_1175 = tpu.memref_slice %arg7[%dma_start3A_1165, %dma_start3A_1174] : memref<40x125xi32, #tpu.memory_space<vmem>> -> memref<1x125xi32, #tpu.memory_space<vmem>>
    %dma_start3A_1176 = tpu.memref_squeeze %dma_start3A_1175 : memref<1x125xi32, #tpu.memory_space<vmem>> -> memref<125xi32, #tpu.memory_space<vmem>>
    %dma_start3A_1177 = arith.constant 0 : i32
    %dma_start3A_1178 = arith.constant 0 : i32
    %dma_start3A_1179 = tpu.memref_slice %arg2[%dma_start3A_1177, %dma_start3A_1178] : memref<10000x32xf32, #tpu.memory_space<hbm>> -> memref<10000x32xf32, #tpu.memory_space<hbm>>
    tpu.enqueue_indirect_dma source(%dma_start3A_1179 : memref<10000x32xf32, #tpu.memory_space<hbm>>) target(%dma_start3A_1173 : memref<125x32xf32, #tpu.memory_space<vmem>>) offsets(%dma_start3A_1176 : memref<125xi32, #tpu.memory_space<vmem>>) semaphore(%arg11 : memref<!tpu.dma_semaphore, #tpu.memory_space<semaphore_mem>>)
    %dma_start3A_1180 = arith.constant 35 : i32
    %dma_start3A_1181 = arith.constant 0 : i32
    %dma_start3A_1182 = arith.constant 0 : i32
    %dma_start3A_1183 = arith.constant 0 : i32
    %dma_start3A_1184 = tpu.memref_slice %arg8[%dma_start3A_1181, %dma_start3A_1182, %dma_start3A_1183] : memref<2x1000x32xf32, #tpu.memory_space<vmem>> -> memref<1x1000x32xf32, #tpu.memory_space<vmem>>
    %dma_start3A_1185 = tpu.memref_squeeze %dma_start3A_1184 : memref<1x1000x32xf32, #tpu.memory_space<vmem>> -> memref<1000x32xf32, #tpu.memory_space<vmem>>
    %dma_start3A_1186 = arith.constant 375 : i32
    %dma_start3A_1187 = arith.constant 0 : i32
    %dma_start3A_1188 = tpu.memref_slice %dma_start3A_1185[%dma_start3A_1186, %dma_start3A_1187] : memref<1000x32xf32, #tpu.memory_space<vmem>> -> memref<125x32xf32, #tpu.memory_space<vmem>>
    %dma_start3A_1189 = arith.constant 0 : i32
    %dma_start3A_1190 = tpu.memref_slice %arg7[%dma_start3A_1180, %dma_start3A_1189] : memref<40x125xi32, #tpu.memory_space<vmem>> -> memref<1x125xi32, #tpu.memory_space<vmem>>
    %dma_start3A_1191 = tpu.memref_squeeze %dma_start3A_1190 : memref<1x125xi32, #tpu.memory_space<vmem>> -> memref<125xi32, #tpu.memory_space<vmem>>
    %dma_start3A_1192 = arith.constant 0 : i32
    %dma_start3A_1193 = arith.constant 0 : i32
    %dma_start3A_1194 = tpu.memref_slice %arg2[%dma_start3A_1192, %dma_start3A_1193] : memref<10000x32xf32, #tpu.memory_space<hbm>> -> memref<10000x32xf32, #tpu.memory_space<hbm>>
    tpu.enqueue_indirect_dma source(%dma_start3A_1194 : memref<10000x32xf32, #tpu.memory_space<hbm>>) target(%dma_start3A_1188 : memref<125x32xf32, #tpu.memory_space<vmem>>) offsets(%dma_start3A_1191 : memref<125xi32, #tpu.memory_space<vmem>>) semaphore(%arg11 : memref<!tpu.dma_semaphore, #tpu.memory_space<semaphore_mem>>)
    %dma_start3A_1195 = arith.constant 36 : i32
    %dma_start3A_1196 = arith.constant 0 : i32
    %dma_start3A_1197 = arith.constant 0 : i32
    %dma_start3A_1198 = arith.constant 0 : i32
    %dma_start3A_1199 = tpu.memref_slice %arg8[%dma_start3A_1196, %dma_start3A_1197, %dma_start3A_1198] : memref<2x1000x32xf32, #tpu.memory_space<vmem>> -> memref<1x1000x32xf32, #tpu.memory_space<vmem>>
    %dma_start3A_1200 = tpu.memref_squeeze %dma_start3A_1199 : memref<1x1000x32xf32, #tpu.memory_space<vmem>> -> memref<1000x32xf32, #tpu.memory_space<vmem>>
    %dma_start3A_1201 = arith.constant 500 : i32
    %dma_start3A_1202 = arith.constant 0 : i32
    %dma_start3A_1203 = tpu.memref_slice %dma_start3A_1200[%dma_start3A_1201, %dma_start3A_1202] : memref<1000x32xf32, #tpu.memory_space<vmem>> -> memref<125x32xf32, #tpu.memory_space<vmem>>
    %dma_start3A_1204 = arith.constant 0 : i32
    %dma_start3A_1205 = tpu.memref_slice %arg7[%dma_start3A_1195, %dma_start3A_1204] : memref<40x125xi32, #tpu.memory_space<vmem>> -> memref<1x125xi32, #tpu.memory_space<vmem>>
    %dma_start3A_1206 = tpu.memref_squeeze %dma_start3A_1205 : memref<1x125xi32, #tpu.memory_space<vmem>> -> memref<125xi32, #tpu.memory_space<vmem>>
    %dma_start3A_1207 = arith.constant 0 : i32
    %dma_start3A_1208 = arith.constant 0 : i32
    %dma_start3A_1209 = tpu.memref_slice %arg2[%dma_start3A_1207, %dma_start3A_1208] : memref<10000x32xf32, #tpu.memory_space<hbm>> -> memref<10000x32xf32, #tpu.memory_space<hbm>>
    tpu.enqueue_indirect_dma source(%dma_start3A_1209 : memref<10000x32xf32, #tpu.memory_space<hbm>>) target(%dma_start3A_1203 : memref<125x32xf32, #tpu.memory_space<vmem>>) offsets(%dma_start3A_1206 : memref<125xi32, #tpu.memory_space<vmem>>) semaphore(%arg11 : memref<!tpu.dma_semaphore, #tpu.memory_space<semaphore_mem>>)
    %dma_start3A_1210 = arith.constant 37 : i32
    %dma_start3A_1211 = arith.constant 0 : i32
    %dma_start3A_1212 = arith.constant 0 : i32
    %dma_start3A_1213 = arith.constant 0 : i32
    %dma_start3A_1214 = tpu.memref_slice %arg8[%dma_start3A_1211, %dma_start3A_1212, %dma_start3A_1213] : memref<2x1000x32xf32, #tpu.memory_space<vmem>> -> memref<1x1000x32xf32, #tpu.memory_space<vmem>>
    %dma_start3A_1215 = tpu.memref_squeeze %dma_start3A_1214 : memref<1x1000x32xf32, #tpu.memory_space<vmem>> -> memref<1000x32xf32, #tpu.memory_space<vmem>>
    %dma_start3A_1216 = arith.constant 625 : i32
    %dma_start3A_1217 = arith.constant 0 : i32
    %dma_start3A_1218 = tpu.memref_slice %dma_start3A_1215[%dma_start3A_1216, %dma_start3A_1217] : memref<1000x32xf32, #tpu.memory_space<vmem>> -> memref<125x32xf32, #tpu.memory_space<vmem>>
    %dma_start3A_1219 = arith.constant 0 : i32
    %dma_start3A_1220 = tpu.memref_slice %arg7[%dma_start3A_1210, %dma_start3A_1219] : memref<40x125xi32, #tpu.memory_space<vmem>> -> memref<1x125xi32, #tpu.memory_space<vmem>>
    %dma_start3A_1221 = tpu.memref_squeeze %dma_start3A_1220 : memref<1x125xi32, #tpu.memory_space<vmem>> -> memref<125xi32, #tpu.memory_space<vmem>>
    %dma_start3A_1222 = arith.constant 0 : i32
    %dma_start3A_1223 = arith.constant 0 : i32
    %dma_start3A_1224 = tpu.memref_slice %arg2[%dma_start3A_1222, %dma_start3A_1223] : memref<10000x32xf32, #tpu.memory_space<hbm>> -> memref<10000x32xf32, #tpu.memory_space<hbm>>
    tpu.enqueue_indirect_dma source(%dma_start3A_1224 : memref<10000x32xf32, #tpu.memory_space<hbm>>) target(%dma_start3A_1218 : memref<125x32xf32, #tpu.memory_space<vmem>>) offsets(%dma_start3A_1221 : memref<125xi32, #tpu.memory_space<vmem>>) semaphore(%arg11 : memref<!tpu.dma_semaphore, #tpu.memory_space<semaphore_mem>>)
    %dma_start3A_1225 = arith.constant 38 : i32
    %dma_start3A_1226 = arith.constant 0 : i32
    %dma_start3A_1227 = arith.constant 0 : i32
    %dma_start3A_1228 = arith.constant 0 : i32
    %dma_start3A_1229 = tpu.memref_slice %arg8[%dma_start3A_1226, %dma_start3A_1227, %dma_start3A_1228] : memref<2x1000x32xf32, #tpu.memory_space<vmem>> -> memref<1x1000x32xf32, #tpu.memory_space<vmem>>
    %dma_start3A_1230 = tpu.memref_squeeze %dma_start3A_1229 : memref<1x1000x32xf32, #tpu.memory_space<vmem>> -> memref<1000x32xf32, #tpu.memory_space<vmem>>
    %dma_start3A_1231 = arith.constant 750 : i32
    %dma_start3A_1232 = arith.constant 0 : i32
    %dma_start3A_1233 = tpu.memref_slice %dma_start3A_1230[%dma_start3A_1231, %dma_start3A_1232] : memref<1000x32xf32, #tpu.memory_space<vmem>> -> memref<125x32xf32, #tpu.memory_space<vmem>>
    %dma_start3A_1234 = arith.constant 0 : i32
    %dma_start3A_1235 = tpu.memref_slice %arg7[%dma_start3A_1225, %dma_start3A_1234] : memref<40x125xi32, #tpu.memory_space<vmem>> -> memref<1x125xi32, #tpu.memory_space<vmem>>
    %dma_start3A_1236 = tpu.memref_squeeze %dma_start3A_1235 : memref<1x125xi32, #tpu.memory_space<vmem>> -> memref<125xi32, #tpu.memory_space<vmem>>
    %dma_start3A_1237 = arith.constant 0 : i32
    %dma_start3A_1238 = arith.constant 0 : i32
    %dma_start3A_1239 = tpu.memref_slice %arg2[%dma_start3A_1237, %dma_start3A_1238] : memref<10000x32xf32, #tpu.memory_space<hbm>> -> memref<10000x32xf32, #tpu.memory_space<hbm>>
    tpu.enqueue_indirect_dma source(%dma_start3A_1239 : memref<10000x32xf32, #tpu.memory_space<hbm>>) target(%dma_start3A_1233 : memref<125x32xf32, #tpu.memory_space<vmem>>) offsets(%dma_start3A_1236 : memref<125xi32, #tpu.memory_space<vmem>>) semaphore(%arg11 : memref<!tpu.dma_semaphore, #tpu.memory_space<semaphore_mem>>)
    %dma_start3A_1240 = arith.constant 39 : i32
    %dma_start3A_1241 = arith.constant 0 : i32
    %dma_start3A_1242 = arith.constant 0 : i32
    %dma_start3A_1243 = arith.constant 0 : i32
    %dma_start3A_1244 = tpu.memref_slice %arg8[%dma_start3A_1241, %dma_start3A_1242, %dma_start3A_1243] : memref<2x1000x32xf32, #tpu.memory_space<vmem>> -> memref<1x1000x32xf32, #tpu.memory_space<vmem>>
    %dma_start3A_1245 = tpu.memref_squeeze %dma_start3A_1244 : memref<1x1000x32xf32, #tpu.memory_space<vmem>> -> memref<1000x32xf32, #tpu.memory_space<vmem>>
    %dma_start3A_1246 = arith.constant 875 : i32
    %dma_start3A_1247 = arith.constant 0 : i32
    %dma_start3A_1248 = tpu.memref_slice %dma_start3A_1245[%dma_start3A_1246, %dma_start3A_1247] : memref<1000x32xf32, #tpu.memory_space<vmem>> -> memref<125x32xf32, #tpu.memory_space<vmem>>
    %dma_start3A_1249 = arith.constant 0 : i32
    %dma_start3A_1250 = tpu.memref_slice %arg7[%dma_start3A_1240, %dma_start3A_1249] : memref<40x125xi32, #tpu.memory_space<vmem>> -> memref<1x125xi32, #tpu.memory_space<vmem>>
    %dma_start3A_1251 = tpu.memref_squeeze %dma_start3A_1250 : memref<1x125xi32, #tpu.memory_space<vmem>> -> memref<125xi32, #tpu.memory_space<vmem>>
    %dma_start3A_1252 = arith.constant 0 : i32
    %dma_start3A_1253 = arith.constant 0 : i32
    %dma_start3A_1254 = tpu.memref_slice %arg2[%dma_start3A_1252, %dma_start3A_1253] : memref<10000x32xf32, #tpu.memory_space<hbm>> -> memref<10000x32xf32, #tpu.memory_space<hbm>>
    tpu.enqueue_indirect_dma source(%dma_start3A_1254 : memref<10000x32xf32, #tpu.memory_space<hbm>>) target(%dma_start3A_1248 : memref<125x32xf32, #tpu.memory_space<vmem>>) offsets(%dma_start3A_1251 : memref<125xi32, #tpu.memory_space<vmem>>) semaphore(%arg11 : memref<!tpu.dma_semaphore, #tpu.memory_space<semaphore_mem>>)
    %mul3A_1255 = arith.constant 5000 : i32
    %mul3A_1256 = arith.muli %add3A, %mul3A_1255 : i32
    %add3A_1257 = arith.constant 4000 : i32
    %add3A_1258 = arith.addi %mul3A_1256, %add3A_1257 : i32
    "tpu.region"() ({
      %run_scoped3A = tpu.sem_alloc : memref<!tpu.dma_semaphore, #tpu.memory_space<semaphore_mem>>
      %dma_start3A_1440 = arith.constant 0 : i32
      %dma_start3A_1441 = tpu.memref_slice %arg4[%dma_start3A_1440, %add3A_1258] : memref<16x160000xf32, #tpu.memory_space<hbm>> -> memref<16x1000xf32, #tpu.memory_space<hbm>>
      %dma_start3A_1442 = arith.constant 0 : i32
      %dma_start3A_1443 = tpu.memref_slice %arg4[%dma_start3A_1442, %add3A_1258] : memref<16x160000xf32, #tpu.memory_space<hbm>> -> memref<16x1000xf32, #tpu.memory_space<hbm>>
      tpu.enqueue_dma source(%dma_start3A_1443 : memref<16x1000xf32, #tpu.memory_space<hbm>>) target(%arg9 : memref<16x1000xf32, #tpu.memory_space<vmem>>) target_semaphore(%run_scoped3A : memref<!tpu.dma_semaphore, #tpu.memory_space<semaphore_mem>>)
      %dma_wait3A_1444 = arith.constant 0 : i32
      %dma_wait3A_1445 = tpu.memref_slice %arg4[%dma_wait3A_1444, %add3A_1258] : memref<16x160000xf32, #tpu.memory_space<hbm>> -> memref<16x1000xf32, #tpu.memory_space<hbm>>
      %dma_wait3A_1446 = arith.constant 0 : i32
      %dma_wait3A_1447 = tpu.memref_slice %arg4[%dma_wait3A_1446, %add3A_1258] : memref<16x160000xf32, #tpu.memory_space<hbm>> -> memref<16x1000xf32, #tpu.memory_space<hbm>>
      tpu.wait_dma2 semaphore(%run_scoped3A : memref<!tpu.dma_semaphore, #tpu.memory_space<semaphore_mem>>) src(%dma_wait3A_1447 : memref<16x1000xf32, #tpu.memory_space<hbm>>) dst(%arg9 : memref<16x1000xf32, #tpu.memory_space<vmem>>)
      tpu.yield
    }) : () -> ()
    %scan3A_1259 = arith.constant 0 : i32
    %scan3A_1260 = arith.constant 0 : i32
    %scan3A_1261 = arith.constant 250 : i32
    %scan3A_1262 = arith.addi %scan3A_1260, %scan3A_1261 : i32
    %scan3A_1263 = arith.constant 1 : i32
    scf.for %scan3A_1440 = %scan3A_1260 to %scan3A_1262 step %scan3A_1263  : i32 {
      %mul3A_1441 = arith.constant 4 : i32
      %mul3A_1442 = arith.muli %mul3A_1441, %scan3A_1440 : i32
      %add3A_1443 = arith.constant 0 : i32
      %add3A_1444 = arith.addi %mul3A_1442, %add3A_1443 : i32
      %broadcast_in_dim3A = vector.broadcast %add3A_1444 : i32 to vector<16xi32>
      %gather3A = tpu.vector_load_idx %arg9[%iota3A, %broadcast_in_dim3A] : memref<16x1000xf32, #tpu.memory_space<vmem>>[vector<16xi32>, vector<16xi32>], vector<16xf32>,
      %swap3A = arith.index_cast %scan3A_1440 : i32 to index
      %swap3A_1445 = arith.constant 0 : index
      %swap3A_1446 = tpu.vector_load %arg10[%swap3A, %swap3A_1445] {strides = array<i32>} : memref<250x64xf32, #tpu.memory_space<vmem>>, vector<16xf32>,
      tpu.vector_store %arg10[%swap3A, %swap3A_1445], %gather3A {strides = array<i32>} : memref<250x64xf32, #tpu.memory_space<vmem>>, vector<16xf32>,
      %mul3A_1447 = arith.constant 4 : i32
      %mul3A_1448 = arith.muli %mul3A_1447, %scan3A_1440 : i32
      %add3A_1449 = arith.constant 1 : i32
      %add3A_1450 = arith.addi %mul3A_1448, %add3A_1449 : i32
      %broadcast_in_dim3A_1451 = vector.broadcast %add3A_1450 : i32 to vector<16xi32>
      %gather3A_1452 = tpu.vector_load_idx %arg9[%iota3A, %broadcast_in_dim3A_1451] : memref<16x1000xf32, #tpu.memory_space<vmem>>[vector<16xi32>, vector<16xi32>], vector<16xf32>,
      %swap3A_1453 = arith.index_cast %scan3A_1440 : i32 to index
      %swap3A_1454 = arith.constant 16 : index
      %swap3A_1455 = tpu.vector_load %arg10[%swap3A_1453, %swap3A_1454] {strides = array<i32>} : memref<250x64xf32, #tpu.memory_space<vmem>>, vector<16xf32>,
      tpu.vector_store %arg10[%swap3A_1453, %swap3A_1454], %gather3A_1452 {strides = array<i32>} : memref<250x64xf32, #tpu.memory_space<vmem>>, vector<16xf32>,
      %mul3A_1456 = arith.constant 4 : i32
      %mul3A_1457 = arith.muli %mul3A_1456, %scan3A_1440 : i32
      %add3A_1458 = arith.constant 2 : i32
      %add3A_1459 = arith.addi %mul3A_1457, %add3A_1458 : i32
      %broadcast_in_dim3A_1460 = vector.broadcast %add3A_1459 : i32 to vector<16xi32>
      %gather3A_1461 = tpu.vector_load_idx %arg9[%iota3A, %broadcast_in_dim3A_1460] : memref<16x1000xf32, #tpu.memory_space<vmem>>[vector<16xi32>, vector<16xi32>], vector<16xf32>,
      %swap3A_1462 = arith.index_cast %scan3A_1440 : i32 to index
      %swap3A_1463 = arith.constant 32 : index
      %swap3A_1464 = tpu.vector_load %arg10[%swap3A_1462, %swap3A_1463] {strides = array<i32>} : memref<250x64xf32, #tpu.memory_space<vmem>>, vector<16xf32>,
      tpu.vector_store %arg10[%swap3A_1462, %swap3A_1463], %gather3A_1461 {strides = array<i32>} : memref<250x64xf32, #tpu.memory_space<vmem>>, vector<16xf32>,
      %mul3A_1465 = arith.constant 4 : i32
      %mul3A_1466 = arith.muli %mul3A_1465, %scan3A_1440 : i32
      %add3A_1467 = arith.constant 3 : i32
      %add3A_1468 = arith.addi %mul3A_1466, %add3A_1467 : i32
      %broadcast_in_dim3A_1469 = vector.broadcast %add3A_1468 : i32 to vector<16xi32>
      %gather3A_1470 = tpu.vector_load_idx %arg9[%iota3A, %broadcast_in_dim3A_1469] : memref<16x1000xf32, #tpu.memory_space<vmem>>[vector<16xi32>, vector<16xi32>], vector<16xf32>,
      %swap3A_1471 = arith.index_cast %scan3A_1440 : i32 to index
      %swap3A_1472 = arith.constant 48 : index
      %swap3A_1473 = tpu.vector_load %arg10[%swap3A_1471, %swap3A_1472] {strides = array<i32>} : memref<250x64xf32, #tpu.memory_space<vmem>>, vector<16xf32>,
      tpu.vector_store %arg10[%swap3A_1471, %swap3A_1472], %gather3A_1470 {strides = array<i32>} : memref<250x64xf32, #tpu.memory_space<vmem>>, vector<16xf32>,
    }
    %scan3A_1264 = arith.constant 250 : i32
    %mul3A_1265 = arith.constant 5 : i32
    %mul3A_1266 = arith.muli %add3A, %mul3A_1265 : i32
    %add3A_1267 = arith.constant 4 : i32
    %add3A_1268 = arith.addi %mul3A_1266, %add3A_1267 : i32
    "tpu.region"() ({
      %run_scoped3A = tpu.sem_alloc : memref<!tpu.dma_semaphore, #tpu.memory_space<semaphore_mem>>
      %dma_start3A_1440 = arith.constant 0 : i32
      %dma_start3A_1441 = arith.constant 0 : i32
      %dma_start3A_1442 = tpu.memref_slice %arg6[%add3A_1268, %dma_start3A_1440, %dma_start3A_1441] : memref<160x250x64xf32, #tpu.memory_space<hbm>> -> memref<1x250x64xf32, #tpu.memory_space<hbm>>
      %dma_start3A_1443 = tpu.memref_squeeze %dma_start3A_1442 : memref<1x250x64xf32, #tpu.memory_space<hbm>> -> memref<250x64xf32, #tpu.memory_space<hbm>>
      %dma_start3A_1444 = arith.constant 0 : i32
      %dma_start3A_1445 = arith.constant 0 : i32
      %dma_start3A_1446 = tpu.memref_slice %arg6[%add3A_1268, %dma_start3A_1444, %dma_start3A_1445] : memref<160x250x64xf32, #tpu.memory_space<hbm>> -> memref<1x250x64xf32, #tpu.memory_space<hbm>>
      %dma_start3A_1447 = tpu.memref_squeeze %dma_start3A_1446 : memref<1x250x64xf32, #tpu.memory_space<hbm>> -> memref<250x64xf32, #tpu.memory_space<hbm>>
      tpu.enqueue_dma source(%arg10 : memref<250x64xf32, #tpu.memory_space<vmem>>) target(%dma_start3A_1447 : memref<250x64xf32, #tpu.memory_space<hbm>>) target_semaphore(%run_scoped3A : memref<!tpu.dma_semaphore, #tpu.memory_space<semaphore_mem>>)
      %dma_wait3A_1448 = arith.constant 0 : i32
      %dma_wait3A_1449 = arith.constant 0 : i32
      %dma_wait3A_1450 = tpu.memref_slice %arg6[%add3A_1268, %dma_wait3A_1448, %dma_wait3A_1449] : memref<160x250x64xf32, #tpu.memory_space<hbm>> -> memref<1x250x64xf32, #tpu.memory_space<hbm>>
      %dma_wait3A_1451 = tpu.memref_squeeze %dma_wait3A_1450 : memref<1x250x64xf32, #tpu.memory_space<hbm>> -> memref<250x64xf32, #tpu.memory_space<hbm>>
      %dma_wait3A_1452 = arith.constant 0 : i32
      %dma_wait3A_1453 = arith.constant 0 : i32
      %dma_wait3A_1454 = tpu.memref_slice %arg6[%add3A_1268, %dma_wait3A_1452, %dma_wait3A_1453] : memref<160x250x64xf32, #tpu.memory_space<hbm>> -> memref<1x250x64xf32, #tpu.memory_space<hbm>>
      %dma_wait3A_1455 = tpu.memref_squeeze %dma_wait3A_1454 : memref<1x250x64xf32, #tpu.memory_space<hbm>> -> memref<250x64xf32, #tpu.memory_space<hbm>>
      tpu.wait_dma2 semaphore(%run_scoped3A : memref<!tpu.dma_semaphore, #tpu.memory_space<semaphore_mem>>) src(%arg10 : memref<250x64xf32, #tpu.memory_space<vmem>>) dst(%dma_wait3A_1455 : memref<250x64xf32, #tpu.memory_space<hbm>>)
      tpu.yield
    }) : () -> ()
    %dma_wait3A_1269 = arith.constant 32 : i32
    %dma_wait3A_1270 = arith.constant 0 : i32
    %dma_wait3A_1271 = arith.constant 0 : i32
    %dma_wait3A_1272 = arith.constant 0 : i32
    %dma_wait3A_1273 = tpu.memref_slice %arg8[%dma_wait3A_1270, %dma_wait3A_1271, %dma_wait3A_1272] : memref<2x1000x32xf32, #tpu.memory_space<vmem>> -> memref<1x1000x32xf32, #tpu.memory_space<vmem>>
    %dma_wait3A_1274 = tpu.memref_squeeze %dma_wait3A_1273 : memref<1x1000x32xf32, #tpu.memory_space<vmem>> -> memref<1000x32xf32, #tpu.memory_space<vmem>>
    %dma_wait3A_1275 = arith.constant 0 : i32
    %dma_wait3A_1276 = arith.constant 0 : i32
    %dma_wait3A_1277 = tpu.memref_slice %dma_wait3A_1274[%dma_wait3A_1275, %dma_wait3A_1276] : memref<1000x32xf32, #tpu.memory_space<vmem>> -> memref<125x32xf32, #tpu.memory_space<vmem>>
    %dma_wait3A_1278 = arith.constant 0 : i32
    %dma_wait3A_1279 = tpu.memref_slice %arg7[%dma_wait3A_1269, %dma_wait3A_1278] : memref<40x125xi32, #tpu.memory_space<vmem>> -> memref<1x125xi32, #tpu.memory_space<vmem>>
    %dma_wait3A_1280 = tpu.memref_squeeze %dma_wait3A_1279 : memref<1x125xi32, #tpu.memory_space<vmem>> -> memref<125xi32, #tpu.memory_space<vmem>>
    %dma_wait3A_1281 = arith.constant 0 : i32
    %dma_wait3A_1282 = arith.constant 0 : i32
    %dma_wait3A_1283 = tpu.memref_slice %arg2[%dma_wait3A_1281, %dma_wait3A_1282] : memref<10000x32xf32, #tpu.memory_space<hbm>> -> memref<10000x32xf32, #tpu.memory_space<hbm>>
    tpu.wait_indirect_dma semaphore(%arg11 : memref<!tpu.dma_semaphore, #tpu.memory_space<semaphore_mem>>) src(%dma_wait3A_1283 : memref<10000x32xf32, #tpu.memory_space<hbm>>) dst(%dma_wait3A_1277 : memref<125x32xf32, #tpu.memory_space<vmem>>)
    %dma_wait3A_1284 = arith.constant 33 : i32
    %dma_wait3A_1285 = arith.constant 0 : i32
    %dma_wait3A_1286 = arith.constant 0 : i32
    %dma_wait3A_1287 = arith.constant 0 : i32
    %dma_wait3A_1288 = tpu.memref_slice %arg8[%dma_wait3A_1285, %dma_wait3A_1286, %dma_wait3A_1287] : memref<2x1000x32xf32, #tpu.memory_space<vmem>> -> memref<1x1000x32xf32, #tpu.memory_space<vmem>>
    %dma_wait3A_1289 = tpu.memref_squeeze %dma_wait3A_1288 : memref<1x1000x32xf32, #tpu.memory_space<vmem>> -> memref<1000x32xf32, #tpu.memory_space<vmem>>
    %dma_wait3A_1290 = arith.constant 125 : i32
    %dma_wait3A_1291 = arith.constant 0 : i32
    %dma_wait3A_1292 = tpu.memref_slice %dma_wait3A_1289[%dma_wait3A_1290, %dma_wait3A_1291] : memref<1000x32xf32, #tpu.memory_space<vmem>> -> memref<125x32xf32, #tpu.memory_space<vmem>>
    %dma_wait3A_1293 = arith.constant 0 : i32
    %dma_wait3A_1294 = tpu.memref_slice %arg7[%dma_wait3A_1284, %dma_wait3A_1293] : memref<40x125xi32, #tpu.memory_space<vmem>> -> memref<1x125xi32, #tpu.memory_space<vmem>>
    %dma_wait3A_1295 = tpu.memref_squeeze %dma_wait3A_1294 : memref<1x125xi32, #tpu.memory_space<vmem>> -> memref<125xi32, #tpu.memory_space<vmem>>
    %dma_wait3A_1296 = arith.constant 0 : i32
    %dma_wait3A_1297 = arith.constant 0 : i32
    %dma_wait3A_1298 = tpu.memref_slice %arg2[%dma_wait3A_1296, %dma_wait3A_1297] : memref<10000x32xf32, #tpu.memory_space<hbm>> -> memref<10000x32xf32, #tpu.memory_space<hbm>>
    tpu.wait_indirect_dma semaphore(%arg11 : memref<!tpu.dma_semaphore, #tpu.memory_space<semaphore_mem>>) src(%dma_wait3A_1298 : memref<10000x32xf32, #tpu.memory_space<hbm>>) dst(%dma_wait3A_1292 : memref<125x32xf32, #tpu.memory_space<vmem>>)
    %dma_wait3A_1299 = arith.constant 34 : i32
    %dma_wait3A_1300 = arith.constant 0 : i32
    %dma_wait3A_1301 = arith.constant 0 : i32
    %dma_wait3A_1302 = arith.constant 0 : i32
    %dma_wait3A_1303 = tpu.memref_slice %arg8[%dma_wait3A_1300, %dma_wait3A_1301, %dma_wait3A_1302] : memref<2x1000x32xf32, #tpu.memory_space<vmem>> -> memref<1x1000x32xf32, #tpu.memory_space<vmem>>
    %dma_wait3A_1304 = tpu.memref_squeeze %dma_wait3A_1303 : memref<1x1000x32xf32, #tpu.memory_space<vmem>> -> memref<1000x32xf32, #tpu.memory_space<vmem>>
    %dma_wait3A_1305 = arith.constant 250 : i32
    %dma_wait3A_1306 = arith.constant 0 : i32
    %dma_wait3A_1307 = tpu.memref_slice %dma_wait3A_1304[%dma_wait3A_1305, %dma_wait3A_1306] : memref<1000x32xf32, #tpu.memory_space<vmem>> -> memref<125x32xf32, #tpu.memory_space<vmem>>
    %dma_wait3A_1308 = arith.constant 0 : i32
    %dma_wait3A_1309 = tpu.memref_slice %arg7[%dma_wait3A_1299, %dma_wait3A_1308] : memref<40x125xi32, #tpu.memory_space<vmem>> -> memref<1x125xi32, #tpu.memory_space<vmem>>
    %dma_wait3A_1310 = tpu.memref_squeeze %dma_wait3A_1309 : memref<1x125xi32, #tpu.memory_space<vmem>> -> memref<125xi32, #tpu.memory_space<vmem>>
    %dma_wait3A_1311 = arith.constant 0 : i32
    %dma_wait3A_1312 = arith.constant 0 : i32
    %dma_wait3A_1313 = tpu.memref_slice %arg2[%dma_wait3A_1311, %dma_wait3A_1312] : memref<10000x32xf32, #tpu.memory_space<hbm>> -> memref<10000x32xf32, #tpu.memory_space<hbm>>
    tpu.wait_indirect_dma semaphore(%arg11 : memref<!tpu.dma_semaphore, #tpu.memory_space<semaphore_mem>>) src(%dma_wait3A_1313 : memref<10000x32xf32, #tpu.memory_space<hbm>>) dst(%dma_wait3A_1307 : memref<125x32xf32, #tpu.memory_space<vmem>>)
    %dma_wait3A_1314 = arith.constant 35 : i32
    %dma_wait3A_1315 = arith.constant 0 : i32
    %dma_wait3A_1316 = arith.constant 0 : i32
    %dma_wait3A_1317 = arith.constant 0 : i32
    %dma_wait3A_1318 = tpu.memref_slice %arg8[%dma_wait3A_1315, %dma_wait3A_1316, %dma_wait3A_1317] : memref<2x1000x32xf32, #tpu.memory_space<vmem>> -> memref<1x1000x32xf32, #tpu.memory_space<vmem>>
    %dma_wait3A_1319 = tpu.memref_squeeze %dma_wait3A_1318 : memref<1x1000x32xf32, #tpu.memory_space<vmem>> -> memref<1000x32xf32, #tpu.memory_space<vmem>>
    %dma_wait3A_1320 = arith.constant 375 : i32
    %dma_wait3A_1321 = arith.constant 0 : i32
    %dma_wait3A_1322 = tpu.memref_slice %dma_wait3A_1319[%dma_wait3A_1320, %dma_wait3A_1321] : memref<1000x32xf32, #tpu.memory_space<vmem>> -> memref<125x32xf32, #tpu.memory_space<vmem>>
    %dma_wait3A_1323 = arith.constant 0 : i32
    %dma_wait3A_1324 = tpu.memref_slice %arg7[%dma_wait3A_1314, %dma_wait3A_1323] : memref<40x125xi32, #tpu.memory_space<vmem>> -> memref<1x125xi32, #tpu.memory_space<vmem>>
    %dma_wait3A_1325 = tpu.memref_squeeze %dma_wait3A_1324 : memref<1x125xi32, #tpu.memory_space<vmem>> -> memref<125xi32, #tpu.memory_space<vmem>>
    %dma_wait3A_1326 = arith.constant 0 : i32
    %dma_wait3A_1327 = arith.constant 0 : i32
    %dma_wait3A_1328 = tpu.memref_slice %arg2[%dma_wait3A_1326, %dma_wait3A_1327] : memref<10000x32xf32, #tpu.memory_space<hbm>> -> memref<10000x32xf32, #tpu.memory_space<hbm>>
    tpu.wait_indirect_dma semaphore(%arg11 : memref<!tpu.dma_semaphore, #tpu.memory_space<semaphore_mem>>) src(%dma_wait3A_1328 : memref<10000x32xf32, #tpu.memory_space<hbm>>) dst(%dma_wait3A_1322 : memref<125x32xf32, #tpu.memory_space<vmem>>)
    %dma_wait3A_1329 = arith.constant 36 : i32
    %dma_wait3A_1330 = arith.constant 0 : i32
    %dma_wait3A_1331 = arith.constant 0 : i32
    %dma_wait3A_1332 = arith.constant 0 : i32
    %dma_wait3A_1333 = tpu.memref_slice %arg8[%dma_wait3A_1330, %dma_wait3A_1331, %dma_wait3A_1332] : memref<2x1000x32xf32, #tpu.memory_space<vmem>> -> memref<1x1000x32xf32, #tpu.memory_space<vmem>>
    %dma_wait3A_1334 = tpu.memref_squeeze %dma_wait3A_1333 : memref<1x1000x32xf32, #tpu.memory_space<vmem>> -> memref<1000x32xf32, #tpu.memory_space<vmem>>
    %dma_wait3A_1335 = arith.constant 500 : i32
    %dma_wait3A_1336 = arith.constant 0 : i32
    %dma_wait3A_1337 = tpu.memref_slice %dma_wait3A_1334[%dma_wait3A_1335, %dma_wait3A_1336] : memref<1000x32xf32, #tpu.memory_space<vmem>> -> memref<125x32xf32, #tpu.memory_space<vmem>>
    %dma_wait3A_1338 = arith.constant 0 : i32
    %dma_wait3A_1339 = tpu.memref_slice %arg7[%dma_wait3A_1329, %dma_wait3A_1338] : memref<40x125xi32, #tpu.memory_space<vmem>> -> memref<1x125xi32, #tpu.memory_space<vmem>>
    %dma_wait3A_1340 = tpu.memref_squeeze %dma_wait3A_1339 : memref<1x125xi32, #tpu.memory_space<vmem>> -> memref<125xi32, #tpu.memory_space<vmem>>
    %dma_wait3A_1341 = arith.constant 0 : i32
    %dma_wait3A_1342 = arith.constant 0 : i32
    %dma_wait3A_1343 = tpu.memref_slice %arg2[%dma_wait3A_1341, %dma_wait3A_1342] : memref<10000x32xf32, #tpu.memory_space<hbm>> -> memref<10000x32xf32, #tpu.memory_space<hbm>>
    tpu.wait_indirect_dma semaphore(%arg11 : memref<!tpu.dma_semaphore, #tpu.memory_space<semaphore_mem>>) src(%dma_wait3A_1343 : memref<10000x32xf32, #tpu.memory_space<hbm>>) dst(%dma_wait3A_1337 : memref<125x32xf32, #tpu.memory_space<vmem>>)
    %dma_wait3A_1344 = arith.constant 37 : i32
    %dma_wait3A_1345 = arith.constant 0 : i32
    %dma_wait3A_1346 = arith.constant 0 : i32
    %dma_wait3A_1347 = arith.constant 0 : i32
    %dma_wait3A_1348 = tpu.memref_slice %arg8[%dma_wait3A_1345, %dma_wait3A_1346, %dma_wait3A_1347] : memref<2x1000x32xf32, #tpu.memory_space<vmem>> -> memref<1x1000x32xf32, #tpu.memory_space<vmem>>
    %dma_wait3A_1349 = tpu.memref_squeeze %dma_wait3A_1348 : memref<1x1000x32xf32, #tpu.memory_space<vmem>> -> memref<1000x32xf32, #tpu.memory_space<vmem>>
    %dma_wait3A_1350 = arith.constant 625 : i32
    %dma_wait3A_1351 = arith.constant 0 : i32
    %dma_wait3A_1352 = tpu.memref_slice %dma_wait3A_1349[%dma_wait3A_1350, %dma_wait3A_1351] : memref<1000x32xf32, #tpu.memory_space<vmem>> -> memref<125x32xf32, #tpu.memory_space<vmem>>
    %dma_wait3A_1353 = arith.constant 0 : i32
    %dma_wait3A_1354 = tpu.memref_slice %arg7[%dma_wait3A_1344, %dma_wait3A_1353] : memref<40x125xi32, #tpu.memory_space<vmem>> -> memref<1x125xi32, #tpu.memory_space<vmem>>
    %dma_wait3A_1355 = tpu.memref_squeeze %dma_wait3A_1354 : memref<1x125xi32, #tpu.memory_space<vmem>> -> memref<125xi32, #tpu.memory_space<vmem>>
    %dma_wait3A_1356 = arith.constant 0 : i32
    %dma_wait3A_1357 = arith.constant 0 : i32
    %dma_wait3A_1358 = tpu.memref_slice %arg2[%dma_wait3A_1356, %dma_wait3A_1357] : memref<10000x32xf32, #tpu.memory_space<hbm>> -> memref<10000x32xf32, #tpu.memory_space<hbm>>
    tpu.wait_indirect_dma semaphore(%arg11 : memref<!tpu.dma_semaphore, #tpu.memory_space<semaphore_mem>>) src(%dma_wait3A_1358 : memref<10000x32xf32, #tpu.memory_space<hbm>>) dst(%dma_wait3A_1352 : memref<125x32xf32, #tpu.memory_space<vmem>>)
    %dma_wait3A_1359 = arith.constant 38 : i32
    %dma_wait3A_1360 = arith.constant 0 : i32
    %dma_wait3A_1361 = arith.constant 0 : i32
    %dma_wait3A_1362 = arith.constant 0 : i32
    %dma_wait3A_1363 = tpu.memref_slice %arg8[%dma_wait3A_1360, %dma_wait3A_1361, %dma_wait3A_1362] : memref<2x1000x32xf32, #tpu.memory_space<vmem>> -> memref<1x1000x32xf32, #tpu.memory_space<vmem>>
    %dma_wait3A_1364 = tpu.memref_squeeze %dma_wait3A_1363 : memref<1x1000x32xf32, #tpu.memory_space<vmem>> -> memref<1000x32xf32, #tpu.memory_space<vmem>>
    %dma_wait3A_1365 = arith.constant 750 : i32
    %dma_wait3A_1366 = arith.constant 0 : i32
    %dma_wait3A_1367 = tpu.memref_slice %dma_wait3A_1364[%dma_wait3A_1365, %dma_wait3A_1366] : memref<1000x32xf32, #tpu.memory_space<vmem>> -> memref<125x32xf32, #tpu.memory_space<vmem>>
    %dma_wait3A_1368 = arith.constant 0 : i32
    %dma_wait3A_1369 = tpu.memref_slice %arg7[%dma_wait3A_1359, %dma_wait3A_1368] : memref<40x125xi32, #tpu.memory_space<vmem>> -> memref<1x125xi32, #tpu.memory_space<vmem>>
    %dma_wait3A_1370 = tpu.memref_squeeze %dma_wait3A_1369 : memref<1x125xi32, #tpu.memory_space<vmem>> -> memref<125xi32, #tpu.memory_space<vmem>>
    %dma_wait3A_1371 = arith.constant 0 : i32
    %dma_wait3A_1372 = arith.constant 0 : i32
    %dma_wait3A_1373 = tpu.memref_slice %arg2[%dma_wait3A_1371, %dma_wait3A_1372] : memref<10000x32xf32, #tpu.memory_space<hbm>> -> memref<10000x32xf32, #tpu.memory_space<hbm>>
    tpu.wait_indirect_dma semaphore(%arg11 : memref<!tpu.dma_semaphore, #tpu.memory_space<semaphore_mem>>) src(%dma_wait3A_1373 : memref<10000x32xf32, #tpu.memory_space<hbm>>) dst(%dma_wait3A_1367 : memref<125x32xf32, #tpu.memory_space<vmem>>)
    %dma_wait3A_1374 = arith.constant 39 : i32
    %dma_wait3A_1375 = arith.constant 0 : i32
    %dma_wait3A_1376 = arith.constant 0 : i32
    %dma_wait3A_1377 = arith.constant 0 : i32
    %dma_wait3A_1378 = tpu.memref_slice %arg8[%dma_wait3A_1375, %dma_wait3A_1376, %dma_wait3A_1377] : memref<2x1000x32xf32, #tpu.memory_space<vmem>> -> memref<1x1000x32xf32, #tpu.memory_space<vmem>>
    %dma_wait3A_1379 = tpu.memref_squeeze %dma_wait3A_1378 : memref<1x1000x32xf32, #tpu.memory_space<vmem>> -> memref<1000x32xf32, #tpu.memory_space<vmem>>
    %dma_wait3A_1380 = arith.constant 875 : i32
    %dma_wait3A_1381 = arith.constant 0 : i32
    %dma_wait3A_1382 = tpu.memref_slice %dma_wait3A_1379[%dma_wait3A_1380, %dma_wait3A_1381] : memref<1000x32xf32, #tpu.memory_space<vmem>> -> memref<125x32xf32, #tpu.memory_space<vmem>>
    %dma_wait3A_1383 = arith.constant 0 : i32
    %dma_wait3A_1384 = tpu.memref_slice %arg7[%dma_wait3A_1374, %dma_wait3A_1383] : memref<40x125xi32, #tpu.memory_space<vmem>> -> memref<1x125xi32, #tpu.memory_space<vmem>>
    %dma_wait3A_1385 = tpu.memref_squeeze %dma_wait3A_1384 : memref<1x125xi32, #tpu.memory_space<vmem>> -> memref<125xi32, #tpu.memory_space<vmem>>
    %dma_wait3A_1386 = arith.constant 0 : i32
    %dma_wait3A_1387 = arith.constant 0 : i32
    %dma_wait3A_1388 = tpu.memref_slice %arg2[%dma_wait3A_1386, %dma_wait3A_1387] : memref<10000x32xf32, #tpu.memory_space<hbm>> -> memref<10000x32xf32, #tpu.memory_space<hbm>>
    tpu.wait_indirect_dma semaphore(%arg11 : memref<!tpu.dma_semaphore, #tpu.memory_space<semaphore_mem>>) src(%dma_wait3A_1388 : memref<10000x32xf32, #tpu.memory_space<hbm>>) dst(%dma_wait3A_1382 : memref<125x32xf32, #tpu.memory_space<vmem>>)
    %mul3A_1389 = arith.constant 5000 : i32
    %mul3A_1390 = arith.muli %add3A, %mul3A_1389 : i32
    %add3A_1391 = arith.constant 4000 : i32
    %add3A_1392 = arith.addi %mul3A_1390, %add3A_1391 : i32
    %dma_start3A_1393 = arith.constant 0 : i32
    %dma_start3A_1394 = arith.constant 0 : i32
    %dma_start3A_1395 = arith.constant 0 : i32
    %dma_start3A_1396 = tpu.memref_slice %arg8[%dma_start3A_1393, %dma_start3A_1394, %dma_start3A_1395] : memref<2x1000x32xf32, #tpu.memory_space<vmem>> -> memref<1x1000x32xf32, #tpu.memory_space<vmem>>
    %dma_start3A_1397 = tpu.memref_squeeze %dma_start3A_1396 : memref<1x1000x32xf32, #tpu.memory_space<vmem>> -> memref<1000x32xf32, #tpu.memory_space<vmem>>
    %dma_start3A_1398 = arith.constant 0 : i32
    %dma_start3A_1399 = tpu.memref_slice %arg5[%add3A_1392, %dma_start3A_1398] : memref<160000x32xf32, #tpu.memory_space<hbm>> -> memref<1000x32xf32, #tpu.memory_space<hbm>>
    %dma_start3A_1400 = arith.constant 0 : i32
    %dma_start3A_1401 = tpu.memref_slice %arg5[%add3A_1392, %dma_start3A_1400] : memref<160000x32xf32, #tpu.memory_space<hbm>> -> memref<1000x32xf32, #tpu.memory_space<hbm>>
    %dma_start3A_1402 = arith.constant 0 : i32
    %dma_start3A_1403 = arith.constant 0 : i32
    %dma_start3A_1404 = tpu.memref_slice %arg8[%dma_start3A_1393, %dma_start3A_1402, %dma_start3A_1403] : memref<2x1000x32xf32, #tpu.memory_space<vmem>> -> memref<1x1000x32xf32, #tpu.memory_space<vmem>>
    %dma_start3A_1405 = tpu.memref_squeeze %dma_start3A_1404 : memref<1x1000x32xf32, #tpu.memory_space<vmem>> -> memref<1000x32xf32, #tpu.memory_space<vmem>>
    tpu.enqueue_dma source(%dma_start3A_1405 : memref<1000x32xf32, #tpu.memory_space<vmem>>) target(%dma_start3A_1401 : memref<1000x32xf32, #tpu.memory_space<hbm>>) target_semaphore(%arg12 : memref<!tpu.dma_semaphore, #tpu.memory_space<semaphore_mem>>)
    %mul3A_1406 = arith.constant 5000 : i32
    %mul3A_1407 = arith.muli %add3A, %mul3A_1406 : i32
    %add3A_1408 = arith.constant 3000 : i32
    %add3A_1409 = arith.addi %mul3A_1407, %add3A_1408 : i32
    %dma_wait3A_1410 = arith.constant 1 : i32
    %dma_wait3A_1411 = arith.constant 0 : i32
    %dma_wait3A_1412 = arith.constant 0 : i32
    %dma_wait3A_1413 = tpu.memref_slice %arg8[%dma_wait3A_1410, %dma_wait3A_1411, %dma_wait3A_1412] : memref<2x1000x32xf32, #tpu.memory_space<vmem>> -> memref<1x1000x32xf32, #tpu.memory_space<vmem>>
    %dma_wait3A_1414 = tpu.memref_squeeze %dma_wait3A_1413 : memref<1x1000x32xf32, #tpu.memory_space<vmem>> -> memref<1000x32xf32, #tpu.memory_space<vmem>>
    %dma_wait3A_1415 = arith.constant 0 : i32
    %dma_wait3A_1416 = tpu.memref_slice %arg5[%add3A_1409, %dma_wait3A_1415] : memref<160000x32xf32, #tpu.memory_space<hbm>> -> memref<1000x32xf32, #tpu.memory_space<hbm>>
    %dma_wait3A_1417 = arith.constant 0 : i32
    %dma_wait3A_1418 = tpu.memref_slice %arg5[%add3A_1409, %dma_wait3A_1417] : memref<160000x32xf32, #tpu.memory_space<hbm>> -> memref<1000x32xf32, #tpu.memory_space<hbm>>
    %dma_wait3A_1419 = arith.constant 0 : i32
    %dma_wait3A_1420 = arith.constant 0 : i32
    %dma_wait3A_1421 = tpu.memref_slice %arg8[%dma_wait3A_1410, %dma_wait3A_1419, %dma_wait3A_1420] : memref<2x1000x32xf32, #tpu.memory_space<vmem>> -> memref<1x1000x32xf32, #tpu.memory_space<vmem>>
    %dma_wait3A_1422 = tpu.memref_squeeze %dma_wait3A_1421 : memref<1x1000x32xf32, #tpu.memory_space<vmem>> -> memref<1000x32xf32, #tpu.memory_space<vmem>>
    tpu.wait_dma2 semaphore(%arg12 : memref<!tpu.dma_semaphore, #tpu.memory_space<semaphore_mem>>) src(%dma_wait3A_1422 : memref<1000x32xf32, #tpu.memory_space<vmem>>) dst(%dma_wait3A_1418 : memref<1000x32xf32, #tpu.memory_space<hbm>>)
    %mul3A_1423 = arith.constant 5000 : i32
    %mul3A_1424 = arith.muli %add3A, %mul3A_1423 : i32
    %add3A_1425 = arith.constant 4000 : i32
    %add3A_1426 = arith.addi %mul3A_1424, %add3A_1425 : i32
    %dma_wait3A_1427 = arith.constant 0 : i32
    %dma_wait3A_1428 = arith.constant 0 : i32
    %dma_wait3A_1429 = arith.constant 0 : i32
    %dma_wait3A_1430 = tpu.memref_slice %arg8[%dma_wait3A_1427, %dma_wait3A_1428, %dma_wait3A_1429] : memref<2x1000x32xf32, #tpu.memory_space<vmem>> -> memref<1x1000x32xf32, #tpu.memory_space<vmem>>
    %dma_wait3A_1431 = tpu.memref_squeeze %dma_wait3A_1430 : memref<1x1000x32xf32, #tpu.memory_space<vmem>> -> memref<1000x32xf32, #tpu.memory_space<vmem>>
    %dma_wait3A_1432 = arith.constant 0 : i32
    %dma_wait3A_1433 = tpu.memref_slice %arg5[%add3A_1426, %dma_wait3A_1432] : memref<160000x32xf32, #tpu.memory_space<hbm>> -> memref<1000x32xf32, #tpu.memory_space<hbm>>
    %dma_wait3A_1434 = arith.constant 0 : i32
    %dma_wait3A_1435 = tpu.memref_slice %arg5[%add3A_1426, %dma_wait3A_1434] : memref<160000x32xf32, #tpu.memory_space<hbm>> -> memref<1000x32xf32, #tpu.memory_space<hbm>>
    %dma_wait3A_1436 = arith.constant 0 : i32
    %dma_wait3A_1437 = arith.constant 0 : i32
    %dma_wait3A_1438 = tpu.memref_slice %arg8[%dma_wait3A_1427, %dma_wait3A_1436, %dma_wait3A_1437] : memref<2x1000x32xf32, #tpu.memory_space<vmem>> -> memref<1x1000x32xf32, #tpu.memory_space<vmem>>
    %dma_wait3A_1439 = tpu.memref_squeeze %dma_wait3A_1438 : memref<1x1000x32xf32, #tpu.memory_space<vmem>> -> memref<1000x32xf32, #tpu.memory_space<vmem>>
    tpu.wait_dma2 semaphore(%arg12 : memref<!tpu.dma_semaphore, #tpu.memory_space<semaphore_mem>>) src(%dma_wait3A_1439 : memref<1000x32xf32, #tpu.memory_space<vmem>>) dst(%dma_wait3A_1435 : memref<1000x32xf32, #tpu.memory_space<hbm>>)
    return
  }
}

</mosaic_0001>

<sc_bundles>
// kernel: _gather.3.cloned.1.call-start
scs
__scs_entry_jumppad:
0x0: {  	(pc) =	sbr.rel $0x88, $3  }
0x1: {  	(tag) =	ssettag $0x0;
	lr =	simm.s32 $0x1  }
0x2: {  	[smem:$0x3F9E] =	sst lr;
	_ =	strace $0xD0000000  }
0x3: {  	_ = 	snop  }
0x4: {  	_ = 	snop  }
0x5: {  	_ = 	snop  }
0x6: {  	_ = 	snop  }
0x7: {  	_ = 	snop  }
__scs_overlays_trampoline_lowered:
0x8: {  	[smem:$0x3FAD] =	sst s0  }
0x9: {  	[smem:$0x3FAE] =	sst s1  }
0xa: {  	[smem:$0x3FAF] =	sst s2  }
0xb: {  	[smem:$0x3FB0] =	sst s3  }
0xc: {  	[smem:$0x3FB1] =	sst s4  }
0xd: {  	[smem:$0x3FB2] =	sst s5  }
0xe: {  	[smem:$0x3FB3] =	sst s6  }
0xf: {  	[smem:$0x3FB4] =	sst s7  }
0x10: {  	[smem:$0x3FB5] =	sst s8  }
0x11: {  	[smem:$0x3FB6] =	sst s9;
	s0 =	simm.s32 @!p0 $0x0  }
0x12: {  	s1 =	sld [smem:$0x3F9C];
	s0 =	simm.s32 @p0 $0x1  }
0x13: {  	[smem:$0x3FB7] =	sst s0;
	s0 =	simm.s32 @!p1 $0x0  }
0x14: {  	s2 =	sld [smem:$0x3F9B];
	s0 =	simm.s32 @p1 $0x1  }
0x15: {  	[smem:$0x3FB8] =	sst s0;
	s0 =	simm.s32 @!p2 $0x0  }
0x16: {  	s3 =	sld [smem:$0x3FDB];
	s0 =	simm.s32 @p2 $0x1  }
0x17: {  	s4 =	simm.s32 $0x1BF5;
	[smem:$0x3FBA] =	sst s0  }
0x18: {  	s0 =	sld [smem:$0x3F9D];
	_ =	swait.ge [sflag:s4], $0x0  }
0x19: {  	s7 =	sld [smem:$0x3F9E]  }
0x1a: {  	s8 =	sadd.s32 $0xFFFFE003, lr  }
0x1b: {  	s9 =	sadd.s32 $0xFFFFFEF7, lr;
	s5 =	simm.s32 $0xFFFFFFFF;
	p2 =	slt.u32 s8, $0xFFFFF086  }
0x1c: {  	p1 =	slt.u32 s9, $0xF7A;
	s5 =	simm.s32 @!p2 $0x0  }
0x1d: {  	s5 =	simm.s32 @p1 $0x1;
	p0 =	seq.s32 s7, s2  }
0x1e: {  	s7 =	smul.u32 @!p0 $0xF7A, s2;
	p2 =	seq.s32 @!p0 s5, $0x0  }
0x1f: {  	s9 =	smul.u32 $0xF7A, s1;
	s8 =	simm.s32 @!p0 $0x1BF5;
	p2 =	por !p2, p0  }
0x20: {  	[sflag:s8] =	ssyncset.s32 @!p0 $0xFFFFF086;
	s6 =	sadd.s32 @!p0 s3, s7;
	s7 =	simm.s32 @!p0 $0x108  }
0x21: {  	s3 =	sadd.s32 s3, s9;
	s6 =	sadd.s32 @!p0 $0x88, s6;
	s7 =	simm.s32 @p2 $0x1082  }
0x22: {  	[simem:s7], [sflag:s8] =	dma.local @!p0 [hbm:s6], $0xF7A  }
0x23: {  	s9 =	sor.u32 $0xD0000000, s2;
	s6 =	simm.s32 $0x108;
	_ =	swait.ge @!p0 [sflag:s8], $0x0  }
0x24: {  	s3 =	sadd.s32 $0x88, s3;
	s6 =	simm.s32 @!p1 $0x1082;
	[sflag:s4] =	ssyncset.s32 $0xFFFFF086  }
0x25: {  	[simem:s6], [sflag:s4] =	dma.local [hbm:s3], $0xF7A  }
0x26: {  	[smem:$0x3F9E] =	sst s1;
	(tag) =	ssettag s2;
	_ =	strace s9  }
0x27: {  	s1 =	sld [smem:$0x3FAE]  }
0x28: {  	s2 =	sld [smem:$0x3FAF]  }
0x29: {  	s4 =	sld [smem:$0x3FB1]  }
0x2a: {  	p0 =	seq.s32 s5, $0x0;
	s5 =	sld [smem:$0x3FB2]  }
0x2b: {  	s6 =	sld [smem:$0x3FB3]  }
0x2c: {  	s7 =	sld [smem:$0x3FB4]  }
0x2d: {  	s3 =	simm.s32 $0x108;
	s8 =	sld [smem:$0x3FB5]  }
0x2e: {  	s3 =	simm.s32 @!p0 $0x1082;
	s9 =	sld [smem:$0x3FB6]  }
0x2f: {  	lr =	sadd.s32 s0, s3;
	s0 =	sld [smem:$0x3FAD]  }
0x30: {  	s3 =	sld [smem:$0x3FB0]  }
0x31: {  	[smem:$0x3FB9] =	sst s10  }
0x32: {  	s10 =	sld [smem:$0x3FB7];
	_ =	sdelay $0x3  }
0x33: {  	p0 =	seq.s32 s10, $0x1;
	s10 =	sld [smem:$0x3FB9];
	_ =	sdelay $0x3  }
0x34: {  	[smem:$0x3FB9] =	sst s10  }
0x35: {  	s10 =	sld [smem:$0x3FB8];
	_ =	sdelay $0x3  }
0x36: {  	p1 =	seq.s32 s10, $0x1;
	s10 =	sld [smem:$0x3FB9];
	_ =	sdelay $0x3  }
0x37: {  	[smem:$0x3FB9] =	sst s10  }
0x38: {  	s10 =	sld [smem:$0x3FBA]  }
0x39: {  	_ = 	snop;
	(pc) =	sbr.ind lr, $3  }
0x3a: {  	_ = 	snop  }
0x3b: {  	_ = 	snop  }
0x3c: {  	p2 =	seq.s32 s10, $0x1;
	s10 =	sld [smem:$0x3FB9]  }
0x3d: {  	_ =	shalt  }
0x3e: {  	_ =	shalt  }
0x3f: {  	_ =	shalt  }
0x40: {  	_ =	shalt  }
0x41: {  	_ =	shalt  }
0x42: {  	_ =	shalt  }
0x43: {  	_ =	shalt  }
0x44: {  	_ =	shalt  }
0x45: {  	_ =	shalt  }
0x46: {  	_ =	shalt  }
0x47: {  	_ =	shalt  }
0x48: {  	_ =	shalt  }
0x49: {  	_ =	shalt  }
0x4a: {  	_ =	shalt  }
0x4b: {  	_ =	shalt  }
0x4c: {  	_ =	shalt  }
0x4d: {  	_ =	shalt  }
0x4e: {  	_ =	shalt  }
0x4f: {  	_ =	shalt  }
0x50: {  	_ =	shalt  }
0x51: {  	_ =	shalt  }
0x52: {  	_ =	shalt  }
0x53: {  	_ =	shalt  }
0x54: {  	_ =	shalt  }
0x55: {  	_ =	shalt  }
0x56: {  	_ =	shalt  }
0x57: {  	_ =	shalt  }
0x58: {  	_ =	shalt  }
0x59: {  	_ =	shalt  }
0x5a: {  	_ =	shalt  }
0x5b: {  	_ =	shalt  }
0x5c: {  	_ =	shalt  }
0x5d: {  	_ =	shalt  }
0x5e: {  	_ =	shalt  }
0x5f: {  	_ =	shalt  }
0x60: {  	_ =	shalt  }
0x61: {  	_ =	shalt  }
0x62: {  	_ =	shalt  }
0x63: {  	_ =	shalt  }
0x64: {  	_ =	shalt  }
0x65: {  	_ =	shalt  }
0x66: {  	_ =	shalt  }
0x67: {  	_ =	shalt  }
0x68: {  	_ =	shalt  }
0x69: {  	_ =	shalt  }
0x6a: {  	_ =	shalt  }
0x6b: {  	_ =	shalt  }
0x6c: {  	_ =	shalt  }
0x6d: {  	_ =	shalt  }
0x6e: {  	_ =	shalt  }
0x6f: {  	_ =	shalt  }
0x70: {  	_ =	shalt  }
0x71: {  	_ =	shalt  }
0x72: {  	_ =	shalt  }
0x73: {  	_ =	shalt  }
0x74: {  	_ =	shalt  }
0x75: {  	_ =	shalt  }
0x76: {  	_ =	shalt  }
0x77: {  	_ =	shalt  }
0x78: {  	_ =	shalt  }
0x79: {  	_ =	shalt  }
0x7a: {  	_ =	shalt  }
0x7b: {  	_ =	shalt  }
0x7c: {  	_ =	shalt  }
0x7d: {  	_ =	shalt  }
0x7e: {  	_ =	shalt  }
0x7f: {  	_ =	shalt  }
0x80: {  	_ =	shalt  }
0x81: {  	_ =	shalt  }
0x82: {  	_ =	shalt  }
0x83: {  	_ =	shalt  }
0x84: {  	_ =	shalt  }
0x85: {  	_ =	shalt  }
0x86: {  	_ =	shalt  }
0x87: {  	_ =	shalt  }
.Lfunc_end0:
.L_simem_size_0:
called_computation_lowered:
.L_overlay_start_0:
0x88: {  	s2 =	sld [smem:$0x3FD9]  }
0x89: {  	s3 =	sld [smem:$0x3FFE];
	_ =	sdelay $0x1  }
0x8a: {  	s1 =	srdreg.scid  }
0x8b: {  	s0 =	sand.u32 $0x1, s1  }
0x8c: {  	s14 =	sshll.u32 s0, $0xA;
	s2 =	sadd.s32 s3, s2  }
0x8d: {  	s2 =	sadd.s32 s2, s14  }
0x8e: {  	[smem:$0x3FC5] =	sst s2  }
0x8f: {  	_ = 	snop  }
0x90: {  	s2 =	sld [smem:$0x3FD0];
	_ =	sdelay $0x2  }
0x91: {  	s15 =	simm.s32 $0xA;
	s4 =	simm.s32 $0x10  }
0x92: {  	[smem:s4], [sflag:s15] =	dma.local [hbm:s2], $0x1  }
0x93: {  	_ =	swait.eq [sflag:s15], $0x1  }
0x94: {  	[sflag:s15] =	ssyncset.done $0x0  }
0x95: {  	s16 =	sld [smem:$0x10];
	[sflag:s15] =	ssyncadd.s32 $0xFFFFFFFF  }
0x96: {  	s17 =	sld [smem:$0x11];
	(tm) =	ssettm $0x1  }
0x97: {  	s18 =	sld [smem:$0x3FFB];
	_ =	sdelay $0x3  }
0x98: {  	_ =	strace s18  }
0x99: {  	s4 =	sld [smem:$0x3FFC];
	_ =	sdelay $0x3  }
0x9a: {  	_ =	strace s4  }
0x9b: {  	s4 =	sld [smem:$0x3FFD];
	_ =	sdelay $0x3  }
0x9c: {  	_ =	strace s4  }
0x9d: {  	_ =	strace $0x8FFFFFFF  }
0x9e: {  	s19 =	sld [smem:$0x3FDB];
	_ =	sdelay $0x1  }
0x9f: {  	s5 =	simm.s32 $_scs_section_size  }
0xa0: {  	s6 =	simm.s32 $_size__tile_overlayer_lowered;
	s7 =	simm.s32 $_tile_overlayer_lowered  }
0xa1: {  	s22 =	simm.s32 $0x1BFF;
	s21 =	sshll.u32 s7, $0x1;
	s4 =	sadd.s32 s5, s19  }
0xa2: {  	s8 =	simm.s32 $0x0;
	s20 =	sshll.u32 s6, $0x1;
	s6 =	sadd.s32 s21, s4  }
0xa3: {  	[timem:s8], [sflag:s22] =	dma.local [hbm:s6], s20  }
0xa4: {  	_ =	swait.ge [sflag:s22], s20  }
0xa5: {  	s5 =	ssub.s32 $0x0, s20;
	[sflag:s22] =	ssyncset.done $0x0  }
0xa6: {  	[sflag:s22] =	ssyncadd.s32 s5;
	_ =	sdelay $0x1  }
0xa7: {  	s23 =	simm.s32 $0x1B8B  }
0xa8: {  	_ =	swait.ge [sflag:s23], $0x1  }
0xa9: {  	[sflag:s23] =	ssyncset.done $0x0  }
0xaa: {  	s25 =	simm.s32 $0x1B8E;
	s24 =	sld [smem:$0x3FFE];
	[sflag:s23] =	ssyncadd.s32 $0xFFFFFFFF  }
0xab: {  	s26 =	simm.s32 $execute0_lowered;
	[smem:$0x3FD2] =	sst s25  }
0xac: {  	s6 =	sshll.u32 s26, $0x1;
	_ =	strace $0x80000046;
	[dreg:$0x1] =	wrdreg $0xFFFFFFFF  }
0xad: {  	s28 =	simm.s32 $_size_execute0_lowered;
	s4 =	sadd.s32 s4, s6;
	[dreg:$0x0] =	wrdreg $0x0  }
0xae: {  	s6 =	sshll.u32 s28, $0x1;
	[dreg:$0x2] =	wrdreg s4  }
0xaf: {  	[dreg:$0x3] =	wrdreg s6  }
0xb0: {  	[dreg:$0x4] =	wrdreg $0xC0  }
0xb1: {  	_ =	task [dreg:s8], $0x5FFFF  }
0xb2: {  	[dreg:$0x1] =	wrdreg $0xFFFFFFFF  }
0xb3: {  	[dreg:$0x0] =	wrdreg $0x60  }
0xb4: {  	[dreg:$0x2] =	wrdreg s24  }
0xb5: {  	[dreg:$0x3] =	wrdreg s17  }
0xb6: {  	[dreg:$0x4] =	wrdreg s16  }
0xb7: {  	[dreg:$0x5] =	wrdreg $0x9  }
0xb8: {  	_ =	task.clear_ibuf [dreg:s8], $0x6FFFF;
	_ =	strace $0x90000046  }
0xb9: {  	s29 =	simm.s32 $0x9;
	_ =	strace $0x80000048  }
0xba: {  	_ =	swait.ge [sflag:s29], $0x1  }
0xbb: {  	[sflag:s29] =	ssyncadd.s32 $0xFFFFFFFF  }
0xbc: {  	_ =	strace $0x90000048  }
0xbd: {  	_ =	sfence  }
0xbe: {  	s30 =	sld [smem:$0x0];
	_ =	sdelay $0x2  }
0xbf: {  	s31 =	sshll.u32 s1, $0xD;
	s1 =	sshrl.u32 s1, $0x2  }
0xc0: {  	s3 =	sand.u32 $0x4000, s31;
	s1 =	sadd.s32 s1, s30  }
0xc1: {  	s0 =	sor.u32 s3, s0;
	s1 =	sshll.u32 s1, $0x11  }
0xc2: {  	s0 =	sor.u32 s1, s0  }
0xc3: {  	s0 =	sadd.s32 $0x8F2B, s0  }
0xc4: {  	[sflag:s0] =	ssyncadd.remote.s32 $0x1  }
0xc5: {  	_ =	sfence.sel $0xFFFF  }
0xc6: {  	[dreg:$0x0] =	wrdreg $0xFFFFFFFF;
	(pc) =	sbr.abs _section_cstart, $3  }
0xc7: {  	[dreg:$0x1] =	wrdreg $0xFFFFFFFF  }
0xc8: {  	_ =	task.clear_ibuf [dreg:s8], $0x2FFFF;
	_ =	strace $0x9FFFFFFF  }
0xc9: {  	(tm) =	ssettm $0x7FFFFFFF  }
tec
execute0_lowered:
.L_overlay_start_1:
0x0: {  	(tag) =	ssettag $0x1  }
0x1: {  	s0 =	rddreg [dreg:$0x0]  }
0x2: {  	s2 =	srdreg.scid;
	s3 =	stileid.u32  }
0x3: {  	s1 =	rddreg [dreg:$0x1];
	s5 =	sand.u32 $0x1, s2;
	s3 =	sshll.u32 s3, $0x1  }
0x4: {  	s4 =	rddreg [dreg:$0x2];
	s29 =	simm.s32 $0x42E0;
	s6 =	sor.u32 s5, s3  }
0x5: {  	s31 =	simm.s32 $0x5280;
	s30 =	simm.s32 $0x8160;
	s7 =	smul.u32 $0x280, s6  }
0x6: {  	s28 =	simm.s32 $0x10E00;
	s2 =	simm.s32 $0x0;
	s8 =	smul.u32 $0x1388, s6  }
0x7: {  	[smem:$0x7FF] =	sst s2;
	s5 =	ssub.s32 $0x2, s5;
	s10 =	smul.u32 $0x2710, s6  }
0x8: {  	s3 =	sadd.s32 $0xE00, s0;
	s9 =	sshrl.u32 s5, $0x1;
	s24 =	smul.u32 $0x4E20, s6  }
0x9: {  	_ =	strace $0x80000047;
	s6 =	smul.u32 $0x13880, s6;
	s5 =	ssub.s32 s5, s9  }
0xa: {  	s7 =	sadd.s32 s7, s0;
	s0 =	sadd.s32 $0xFC00, s0;
	s25 =	sshrl.u32 s8, $0x3  }
0xb: {  	s11 =	sadd.s32 $0x3E8, s8;
	s6 =	sshrl.u32 s6, $0x3;
	s14 =	sadd.s32 $0x7D0, s8  }
0xc: {  	s18 =	sadd.s32 $0xBB8, s8;
	s22 =	sadd.s32 $0xFA0, s8;
	s8 =	simm.s32 $0xB040  }
0xd: {  	s7 =	sadd.s32 $0xAC00, s7;
	s9 =	sadd.s32 s1, s25;
	s26 =	sadd.s32 s0, s10  }
0xe: {  	s10 =	sshrl.u32 s11, $0x3;
	s0 =	sadd.s32 s0, s6;
	s13 =	sshll.u32 s11, $0x2  }
0xf: {  	s16 =	sshrl.u32 s14, $0x3;
	s17 =	sshll.u32 s14, $0x2;
	s20 =	sshrl.u32 s18, $0x3  }
0x10: {  	s21 =	sshll.u32 s18, $0x2;
	s25 =	sshll.u32 s22, $0x2;
	[dreg:$0x4] =	wrdreg s7  }
0x11: {  	s11 =	simm.s32 $0xDF20;
	s14 =	simm.s32 $0x2;
	[dreg:$0x5] =	wrdreg s9  }
0x12: {  	[dreg:$0x6] =	wrdreg s26;
	s7 =	sadd.s32 s4, s24;
	s12 =	sadd.s32 s1, s10  }
0x13: {  	s15 =	sadd.s32 $0x7D0, s0;
	s6 =	sadd.s32 s4, s13;
	[dreg:$0x7] =	wrdreg s7  }
0x14: {  	s19 =	sadd.s32 $0xFA0, s0;
	s23 =	sadd.s32 $0x1770, s0;
	[dreg:$0x8] =	wrdreg s12  }
0x15: {  	s24 =	sshrl.u32 s22, $0x3;
	s0 =	sadd.s32 $0x1F40, s0;
	[dreg:$0x9] =	wrdreg s15  }
0x16: {  	s26 =	smax.u32 s5, $0x1;
	s22 =	simm.s32 $0x1400;
	[dreg:$0xa] =	wrdreg s6  }
0x17: {  	s5 =	simm.s32 $0x1;
	s9 =	simm.s32 $0xBFE0;
	[dreg:$0xc] =	wrdreg s19  }
0x18: {  	s10 =	simm.s32 $0xCF80;
	s13 =	simm.s32 $0xFE60;
	[dreg:$0xf] =	wrdreg s23  }
0x19: {  	s6 =	sadd.s32 s1, s16;
	[dreg:$0x12] =	wrdreg s0;
	s0 =	sadd.s32 s4, s25  }
0x1a: {  	[dreg:$0x14] =	wrdreg s26;
	s26 =	simm.s32 $0x3340;
	s25 =	simm.s32 $0x71C0  }
0x1b: {  	s23 =	simm.s32 $0x27100;
	s7 =	simm.s32 $0xA0A0;
	s12 =	simm.s32 $0xEEC0  }
0x1c: {  	s15 =	simm.s32 $0x3;
	s16 =	simm.s32 $0x0;
	[dreg:$0xb] =	wrdreg s6  }
0x1d: {  	s6 =	sadd.s32 s4, s17;
	[dreg:$0x13] =	wrdreg s0;
	s0 =	simm.s32 $0x6220  }
0x1e: {  	[dreg:$0xd] =	wrdreg s6;
	s6 =	sadd.s32 s1, s20;
	s1 =	sadd.s32 s1, s24  }
0x1f: {  	s24 =	simm.s32 $0x23A0;
	[dreg:$0xe] =	wrdreg s6;
	s6 =	sadd.s32 s4, s21  }
0x20: {  	v0 =	vlaneseq.u32;
	[dreg:$0x11] =	wrdreg s1;
	s21 =	simm.s32 $0x7D;
	s1 =	simm.s32 $0x3E8  }
0x21: {  	v0 =	vmul.u32 $0x3E8, v0;
	s4 =	simm.s32 $0x14C80;
	[dreg:$0x10] =	wrdreg s6;
	s6 =	simm.s32 $0x9100  }
.LBB2_1:
0x22: {  	s17 =	rddreg [dreg:$0x4]  }
0x23: {  	[tilespmem:s2], [sflag:$0x3] =	stream.linear.gather [hbm4b:s17+s2], $0x1400, $0x38;
	[tilespmem:$0x18B00] =	vst v63  }
0x24: {  	_ =	swait.ge [sflag:s15], $0x1400  }
0x25: {  	[sflag:s15] =	ssyncset.done $0x0  }
0x26: {  	[sflag:s15] =	ssyncadd.s32 $0xFFFFEC00  }
0x27: {  	[tilespmem:s22], [sflag:$0x1] =	stream.indirect.gather [hbm4b:s3+s21], $0x20, s2, s21, $0xb8;
	[tilespmem:$0x18B00] =	vst v63  }
0x28: {  	s20 =	simm.s32 $0x80  }
0x29: {  	[tilespmem:s24], [sflag:$0x1] =	stream.indirect.gather [hbm4b:s3+s21], $0x20, s20, s21, $0xb8;
	[tilespmem:$0x18B00] =	vst v63  }
0x2a: {  	s18 =	simm.s32 $0x100  }
0x2b: {  	[tilespmem:s26], [sflag:$0x1] =	stream.indirect.gather [hbm4b:s3+s21], $0x20, s18, s21, $0xb8;
	[tilespmem:$0x18B00] =	vst v63  }
0x2c: {  	s19 =	simm.s32 $0x180  }
0x2d: {  	[tilespmem:s29], [sflag:$0x1] =	stream.indirect.gather [hbm4b:s3+s21], $0x20, s19, s21, $0xb8;
	[tilespmem:$0x18B00] =	vst v63  }
0x2e: {  	s20 =	simm.s32 $0x200  }
0x2f: {  	[tilespmem:s31], [sflag:$0x1] =	stream.indirect.gather [hbm4b:s3+s21], $0x20, s20, s21, $0xb8;
	[tilespmem:$0x18B00] =	vst v63  }
0x30: {  	s18 =	simm.s32 $0x280  }
0x31: {  	[tilespmem:s0], [sflag:$0x1] =	stream.indirect.gather [hbm4b:s3+s21], $0x20, s18, s21, $0xb8;
	[tilespmem:$0x18B00] =	vst v63  }
0x32: {  	s19 =	simm.s32 $0x300;
	s20 =	simm.s32 $0x0  }
0x33: {  	[tilespmem:s25], [sflag:$0x1] =	stream.indirect.gather [hbm4b:s3+s21], $0x20, s19, s21, $0xb8;
	[tilespmem:$0x18B00] =	vst v63  }
0x34: {  	v1 =	vmov s20;
	s18 =	simm.s32 $0x380  }
0x35: {  	v1 =	vand.u32 $0x3FC, v1;
	[tilespmem:s30], [sflag:$0x1] =	stream.indirect.gather [hbm4b:s3+s21], $0x20, s18, s21, $0xb8;
	[tilespmem:$0x18B00] =	vst v63  }
0x36: {  	v1 =	vadd.s32 v0, v1;
	s19 =	rddreg [dreg:$0x5]  }
0x37: {  	[tilespmem:s28], [sflag:$0x3] =	stream.strided.gather [hbm4b:s19+s1], $0x3E80, s23, s1, $0x38;
	[tilespmem:$0x18B00] =	vst v63  }
0x38: {  	_ =	swait.ge [sflag:s15], $0x3E80  }
0x39: {  	s20 =	simm.s32 $0x1;
	[sflag:s15] =	ssyncset.done $0x0  }
0x3a: {  	v2 =	vmov s20;
	[sflag:s15] =	ssyncadd.s32 $0xFFFFC180  }
0x3b: {  	v2 =	vand.u32 $0x3FD, v2;
	v1 =	vld.idx.msk [tilespmem:v1+s28+$0x0], $0xffff  }
0x3c: {  	v2 =	vadd.s32 v0, v2;
	_ =	sdelay $0x2  }
0x3d: {  	s17 =	simm.s32 $0x14CA0;
	s18 =	simm.s32 $0x2  }
0x3e: {  	[tilespmem:s17+$0xFFFFFFE0] =	vst v1;
	v1 =	vmov s18  }
0x3f: {  	v2 =	vld.idx.msk [tilespmem:v2+s28+$0x0], $0xffff;
	v1 =	vand.u32 $0x3FE, v1  }
0x40: {  	v1 =	vadd.s32 v0, v1;
	_ =	sdelay $0x3  }
0x41: {  	[tilespmem:s17+$0xFFFFFFF0] =	vst v2  }
0x42: {  	v2 =	vld.idx.msk [tilespmem:v1+s28+$0x0], $0xffff;
	v1 =	vmov s15  }
0x43: {  	v1 =	vand.u32 $0x3FF, v1  }
0x44: {  	v1 =	vadd.s32 v0, v1;
	_ =	sdelay $0x3  }
0x45: {  	s20 =	simm.s32 $0x4;
	s19 =	simm.s32 $0xB;
	s18 =	simm.s32 $0x7;
	[tilespmem:s17+$0x0] =	vst v2  }
.LBB2_2:
0x46: {  	p0 =	sne.s32 s19, $0x3E7;
	v2 =	vmov s20;
	v1 =	vld.idx.msk [tilespmem:v1+s28+$0x0], $0xffff  }
0x47: {  	v2 =	vand.u32 $0x3FC, v2  }
0x48: {  	v2 =	vadd.s32 v0, v2;
	_ =	sdelay $0x3  }
0x49: {  	s20 =	sadd.s32 $0xFFFFFFFE, s18;
	[tilespmem:s17+$0x10] =	vst v1  }
0x4a: {  	v1 =	vld.idx.msk [tilespmem:v2+s28+$0x0], $0xffff;
	v2 =	vmov s20  }
0x4b: {  	v2 =	vand.u32 $0x3FD, v2  }
0x4c: {  	v2 =	vadd.s32 v0, v2;
	_ =	sdelay $0x2  }
0x4d: {  	s17 =	sadd.s32 $0x40, s17  }
0x4e: {  	s20 =	sadd.s32 $0xFFFFFFFF, s18;
	[tilespmem:s17+$0xFFFFFFE0] =	vst v1  }
0x4f: {  	v1 =	vld.idx.msk [tilespmem:v2+s28+$0x0], $0xffff;
	v2 =	vmov s20  }
0x50: {  	v2 =	vand.u32 $0x3FE, v2  }
0x51: {  	v2 =	vadd.s32 v0, v2;
	_ =	sdelay $0x3  }
0x52: {  	[tilespmem:s17+$0xFFFFFFF0] =	vst v1  }
0x53: {  	v1 =	vmov s18;
	s18 =	smov.u32 s19;
	v2 =	vld.idx.msk [tilespmem:v2+s28+$0x0], $0xffff  }
0x54: {  	v1 =	vand.u32 $0x3FF, v1  }
.Ltmp0:
0x55: {  	v1 =	vadd.s32 v0, v1;
	(pc) =	sbr.rel @p0 .LBB2_2-.Ltmp0, $2  }
0x56: {  	_ =	sdelay $0x2  }
0x57: {  	s19 =	sadd.s32 $0x4, s19;
	s20 =	sadd.s32 $0xFFFFFFFD, s18;
	[tilespmem:s17+$0x0] =	vst v2  }
0x58: {  	_ =	sdelay $0x2  }
0x59: {  	v2 =	vmov s20  }
0x5a: {  	v1 =	vld.idx.msk [tilespmem:v1+s28+$0x0], $0xffff;
	v2 =	vand.u32 $0x3FC, v2  }
0x5b: {  	v2 =	vadd.s32 v0, v2;
	_ =	sdelay $0x2  }
0x5c: {  	s19 =	sadd.s32 $0xFFFFFFFE, s18  }
0x5d: {  	[tilespmem:s17+$0x10] =	vst v1;
	v1 =	vmov s19  }
0x5e: {  	v1 =	vand.u32 $0x3FD, v1;
	v2 =	vld.idx.msk [tilespmem:v2+s28+$0x0], $0xffff  }
0x5f: {  	v1 =	vadd.s32 v0, v1;
	_ =	sdelay $0x2  }
0x60: {  	s20 =	sadd.s32 $0xFFFFFFFF, s18;
	s17 =	sadd.s32 $0x40, s17  }
0x61: {  	[tilespmem:s17+$0xFFFFFFE0] =	vst v2;
	v2 =	vmov s20  }
0x62: {  	v1 =	vld.idx.msk [tilespmem:v1+s28+$0x0], $0xffff;
	v2 =	vand.u32 $0x3FE, v2  }
0x63: {  	v2 =	vadd.s32 v0, v2;
	_ =	sdelay $0x3  }
0x64: {  	[tilespmem:s17+$0xFFFFFFF0] =	vst v1;
	v1 =	vmov s18  }
0x65: {  	v2 =	vld.idx.msk [tilespmem:v2+s28+$0x0], $0xffff;
	v1 =	vand.u32 $0x3FF, v1  }
0x66: {  	v1 =	vadd.s32 v0, v1;
	_ =	sdelay $0x3  }
0x67: {  	[tilespmem:s17+$0x0] =	vst v2  }
0x68: {  	v1 =	vld.idx.msk [tilespmem:v1+s28+$0x0], $0xffff;
	_ =	sdelay $0x4  }
0x69: {  	s19 =	rddreg [dreg:$0x6];
	s18 =	simm.s32 $0x3;
	[tilespmem:s17+$0x10] =	vst v1  }
0x6a: {  	[hbm4b:s19+s2] =	stream.linear.scatter [tilespmem:s4], [sflag:$0x3], $0x3E80, $0x38;
	[tilespmem:$0x18B00] =	vst v63  }
0x6b: {  	_ =	swait.ge [sflag:s18], $0x3E80  }
0x6c: {  	[sflag:s18] =	ssyncset.done $0x0  }
0x6d: {  	[sflag:s18] =	ssyncadd.s32 $0xFFFFC180  }
0x6e: {  	_ =	swait.ge [sflag:s5], $0xFA0  }
0x6f: {  	[sflag:s5] =	ssyncset.done $0x0  }
0x70: {  	[sflag:s5] =	ssyncadd.s32 $0xFFFFF060  }
0x71: {  	_ =	swait.ge [sflag:s5], $0xFA0  }
0x72: {  	[sflag:s5] =	ssyncset.done $0x0  }
0x73: {  	[sflag:s5] =	ssyncadd.s32 $0xFFFFF060  }
0x74: {  	_ =	swait.ge [sflag:s5], $0xFA0  }
0x75: {  	[sflag:s5] =	ssyncset.done $0x0  }
0x76: {  	[sflag:s5] =	ssyncadd.s32 $0xFFFFF060  }
0x77: {  	_ =	swait.ge [sflag:s5], $0xFA0  }
0x78: {  	[sflag:s5] =	ssyncset.done $0x0  }
0x79: {  	[sflag:s5] =	ssyncadd.s32 $0xFFFFF060  }
0x7a: {  	_ =	swait.ge [sflag:s5], $0xFA0  }
0x7b: {  	[sflag:s5] =	ssyncset.done $0x0  }
0x7c: {  	[sflag:s5] =	ssyncadd.s32 $0xFFFFF060  }
0x7d: {  	_ =	swait.ge [sflag:s5], $0xFA0  }
0x7e: {  	[sflag:s5] =	ssyncset.done $0x0  }
0x7f: {  	[sflag:s5] =	ssyncadd.s32 $0xFFFFF060  }
0x80: {  	_ =	swait.ge [sflag:s5], $0xFA0  }
0x81: {  	[sflag:s5] =	ssyncset.done $0x0  }
0x82: {  	[sflag:s5] =	ssyncadd.s32 $0xFFFFF060  }
0x83: {  	_ =	swait.ge [sflag:s5], $0xFA0  }
0x84: {  	[sflag:s5] =	ssyncset.done $0x0  }
0x85: {  	s20 =	rddreg [dreg:$0x7];
	[sflag:s5] =	ssyncadd.s32 $0xFFFFF060  }
0x86: {  	[hbm4b:s20+s2] =	stream.linear.scatter [tilespmem:s22], [sflag:$0x2], $0x7D00, $0x38;
	[tilespmem:$0x18B00] =	vst v63  }
0x87: {  	s19 =	simm.s32 $0x400  }
0x88: {  	[tilespmem:s6], [sflag:$0x1] =	stream.indirect.gather [hbm4b:s3+s21], $0x20, s19, s21, $0xb8;
	[tilespmem:$0x18B00] =	vst v63  }
0x89: {  	s20 =	simm.s32 $0x480  }
0x8a: {  	[tilespmem:s7], [sflag:$0x1] =	stream.indirect.gather [hbm4b:s3+s21], $0x20, s20, s21, $0xb8;
	[tilespmem:$0x18B00] =	vst v63  }
0x8b: {  	s19 =	simm.s32 $0x500  }
0x8c: {  	[tilespmem:s8], [sflag:$0x1] =	stream.indirect.gather [hbm4b:s3+s21], $0x20, s19, s21, $0xb8;
	[tilespmem:$0x18B00] =	vst v63  }
0x8d: {  	s20 =	simm.s32 $0x580  }
0x8e: {  	[tilespmem:s9], [sflag:$0x1] =	stream.indirect.gather [hbm4b:s3+s21], $0x20, s20, s21, $0xb8;
	[tilespmem:$0x18B00] =	vst v63  }
0x8f: {  	s19 =	simm.s32 $0x600  }
0x90: {  	[tilespmem:s10], [sflag:$0x1] =	stream.indirect.gather [hbm4b:s3+s21], $0x20, s19, s21, $0xb8;
	[tilespmem:$0x18B00] =	vst v63  }
0x91: {  	s20 =	simm.s32 $0x680  }
0x92: {  	[tilespmem:s11], [sflag:$0x1] =	stream.indirect.gather [hbm4b:s3+s21], $0x20, s20, s21, $0xb8;
	[tilespmem:$0x18B00] =	vst v63  }
0x93: {  	s19 =	simm.s32 $0x700;
	s20 =	simm.s32 $0x0  }
0x94: {  	[tilespmem:s12], [sflag:$0x1] =	stream.indirect.gather [hbm4b:s3+s21], $0x20, s19, s21, $0xb8;
	[tilespmem:$0x18B00] =	vst v63  }
0x95: {  	v1 =	vmov s20;
	s19 =	simm.s32 $0x780  }
0x96: {  	v1 =	vand.u32 $0x3FC, v1;
	[tilespmem:s13], [sflag:$0x1] =	stream.indirect.gather [hbm4b:s3+s21], $0x20, s19, s21, $0xb8;
	[tilespmem:$0x18B00] =	vst v63  }
0x97: {  	s20 =	rddreg [dreg:$0x8];
	v1 =	vadd.s32 v0, v1  }
0x98: {  	[tilespmem:s28], [sflag:$0x3] =	stream.strided.gather [hbm4b:s20+s1], $0x3E80, s23, s1, $0x38;
	[tilespmem:$0x18B00] =	vst v63  }
0x99: {  	_ =	swait.ge [sflag:s18], $0x3E80  }
0x9a: {  	s19 =	simm.s32 $0x1;
	[sflag:s18] =	ssyncset.done $0x0  }
0x9b: {  	v2 =	vmov s19;
	[sflag:s18] =	ssyncadd.s32 $0xFFFFC180  }
0x9c: {  	v2 =	vand.u32 $0x3FD, v2;
	v1 =	vld.idx.msk [tilespmem:v1+s28+$0x0], $0xffff  }
0x9d: {  	v2 =	vadd.s32 v0, v2;
	_ =	sdelay $0x2  }
0x9e: {  	s17 =	simm.s32 $0x14CA0;
	s20 =	simm.s32 $0x2  }
0x9f: {  	[tilespmem:s17+$0xFFFFFFE0] =	vst v1;
	v1 =	vmov s20  }
0xa0: {  	v2 =	vld.idx.msk [tilespmem:v2+s28+$0x0], $0xffff;
	v1 =	vand.u32 $0x3FE, v1  }
0xa1: {  	v1 =	vadd.s32 v0, v1;
	_ =	sdelay $0x3  }
0xa2: {  	[tilespmem:s17+$0xFFFFFFF0] =	vst v2  }
0xa3: {  	v2 =	vld.idx.msk [tilespmem:v1+s28+$0x0], $0xffff;
	v1 =	vmov s18  }
0xa4: {  	v1 =	vand.u32 $0x3FF, v1  }
0xa5: {  	v1 =	vadd.s32 v0, v1;
	_ =	sdelay $0x3  }
0xa6: {  	s19 =	simm.s32 $0xB;
	s20 =	simm.s32 $0x4;
	s18 =	simm.s32 $0x7;
	[tilespmem:s17+$0x0] =	vst v2  }
.LBB2_4:
0xa7: {  	p0 =	sne.s32 s19, $0x3E7;
	v2 =	vmov s20;
	v1 =	vld.idx.msk [tilespmem:v1+s28+$0x0], $0xffff  }
0xa8: {  	v2 =	vand.u32 $0x3FC, v2  }
0xa9: {  	v2 =	vadd.s32 v0, v2;
	_ =	sdelay $0x3  }
0xaa: {  	s20 =	sadd.s32 $0xFFFFFFFE, s18;
	[tilespmem:s17+$0x10] =	vst v1  }
0xab: {  	v1 =	vld.idx.msk [tilespmem:v2+s28+$0x0], $0xffff;
	v2 =	vmov s20  }
0xac: {  	v2 =	vand.u32 $0x3FD, v2  }
0xad: {  	v2 =	vadd.s32 v0, v2;
	_ =	sdelay $0x2  }
0xae: {  	s17 =	sadd.s32 $0x40, s17  }
0xaf: {  	s20 =	sadd.s32 $0xFFFFFFFF, s18;
	[tilespmem:s17+$0xFFFFFFE0] =	vst v1  }
0xb0: {  	v1 =	vld.idx.msk [tilespmem:v2+s28+$0x0], $0xffff;
	v2 =	vmov s20  }
0xb1: {  	v2 =	vand.u32 $0x3FE, v2  }
0xb2: {  	v2 =	vadd.s32 v0, v2;
	_ =	sdelay $0x3  }
0xb3: {  	[tilespmem:s17+$0xFFFFFFF0] =	vst v1  }
0xb4: {  	v1 =	vmov s18;
	s18 =	smov.u32 s19;
	v2 =	vld.idx.msk [tilespmem:v2+s28+$0x0], $0xffff  }
0xb5: {  	v1 =	vand.u32 $0x3FF, v1  }
.Ltmp1:
0xb6: {  	v1 =	vadd.s32 v0, v1;
	(pc) =	sbr.rel @p0 .LBB2_4-.Ltmp1, $2  }
0xb7: {  	_ =	sdelay $0x2  }
0xb8: {  	s19 =	sadd.s32 $0x4, s19;
	s20 =	sadd.s32 $0xFFFFFFFD, s18;
	[tilespmem:s17+$0x0] =	vst v2  }
0xb9: {  	_ =	sdelay $0x2  }
0xba: {  	v2 =	vmov s20  }
0xbb: {  	v1 =	vld.idx.msk [tilespmem:v1+s28+$0x0], $0xffff;
	v2 =	vand.u32 $0x3FC, v2  }
0xbc: {  	v2 =	vadd.s32 v0, v2;
	_ =	sdelay $0x2  }
0xbd: {  	s19 =	sadd.s32 $0xFFFFFFFE, s18  }
0xbe: {  	[tilespmem:s17+$0x10] =	vst v1;
	v1 =	vmov s19  }
0xbf: {  	v1 =	vand.u32 $0x3FD, v1;
	v2 =	vld.idx.msk [tilespmem:v2+s28+$0x0], $0xffff  }
0xc0: {  	v1 =	vadd.s32 v0, v1;
	_ =	sdelay $0x2  }
0xc1: {  	s20 =	sadd.s32 $0xFFFFFFFF, s18;
	s17 =	sadd.s32 $0x40, s17  }
0xc2: {  	[tilespmem:s17+$0xFFFFFFE0] =	vst v2;
	v2 =	vmov s20  }
0xc3: {  	v1 =	vld.idx.msk [tilespmem:v1+s28+$0x0], $0xffff;
	v2 =	vand.u32 $0x3FE, v2  }
0xc4: {  	v2 =	vadd.s32 v0, v2;
	_ =	sdelay $0x3  }
0xc5: {  	[tilespmem:s17+$0xFFFFFFF0] =	vst v1;
	v1 =	vmov s18  }
0xc6: {  	v2 =	vld.idx.msk [tilespmem:v2+s28+$0x0], $0xffff;
	v1 =	vand.u32 $0x3FF, v1  }
0xc7: {  	v1 =	vadd.s32 v0, v1;
	_ =	sdelay $0x3  }
0xc8: {  	[tilespmem:s17+$0x0] =	vst v2  }
0xc9: {  	v1 =	vld.idx.msk [tilespmem:v1+s28+$0x0], $0xffff;
	_ =	sdelay $0x4  }
0xca: {  	s19 =	rddreg [dreg:$0x9];
	s18 =	simm.s32 $0x3;
	[tilespmem:s17+$0x10] =	vst v1  }
0xcb: {  	[hbm4b:s19+s2] =	stream.linear.scatter [tilespmem:s4], [sflag:$0x3], $0x3E80, $0x38;
	[tilespmem:$0x18B00] =	vst v63  }
0xcc: {  	_ =	swait.ge [sflag:s18], $0x3E80  }
0xcd: {  	[sflag:s18] =	ssyncset.done $0x0  }
0xce: {  	[sflag:s18] =	ssyncadd.s32 $0xFFFFC180  }
0xcf: {  	_ =	swait.ge [sflag:s5], $0xFA0  }
0xd0: {  	[sflag:s5] =	ssyncset.done $0x0  }
0xd1: {  	[sflag:s5] =	ssyncadd.s32 $0xFFFFF060  }
0xd2: {  	_ =	swait.ge [sflag:s5], $0xFA0  }
0xd3: {  	[sflag:s5] =	ssyncset.done $0x0  }
0xd4: {  	[sflag:s5] =	ssyncadd.s32 $0xFFFFF060  }
0xd5: {  	_ =	swait.ge [sflag:s5], $0xFA0  }
0xd6: {  	[sflag:s5] =	ssyncset.done $0x0  }
0xd7: {  	[sflag:s5] =	ssyncadd.s32 $0xFFFFF060  }
0xd8: {  	_ =	swait.ge [sflag:s5], $0xFA0  }
0xd9: {  	[sflag:s5] =	ssyncset.done $0x0  }
0xda: {  	[sflag:s5] =	ssyncadd.s32 $0xFFFFF060  }
0xdb: {  	_ =	swait.ge [sflag:s5], $0xFA0  }
0xdc: {  	[sflag:s5] =	ssyncset.done $0x0  }
0xdd: {  	[sflag:s5] =	ssyncadd.s32 $0xFFFFF060  }
0xde: {  	_ =	swait.ge [sflag:s5], $0xFA0  }
0xdf: {  	[sflag:s5] =	ssyncset.done $0x0  }
0xe0: {  	[sflag:s5] =	ssyncadd.s32 $0xFFFFF060  }
0xe1: {  	_ =	swait.ge [sflag:s5], $0xFA0  }
0xe2: {  	[sflag:s5] =	ssyncset.done $0x0  }
0xe3: {  	[sflag:s5] =	ssyncadd.s32 $0xFFFFF060  }
0xe4: {  	_ =	swait.ge [sflag:s5], $0xFA0  }
0xe5: {  	[sflag:s5] =	ssyncset.done $0x0  }
0xe6: {  	s20 =	rddreg [dreg:$0xa];
	[sflag:s5] =	ssyncadd.s32 $0xFFFFF060  }
0xe7: {  	[hbm4b:s20+s2] =	stream.linear.scatter [tilespmem:s6], [sflag:$0x2], $0x7D00, $0x38;
	[tilespmem:$0x18B00] =	vst v63  }
0xe8: {  	_ =	swait.ge [sflag:s14], $0x7D00  }
0xe9: {  	[sflag:s14] =	ssyncset.done $0x0  }
0xea: {  	s19 =	simm.s32 $0x800;
	[sflag:s14] =	ssyncadd.s32 $0xFFFF8300  }
0xeb: {  	[tilespmem:s22], [sflag:$0x1] =	stream.indirect.gather [hbm4b:s3+s21], $0x20, s19, s21, $0xb8;
	[tilespmem:$0x18B00] =	vst v63  }
0xec: {  	s20 =	simm.s32 $0x880  }
0xed: {  	[tilespmem:s24], [sflag:$0x1] =	stream.indirect.gather [hbm4b:s3+s21], $0x20, s20, s21, $0xb8;
	[tilespmem:$0x18B00] =	vst v63  }
0xee: {  	s19 =	simm.s32 $0x900  }
0xef: {  	[tilespmem:s26], [sflag:$0x1] =	stream.indirect.gather [hbm4b:s3+s21], $0x20, s19, s21, $0xb8;
	[tilespmem:$0x18B00] =	vst v63  }
0xf0: {  	s20 =	simm.s32 $0x980  }
0xf1: {  	[tilespmem:s29], [sflag:$0x1] =	stream.indirect.gather [hbm4b:s3+s21], $0x20, s20, s21, $0xb8;
	[tilespmem:$0x18B00] =	vst v63  }
0xf2: {  	s19 =	simm.s32 $0xA00  }
0xf3: {  	[tilespmem:s31], [sflag:$0x1] =	stream.indirect.gather [hbm4b:s3+s21], $0x20, s19, s21, $0xb8;
	[tilespmem:$0x18B00] =	vst v63  }
0xf4: {  	s20 =	simm.s32 $0xA80  }
0xf5: {  	[tilespmem:s0], [sflag:$0x1] =	stream.indirect.gather [hbm4b:s3+s21], $0x20, s20, s21, $0xb8;
	[tilespmem:$0x18B00] =	vst v63  }
0xf6: {  	s19 =	simm.s32 $0xB00;
	s20 =	simm.s32 $0x0  }
0xf7: {  	[tilespmem:s25], [sflag:$0x1] =	stream.indirect.gather [hbm4b:s3+s21], $0x20, s19, s21, $0xb8;
	[tilespmem:$0x18B00] =	vst v63  }
0xf8: {  	v1 =	vmov s20;
	s19 =	simm.s32 $0xB80  }
0xf9: {  	v1 =	vand.u32 $0x3FC, v1;
	[tilespmem:s30], [sflag:$0x1] =	stream.indirect.gather [hbm4b:s3+s21], $0x20, s19, s21, $0xb8;
	[tilespmem:$0x18B00] =	vst v63  }
0xfa: {  	s20 =	rddreg [dreg:$0xb];
	v1 =	vadd.s32 v0, v1  }
0xfb: {  	[tilespmem:s28], [sflag:$0x3] =	stream.strided.gather [hbm4b:s20+s1], $0x3E80, s23, s1, $0x38;
	[tilespmem:$0x18B00] =	vst v63  }
0xfc: {  	_ =	swait.ge [sflag:s18], $0x3E80  }
0xfd: {  	s19 =	simm.s32 $0x1;
	[sflag:s18] =	ssyncset.done $0x0  }
0xfe: {  	v2 =	vmov s19;
	[sflag:s18] =	ssyncadd.s32 $0xFFFFC180  }
0xff: {  	v2 =	vand.u32 $0x3FD, v2;
	v1 =	vld.idx.msk [tilespmem:v1+s28+$0x0], $0xffff  }
0x100: {  	v2 =	vadd.s32 v0, v2;
	_ =	sdelay $0x2  }
0x101: {  	s17 =	simm.s32 $0x14CA0;
	s20 =	simm.s32 $0x2  }
0x102: {  	[tilespmem:s17+$0xFFFFFFE0] =	vst v1;
	v1 =	vmov s20  }
0x103: {  	v2 =	vld.idx.msk [tilespmem:v2+s28+$0x0], $0xffff;
	v1 =	vand.u32 $0x3FE, v1  }
0x104: {  	v1 =	vadd.s32 v0, v1;
	_ =	sdelay $0x3  }
0x105: {  	[tilespmem:s17+$0xFFFFFFF0] =	vst v2  }
0x106: {  	v2 =	vld.idx.msk [tilespmem:v1+s28+$0x0], $0xffff;
	v1 =	vmov s18  }
0x107: {  	v1 =	vand.u32 $0x3FF, v1  }
0x108: {  	v1 =	vadd.s32 v0, v1;
	_ =	sdelay $0x3  }
0x109: {  	s19 =	simm.s32 $0xB;
	s20 =	simm.s32 $0x4;
	s18 =	simm.s32 $0x7;
	[tilespmem:s17+$0x0] =	vst v2  }
.LBB2_6:
0x10a: {  	p0 =	sne.s32 s19, $0x3E7;
	v2 =	vmov s20;
	v1 =	vld.idx.msk [tilespmem:v1+s28+$0x0], $0xffff  }
0x10b: {  	v2 =	vand.u32 $0x3FC, v2  }
0x10c: {  	v2 =	vadd.s32 v0, v2;
	_ =	sdelay $0x3  }
0x10d: {  	s20 =	sadd.s32 $0xFFFFFFFE, s18;
	[tilespmem:s17+$0x10] =	vst v1  }
0x10e: {  	v1 =	vld.idx.msk [tilespmem:v2+s28+$0x0], $0xffff;
	v2 =	vmov s20  }
0x10f: {  	v2 =	vand.u32 $0x3FD, v2  }
0x110: {  	v2 =	vadd.s32 v0, v2;
	_ =	sdelay $0x2  }
0x111: {  	s17 =	sadd.s32 $0x40, s17  }
0x112: {  	s20 =	sadd.s32 $0xFFFFFFFF, s18;
	[tilespmem:s17+$0xFFFFFFE0] =	vst v1  }
0x113: {  	v1 =	vld.idx.msk [tilespmem:v2+s28+$0x0], $0xffff;
	v2 =	vmov s20  }
0x114: {  	v2 =	vand.u32 $0x3FE, v2  }
0x115: {  	v2 =	vadd.s32 v0, v2;
	_ =	sdelay $0x3  }
0x116: {  	[tilespmem:s17+$0xFFFFFFF0] =	vst v1  }
0x117: {  	v1 =	vmov s18;
	s18 =	smov.u32 s19;
	v2 =	vld.idx.msk [tilespmem:v2+s28+$0x0], $0xffff  }
0x118: {  	v1 =	vand.u32 $0x3FF, v1  }
.Ltmp2:
0x119: {  	v1 =	vadd.s32 v0, v1;
	(pc) =	sbr.rel @p0 .LBB2_6-.Ltmp2, $2  }
0x11a: {  	_ =	sdelay $0x2  }
0x11b: {  	s19 =	sadd.s32 $0x4, s19;
	s20 =	sadd.s32 $0xFFFFFFFD, s18;
	[tilespmem:s17+$0x0] =	vst v2  }
0x11c: {  	_ =	sdelay $0x2  }
0x11d: {  	v2 =	vmov s20  }
0x11e: {  	v1 =	vld.idx.msk [tilespmem:v1+s28+$0x0], $0xffff;
	v2 =	vand.u32 $0x3FC, v2  }
0x11f: {  	v2 =	vadd.s32 v0, v2;
	_ =	sdelay $0x2  }
0x120: {  	s19 =	sadd.s32 $0xFFFFFFFE, s18  }
0x121: {  	[tilespmem:s17+$0x10] =	vst v1;
	v1 =	vmov s19  }
0x122: {  	v1 =	vand.u32 $0x3FD, v1;
	v2 =	vld.idx.msk [tilespmem:v2+s28+$0x0], $0xffff  }
0x123: {  	v1 =	vadd.s32 v0, v1;
	_ =	sdelay $0x2  }
0x124: {  	s20 =	sadd.s32 $0xFFFFFFFF, s18;
	s17 =	sadd.s32 $0x40, s17  }
0x125: {  	[tilespmem:s17+$0xFFFFFFE0] =	vst v2;
	v2 =	vmov s20  }
0x126: {  	v1 =	vld.idx.msk [tilespmem:v1+s28+$0x0], $0xffff;
	v2 =	vand.u32 $0x3FE, v2  }
0x127: {  	v2 =	vadd.s32 v0, v2;
	_ =	sdelay $0x3  }
0x128: {  	[tilespmem:s17+$0xFFFFFFF0] =	vst v1;
	v1 =	vmov s18  }
0x129: {  	v2 =	vld.idx.msk [tilespmem:v2+s28+$0x0], $0xffff;
	v1 =	vand.u32 $0x3FF, v1  }
0x12a: {  	v1 =	vadd.s32 v0, v1;
	_ =	sdelay $0x3  }
0x12b: {  	[tilespmem:s17+$0x0] =	vst v2  }
0x12c: {  	v1 =	vld.idx.msk [tilespmem:v1+s28+$0x0], $0xffff;
	_ =	sdelay $0x4  }
0x12d: {  	s19 =	rddreg [dreg:$0xc];
	s18 =	simm.s32 $0x3;
	[tilespmem:s17+$0x10] =	vst v1  }
0x12e: {  	[hbm4b:s19+s2] =	stream.linear.scatter [tilespmem:s4], [sflag:$0x3], $0x3E80, $0x38;
	[tilespmem:$0x18B00] =	vst v63  }
0x12f: {  	_ =	swait.ge [sflag:s18], $0x3E80  }
0x130: {  	[sflag:s18] =	ssyncset.done $0x0  }
0x131: {  	[sflag:s18] =	ssyncadd.s32 $0xFFFFC180  }
0x132: {  	_ =	swait.ge [sflag:s5], $0xFA0  }
0x133: {  	[sflag:s5] =	ssyncset.done $0x0  }
0x134: {  	[sflag:s5] =	ssyncadd.s32 $0xFFFFF060  }
0x135: {  	_ =	swait.ge [sflag:s5], $0xFA0  }
0x136: {  	[sflag:s5] =	ssyncset.done $0x0  }
0x137: {  	[sflag:s5] =	ssyncadd.s32 $0xFFFFF060  }
0x138: {  	_ =	swait.ge [sflag:s5], $0xFA0  }
0x139: {  	[sflag:s5] =	ssyncset.done $0x0  }
0x13a: {  	[sflag:s5] =	ssyncadd.s32 $0xFFFFF060  }
0x13b: {  	_ =	swait.ge [sflag:s5], $0xFA0  }
0x13c: {  	[sflag:s5] =	ssyncset.done $0x0  }
0x13d: {  	[sflag:s5] =	ssyncadd.s32 $0xFFFFF060  }
0x13e: {  	_ =	swait.ge [sflag:s5], $0xFA0  }
0x13f: {  	[sflag:s5] =	ssyncset.done $0x0  }
0x140: {  	[sflag:s5] =	ssyncadd.s32 $0xFFFFF060  }
0x141: {  	_ =	swait.ge [sflag:s5], $0xFA0  }
0x142: {  	[sflag:s5] =	ssyncset.done $0x0  }
0x143: {  	[sflag:s5] =	ssyncadd.s32 $0xFFFFF060  }
0x144: {  	_ =	swait.ge [sflag:s5], $0xFA0  }
0x145: {  	[sflag:s5] =	ssyncset.done $0x0  }
0x146: {  	[sflag:s5] =	ssyncadd.s32 $0xFFFFF060  }
0x147: {  	_ =	swait.ge [sflag:s5], $0xFA0  }
0x148: {  	[sflag:s5] =	ssyncset.done $0x0  }
0x149: {  	s20 =	rddreg [dreg:$0xd];
	[sflag:s5] =	ssyncadd.s32 $0xFFFFF060  }
0x14a: {  	[hbm4b:s20+s2] =	stream.linear.scatter [tilespmem:s22], [sflag:$0x2], $0x7D00, $0x38;
	[tilespmem:$0x18B00] =	vst v63  }
0x14b: {  	_ =	swait.ge [sflag:s14], $0x7D00  }
0x14c: {  	[sflag:s14] =	ssyncset.done $0x0  }
0x14d: {  	s19 =	simm.s32 $0xC00;
	[sflag:s14] =	ssyncadd.s32 $0xFFFF8300  }
0x14e: {  	[tilespmem:s6], [sflag:$0x1] =	stream.indirect.gather [hbm4b:s3+s21], $0x20, s19, s21, $0xb8;
	[tilespmem:$0x18B00] =	vst v63  }
0x14f: {  	s20 =	simm.s32 $0xC80  }
0x150: {  	[tilespmem:s7], [sflag:$0x1] =	stream.indirect.gather [hbm4b:s3+s21], $0x20, s20, s21, $0xb8;
	[tilespmem:$0x18B00] =	vst v63  }
0x151: {  	s19 =	simm.s32 $0xD00  }
0x152: {  	[tilespmem:s8], [sflag:$0x1] =	stream.indirect.gather [hbm4b:s3+s21], $0x20, s19, s21, $0xb8;
	[tilespmem:$0x18B00] =	vst v63  }
0x153: {  	s20 =	simm.s32 $0xD80  }
0x154: {  	[tilespmem:s9], [sflag:$0x1] =	stream.indirect.gather [hbm4b:s3+s21], $0x20, s20, s21, $0xb8;
	[tilespmem:$0x18B00] =	vst v63  }
0x155: {  	s19 =	simm.s32 $0xE00  }
0x156: {  	[tilespmem:s10], [sflag:$0x1] =	stream.indirect.gather [hbm4b:s3+s21], $0x20, s19, s21, $0xb8;
	[tilespmem:$0x18B00] =	vst v63  }
0x157: {  	s20 =	simm.s32 $0xE80  }
0x158: {  	[tilespmem:s11], [sflag:$0x1] =	stream.indirect.gather [hbm4b:s3+s21], $0x20, s20, s21, $0xb8;
	[tilespmem:$0x18B00] =	vst v63  }
0x159: {  	s19 =	simm.s32 $0xF00;
	s20 =	simm.s32 $0x0  }
0x15a: {  	[tilespmem:s12], [sflag:$0x1] =	stream.indirect.gather [hbm4b:s3+s21], $0x20, s19, s21, $0xb8;
	[tilespmem:$0x18B00] =	vst v63  }
0x15b: {  	v1 =	vmov s20;
	s19 =	simm.s32 $0xF80  }
0x15c: {  	v1 =	vand.u32 $0x3FC, v1;
	[tilespmem:s13], [sflag:$0x1] =	stream.indirect.gather [hbm4b:s3+s21], $0x20, s19, s21, $0xb8;
	[tilespmem:$0x18B00] =	vst v63  }
0x15d: {  	s20 =	rddreg [dreg:$0xe];
	v1 =	vadd.s32 v0, v1  }
0x15e: {  	[tilespmem:s28], [sflag:$0x3] =	stream.strided.gather [hbm4b:s20+s1], $0x3E80, s23, s1, $0x38;
	[tilespmem:$0x18B00] =	vst v63  }
0x15f: {  	_ =	swait.ge [sflag:s18], $0x3E80  }
0x160: {  	s19 =	simm.s32 $0x1;
	[sflag:s18] =	ssyncset.done $0x0  }
0x161: {  	v2 =	vmov s19;
	[sflag:s18] =	ssyncadd.s32 $0xFFFFC180  }
0x162: {  	v2 =	vand.u32 $0x3FD, v2;
	v1 =	vld.idx.msk [tilespmem:v1+s28+$0x0], $0xffff  }
0x163: {  	v2 =	vadd.s32 v0, v2;
	_ =	sdelay $0x2  }
0x164: {  	s17 =	simm.s32 $0x14CA0;
	s20 =	simm.s32 $0x2  }
0x165: {  	[tilespmem:s17+$0xFFFFFFE0] =	vst v1;
	v1 =	vmov s20  }
0x166: {  	v2 =	vld.idx.msk [tilespmem:v2+s28+$0x0], $0xffff;
	v1 =	vand.u32 $0x3FE, v1  }
0x167: {  	v1 =	vadd.s32 v0, v1;
	_ =	sdelay $0x3  }
0x168: {  	[tilespmem:s17+$0xFFFFFFF0] =	vst v2  }
0x169: {  	v2 =	vld.idx.msk [tilespmem:v1+s28+$0x0], $0xffff;
	v1 =	vmov s18  }
0x16a: {  	v1 =	vand.u32 $0x3FF, v1  }
0x16b: {  	v1 =	vadd.s32 v0, v1;
	_ =	sdelay $0x3  }
0x16c: {  	s19 =	simm.s32 $0xB;
	s20 =	simm.s32 $0x4;
	s18 =	simm.s32 $0x7;
	[tilespmem:s17+$0x0] =	vst v2  }
.LBB2_8:
0x16d: {  	p0 =	sne.s32 s19, $0x3E7;
	v2 =	vmov s20;
	v1 =	vld.idx.msk [tilespmem:v1+s28+$0x0], $0xffff  }
0x16e: {  	v2 =	vand.u32 $0x3FC, v2  }
0x16f: {  	v2 =	vadd.s32 v0, v2;
	_ =	sdelay $0x3  }
0x170: {  	s20 =	sadd.s32 $0xFFFFFFFE, s18;
	[tilespmem:s17+$0x10] =	vst v1  }
0x171: {  	v1 =	vld.idx.msk [tilespmem:v2+s28+$0x0], $0xffff;
	v2 =	vmov s20  }
0x172: {  	v2 =	vand.u32 $0x3FD, v2  }
0x173: {  	v2 =	vadd.s32 v0, v2;
	_ =	sdelay $0x2  }
0x174: {  	s17 =	sadd.s32 $0x40, s17  }
0x175: {  	s20 =	sadd.s32 $0xFFFFFFFF, s18;
	[tilespmem:s17+$0xFFFFFFE0] =	vst v1  }
0x176: {  	v1 =	vld.idx.msk [tilespmem:v2+s28+$0x0], $0xffff;
	v2 =	vmov s20  }
0x177: {  	v2 =	vand.u32 $0x3FE, v2  }
0x178: {  	v2 =	vadd.s32 v0, v2;
	_ =	sdelay $0x3  }
0x179: {  	[tilespmem:s17+$0xFFFFFFF0] =	vst v1  }
0x17a: {  	v1 =	vmov s18;
	s18 =	smov.u32 s19;
	v2 =	vld.idx.msk [tilespmem:v2+s28+$0x0], $0xffff  }
0x17b: {  	v1 =	vand.u32 $0x3FF, v1  }
.Ltmp3:
0x17c: {  	v1 =	vadd.s32 v0, v1;
	(pc) =	sbr.rel @p0 .LBB2_8-.Ltmp3, $2  }
0x17d: {  	_ =	sdelay $0x2  }
0x17e: {  	s19 =	sadd.s32 $0x4, s19;
	s20 =	sadd.s32 $0xFFFFFFFD, s18;
	[tilespmem:s17+$0x0] =	vst v2  }
0x17f: {  	_ =	sdelay $0x2  }
0x180: {  	v2 =	vmov s20  }
0x181: {  	v1 =	vld.idx.msk [tilespmem:v1+s28+$0x0], $0xffff;
	v2 =	vand.u32 $0x3FC, v2  }
0x182: {  	v2 =	vadd.s32 v0, v2;
	_ =	sdelay $0x2  }
0x183: {  	s19 =	sadd.s32 $0xFFFFFFFE, s18  }
0x184: {  	[tilespmem:s17+$0x10] =	vst v1;
	v1 =	vmov s19  }
0x185: {  	v1 =	vand.u32 $0x3FD, v1;
	v2 =	vld.idx.msk [tilespmem:v2+s28+$0x0], $0xffff  }
0x186: {  	v1 =	vadd.s32 v0, v1;
	_ =	sdelay $0x2  }
0x187: {  	s20 =	sadd.s32 $0xFFFFFFFF, s18;
	s17 =	sadd.s32 $0x40, s17  }
0x188: {  	[tilespmem:s17+$0xFFFFFFE0] =	vst v2;
	v2 =	vmov s20  }
0x189: {  	v1 =	vld.idx.msk [tilespmem:v1+s28+$0x0], $0xffff;
	v2 =	vand.u32 $0x3FE, v2  }
0x18a: {  	v2 =	vadd.s32 v0, v2;
	_ =	sdelay $0x3  }
0x18b: {  	[tilespmem:s17+$0xFFFFFFF0] =	vst v1;
	v1 =	vmov s18  }
0x18c: {  	v2 =	vld.idx.msk [tilespmem:v2+s28+$0x0], $0xffff;
	v1 =	vand.u32 $0x3FF, v1  }
0x18d: {  	v1 =	vadd.s32 v0, v1;
	_ =	sdelay $0x3  }
0x18e: {  	[tilespmem:s17+$0x0] =	vst v2  }
0x18f: {  	v1 =	vld.idx.msk [tilespmem:v1+s28+$0x0], $0xffff;
	_ =	sdelay $0x4  }
0x190: {  	s19 =	rddreg [dreg:$0xf];
	s18 =	simm.s32 $0x3;
	[tilespmem:s17+$0x10] =	vst v1  }
0x191: {  	[hbm4b:s19+s2] =	stream.linear.scatter [tilespmem:s4], [sflag:$0x3], $0x3E80, $0x38;
	[tilespmem:$0x18B00] =	vst v63  }
0x192: {  	_ =	swait.ge [sflag:s18], $0x3E80  }
0x193: {  	[sflag:s18] =	ssyncset.done $0x0  }
0x194: {  	[sflag:s18] =	ssyncadd.s32 $0xFFFFC180  }
0x195: {  	_ =	swait.ge [sflag:s5], $0xFA0  }
0x196: {  	[sflag:s5] =	ssyncset.done $0x0  }
0x197: {  	[sflag:s5] =	ssyncadd.s32 $0xFFFFF060  }
0x198: {  	_ =	swait.ge [sflag:s5], $0xFA0  }
0x199: {  	[sflag:s5] =	ssyncset.done $0x0  }
0x19a: {  	[sflag:s5] =	ssyncadd.s32 $0xFFFFF060  }
0x19b: {  	_ =	swait.ge [sflag:s5], $0xFA0  }
0x19c: {  	[sflag:s5] =	ssyncset.done $0x0  }
0x19d: {  	[sflag:s5] =	ssyncadd.s32 $0xFFFFF060  }
0x19e: {  	_ =	swait.ge [sflag:s5], $0xFA0  }
0x19f: {  	[sflag:s5] =	ssyncset.done $0x0  }
0x1a0: {  	[sflag:s5] =	ssyncadd.s32 $0xFFFFF060  }
0x1a1: {  	_ =	swait.ge [sflag:s5], $0xFA0  }
0x1a2: {  	[sflag:s5] =	ssyncset.done $0x0  }
0x1a3: {  	[sflag:s5] =	ssyncadd.s32 $0xFFFFF060  }
0x1a4: {  	_ =	swait.ge [sflag:s5], $0xFA0  }
0x1a5: {  	[sflag:s5] =	ssyncset.done $0x0  }
0x1a6: {  	[sflag:s5] =	ssyncadd.s32 $0xFFFFF060  }
0x1a7: {  	_ =	swait.ge [sflag:s5], $0xFA0  }
0x1a8: {  	[sflag:s5] =	ssyncset.done $0x0  }
0x1a9: {  	[sflag:s5] =	ssyncadd.s32 $0xFFFFF060  }
0x1aa: {  	_ =	swait.ge [sflag:s5], $0xFA0  }
0x1ab: {  	[sflag:s5] =	ssyncset.done $0x0  }
0x1ac: {  	s20 =	rddreg [dreg:$0x10];
	[sflag:s5] =	ssyncadd.s32 $0xFFFFF060  }
0x1ad: {  	[hbm4b:s20+s2] =	stream.linear.scatter [tilespmem:s6], [sflag:$0x2], $0x7D00, $0x38;
	[tilespmem:$0x18B00] =	vst v63  }
0x1ae: {  	_ =	swait.ge [sflag:s14], $0x7D00  }
0x1af: {  	[sflag:s14] =	ssyncset.done $0x0  }
0x1b0: {  	s19 =	simm.s32 $0x1000;
	[sflag:s14] =	ssyncadd.s32 $0xFFFF8300  }
0x1b1: {  	[tilespmem:s22], [sflag:$0x1] =	stream.indirect.gather [hbm4b:s3+s21], $0x20, s19, s21, $0xb8;
	[tilespmem:$0x18B00] =	vst v63  }
0x1b2: {  	s20 =	simm.s32 $0x1080  }
0x1b3: {  	[tilespmem:s24], [sflag:$0x1] =	stream.indirect.gather [hbm4b:s3+s21], $0x20, s20, s21, $0xb8;
	[tilespmem:$0x18B00] =	vst v63  }
0x1b4: {  	s19 =	simm.s32 $0x1100  }
0x1b5: {  	[tilespmem:s26], [sflag:$0x1] =	stream.indirect.gather [hbm4b:s3+s21], $0x20, s19, s21, $0xb8;
	[tilespmem:$0x18B00] =	vst v63  }
0x1b6: {  	s20 =	simm.s32 $0x1180  }
0x1b7: {  	[tilespmem:s29], [sflag:$0x1] =	stream.indirect.gather [hbm4b:s3+s21], $0x20, s20, s21, $0xb8;
	[tilespmem:$0x18B00] =	vst v63  }
0x1b8: {  	s19 =	simm.s32 $0x1200  }
0x1b9: {  	[tilespmem:s31], [sflag:$0x1] =	stream.indirect.gather [hbm4b:s3+s21], $0x20, s19, s21, $0xb8;
	[tilespmem:$0x18B00] =	vst v63  }
0x1ba: {  	s20 =	simm.s32 $0x1280  }
0x1bb: {  	[tilespmem:s0], [sflag:$0x1] =	stream.indirect.gather [hbm4b:s3+s21], $0x20, s20, s21, $0xb8;
	[tilespmem:$0x18B00] =	vst v63  }
0x1bc: {  	s19 =	simm.s32 $0x1300;
	s20 =	simm.s32 $0x0  }
0x1bd: {  	[tilespmem:s25], [sflag:$0x1] =	stream.indirect.gather [hbm4b:s3+s21], $0x20, s19, s21, $0xb8;
	[tilespmem:$0x18B00] =	vst v63  }
0x1be: {  	v1 =	vmov s20;
	s19 =	simm.s32 $0x1380  }
0x1bf: {  	v1 =	vand.u32 $0x3FC, v1;
	[tilespmem:s30], [sflag:$0x1] =	stream.indirect.gather [hbm4b:s3+s21], $0x20, s19, s21, $0xb8;
	[tilespmem:$0x18B00] =	vst v63  }
0x1c0: {  	s20 =	rddreg [dreg:$0x11];
	v1 =	vadd.s32 v0, v1  }
0x1c1: {  	[tilespmem:s28], [sflag:$0x3] =	stream.strided.gather [hbm4b:s20+s1], $0x3E80, s23, s1, $0x38;
	[tilespmem:$0x18B00] =	vst v63  }
0x1c2: {  	_ =	swait.ge [sflag:s18], $0x3E80  }
0x1c3: {  	s19 =	simm.s32 $0x1;
	[sflag:s18] =	ssyncset.done $0x0  }
0x1c4: {  	v2 =	vmov s19;
	[sflag:s18] =	ssyncadd.s32 $0xFFFFC180  }
0x1c5: {  	v2 =	vand.u32 $0x3FD, v2;
	v1 =	vld.idx.msk [tilespmem:v1+s28+$0x0], $0xffff  }
0x1c6: {  	v2 =	vadd.s32 v0, v2;
	_ =	sdelay $0x2  }
0x1c7: {  	s17 =	simm.s32 $0x14CA0;
	s20 =	simm.s32 $0x2  }
0x1c8: {  	[tilespmem:s17+$0xFFFFFFE0] =	vst v1;
	v1 =	vmov s20  }
0x1c9: {  	v2 =	vld.idx.msk [tilespmem:v2+s28+$0x0], $0xffff;
	v1 =	vand.u32 $0x3FE, v1  }
0x1ca: {  	v1 =	vadd.s32 v0, v1;
	_ =	sdelay $0x3  }
0x1cb: {  	[tilespmem:s17+$0xFFFFFFF0] =	vst v2  }
0x1cc: {  	v2 =	vld.idx.msk [tilespmem:v1+s28+$0x0], $0xffff;
	v1 =	vmov s18  }
0x1cd: {  	v1 =	vand.u32 $0x3FF, v1  }
0x1ce: {  	v1 =	vadd.s32 v0, v1;
	_ =	sdelay $0x3  }
0x1cf: {  	s19 =	simm.s32 $0xB;
	s20 =	simm.s32 $0x4;
	s18 =	simm.s32 $0x7;
	[tilespmem:s17+$0x0] =	vst v2  }
.LBB2_10:
0x1d0: {  	p0 =	sne.s32 s19, $0x3E7;
	v2 =	vmov s20;
	v1 =	vld.idx.msk [tilespmem:v1+s28+$0x0], $0xffff  }
0x1d1: {  	v2 =	vand.u32 $0x3FC, v2  }
0x1d2: {  	v2 =	vadd.s32 v0, v2;
	_ =	sdelay $0x3  }
0x1d3: {  	s20 =	sadd.s32 $0xFFFFFFFE, s18;
	[tilespmem:s17+$0x10] =	vst v1  }
0x1d4: {  	v1 =	vld.idx.msk [tilespmem:v2+s28+$0x0], $0xffff;
	v2 =	vmov s20  }
0x1d5: {  	v2 =	vand.u32 $0x3FD, v2  }
0x1d6: {  	v2 =	vadd.s32 v0, v2;
	_ =	sdelay $0x2  }
0x1d7: {  	s17 =	sadd.s32 $0x40, s17  }
0x1d8: {  	s20 =	sadd.s32 $0xFFFFFFFF, s18;
	[tilespmem:s17+$0xFFFFFFE0] =	vst v1  }
0x1d9: {  	v1 =	vld.idx.msk [tilespmem:v2+s28+$0x0], $0xffff;
	v2 =	vmov s20  }
0x1da: {  	v2 =	vand.u32 $0x3FE, v2  }
0x1db: {  	v2 =	vadd.s32 v0, v2;
	_ =	sdelay $0x3  }
0x1dc: {  	[tilespmem:s17+$0xFFFFFFF0] =	vst v1  }
0x1dd: {  	v1 =	vmov s18;
	s18 =	smov.u32 s19;
	v2 =	vld.idx.msk [tilespmem:v2+s28+$0x0], $0xffff  }
0x1de: {  	v1 =	vand.u32 $0x3FF, v1  }
.Ltmp4:
0x1df: {  	v1 =	vadd.s32 v0, v1;
	(pc) =	sbr.rel @p0 .LBB2_10-.Ltmp4, $2  }
0x1e0: {  	_ =	sdelay $0x2  }
0x1e1: {  	s19 =	sadd.s32 $0x4, s19;
	s20 =	sadd.s32 $0xFFFFFFFD, s18;
	[tilespmem:s17+$0x0] =	vst v2  }
0x1e2: {  	_ =	sdelay $0x2  }
0x1e3: {  	v2 =	vmov s20  }
0x1e4: {  	v1 =	vld.idx.msk [tilespmem:v1+s28+$0x0], $0xffff;
	v2 =	vand.u32 $0x3FC, v2  }
0x1e5: {  	v2 =	vadd.s32 v0, v2;
	_ =	sdelay $0x2  }
0x1e6: {  	s19 =	sadd.s32 $0xFFFFFFFE, s18  }
0x1e7: {  	[tilespmem:s17+$0x10] =	vst v1;
	v1 =	vmov s19  }
0x1e8: {  	v1 =	vand.u32 $0x3FD, v1;
	v2 =	vld.idx.msk [tilespmem:v2+s28+$0x0], $0xffff  }
0x1e9: {  	v1 =	vadd.s32 v0, v1;
	_ =	sdelay $0x2  }
0x1ea: {  	s20 =	sadd.s32 $0xFFFFFFFF, s18;
	s17 =	sadd.s32 $0x40, s17  }
0x1eb: {  	[tilespmem:s17+$0xFFFFFFE0] =	vst v2;
	v2 =	vmov s20  }
0x1ec: {  	v1 =	vld.idx.msk [tilespmem:v1+s28+$0x0], $0xffff;
	v2 =	vand.u32 $0x3FE, v2  }
0x1ed: {  	v2 =	vadd.s32 v0, v2;
	_ =	sdelay $0x3  }
0x1ee: {  	[tilespmem:s17+$0xFFFFFFF0] =	vst v1;
	v1 =	vmov s18  }
0x1ef: {  	v2 =	vld.idx.msk [tilespmem:v2+s28+$0x0], $0xffff;
	v1 =	vand.u32 $0x3FF, v1  }
0x1f0: {  	v1 =	vadd.s32 v0, v1;
	_ =	sdelay $0x3  }
0x1f1: {  	[tilespmem:s17+$0x0] =	vst v2  }
0x1f2: {  	v1 =	vld.idx.msk [tilespmem:v1+s28+$0x0], $0xffff;
	_ =	sdelay $0x4  }
0x1f3: {  	s18 =	rddreg [dreg:$0x12];
	[tilespmem:s17+$0x10] =	vst v1  }
0x1f4: {  	[hbm4b:s18+s2] =	stream.linear.scatter [tilespmem:s4], [sflag:$0x3], $0x3E80, $0x38;
	[tilespmem:$0x18B00] =	vst v63  }
0x1f5: {  	_ =	swait.ge [sflag:s15], $0x3E80  }
0x1f6: {  	[sflag:s15] =	ssyncset.done $0x0  }
0x1f7: {  	[sflag:s15] =	ssyncadd.s32 $0xFFFFC180  }
0x1f8: {  	_ =	swait.ge [sflag:s5], $0xFA0  }
0x1f9: {  	[sflag:s5] =	ssyncset.done $0x0  }
0x1fa: {  	[sflag:s5] =	ssyncadd.s32 $0xFFFFF060  }
0x1fb: {  	_ =	swait.ge [sflag:s5], $0xFA0  }
0x1fc: {  	[sflag:s5] =	ssyncset.done $0x0  }
0x1fd: {  	[sflag:s5] =	ssyncadd.s32 $0xFFFFF060  }
0x1fe: {  	_ =	swait.ge [sflag:s5], $0xFA0  }
0x1ff: {  	[sflag:s5] =	ssyncset.done $0x0  }
0x200: {  	[sflag:s5] =	ssyncadd.s32 $0xFFFFF060  }
0x201: {  	_ =	swait.ge [sflag:s5], $0xFA0  }
0x202: {  	[sflag:s5] =	ssyncset.done $0x0  }
0x203: {  	[sflag:s5] =	ssyncadd.s32 $0xFFFFF060  }
0x204: {  	_ =	swait.ge [sflag:s5], $0xFA0  }
0x205: {  	[sflag:s5] =	ssyncset.done $0x0  }
0x206: {  	[sflag:s5] =	ssyncadd.s32 $0xFFFFF060  }
0x207: {  	_ =	swait.ge [sflag:s5], $0xFA0  }
0x208: {  	[sflag:s5] =	ssyncset.done $0x0  }
0x209: {  	[sflag:s5] =	ssyncadd.s32 $0xFFFFF060  }
0x20a: {  	_ =	swait.ge [sflag:s5], $0xFA0  }
0x20b: {  	[sflag:s5] =	ssyncset.done $0x0  }
0x20c: {  	[sflag:s5] =	ssyncadd.s32 $0xFFFFF060  }
0x20d: {  	_ =	swait.ge [sflag:s5], $0xFA0  }
0x20e: {  	[sflag:s5] =	ssyncset.done $0x0  }
0x20f: {  	s19 =	rddreg [dreg:$0x13];
	[sflag:s5] =	ssyncadd.s32 $0xFFFFF060  }
0x210: {  	[hbm4b:s19+s2] =	stream.linear.scatter [tilespmem:s22], [sflag:$0x2], $0x7D00, $0x38;
	[tilespmem:$0x18B00] =	vst v63  }
0x211: {  	_ =	swait.ge [sflag:s14], $0x7D00  }
0x212: {  	[sflag:s14] =	ssyncset.done $0x0  }
0x213: {  	[sflag:s14] =	ssyncadd.s32 $0xFFFF8300  }
0x214: {  	_ =	swait.ge [sflag:s14], $0x7D00  }
0x215: {  	s16 =	sadd.s32 $0x1, s16;
	s20 =	rddreg [dreg:$0x14]  }
0x216: {  	p0 =	sne.s32 s16, s20  }
.Ltmp5:
0x217: {  	_ = 	snop;
	(pc) =	sbr.rel @p0 .LBB2_1-.Ltmp5, $3  }
0x218: {  	_ =	sdelay $0x1  }
0x219: {  	[sflag:s14] =	ssyncset.done $0x0  }
0x21a: {  	[sflag:s14] =	ssyncadd.s32 $0xFFFF8300  }
0x21b: {  	_ =	sfence.sel $0x180000  }
0x21c: {  	[bflag:$0x0] =	sbarrier.arrive $0xFFFF  }
0x21d: {  	_ =	strace $0x90000047  }
0x21e: {  	s0 =	stileid.u32;
	[bflag:$0x2] =	sbarrier.arrive $0xFFFF  }
0x21f: {  	p0 =	sne.s32 s0, $0x0;
	s0 =	rddreg [dreg:$0x3]  }
0x220: {  	s0 =	sadd.s32 @!p0 $0x100000, s0  }
0x221: {  	[sflag:s0] =	ssyncadd.tile.s32 @!p0 $0x1;
	_ =	shalt  }
.Lfunc_end2:
_tile_overlayer_lowered:
.L_overlay_start_2:
0x222: {  	(tag) =	ssettag $0x2  }
0x223: {  	s0 =	rddreg [dreg:$0x0];
	s2 =	stileid.u32  }
0x224: {  	s1 =	rddreg [dreg:$0x1];
	p0 =	sne.s32 s2, $0x0  }
0x225: {  	s3 =	rddreg [dreg:$0x2];
	[bflag:$0x3] =	sbarrier.arrive $0xFFFF;
	s2 =	simm.s32 @!p0 $0x1C03  }
0x226: {  	[timem:s3], [sflag:s2] =	dma.local @!p0 [hbm:s0], s1  }
0x227: {  	s0 =	simm.s32 @!p0 $0x3  }
0x228: {  	_ =	swait.ge @!p0 [sflag:s0], s1  }
0x229: {  	s1 =	ssub.s32 @!p0 $0x0, s1;
	[sflag:s0] =	ssyncset.done @!p0 $0x0  }
0x22a: {  	[sflag:s0] =	ssyncadd.s32 @!p0 s1  }
0x22b: {  	[bflag:$0x3] =	sbarrier.arrive $0xFFFF  }
0x22c: {  	_ =	shalt  }

</sc_bundles>
